<compile_context>
chip_gen: v7x
topology: tpu7x:2x2x1
jax: 0.10.2.dev20260603
libtpu: 0.0.44.dev20260713+nightly
codegen_flags: <defaults>
</compile_context>

<pallas_src>
import functools

import jax
import jax.numpy as jnp
from jax import lax
from jax.experimental import pallas as pl
from jax.experimental.pallas import tpu as pltpu
from jax.experimental.pallas import tpu_sc as plsc

_B = 4096
_L = 50
_EMBED_DIM = 64
_MASK_DIM = 16
_OUT_DIM = _EMBED_DIM + _MASK_DIM

_N = _B * _L
_NW = 32
_PER_W = _N // _NW
_C = 128
_CHUNKS = _PER_W // _C
_NBUF = 5
_D = 2
_T = _CHUNKS // _NBUF

_mesh = plsc.VectorSubcoreMesh(core_axis_name="c", subcore_axis_name="s")


@functools.partial(
    pl.kernel,
    mesh=_mesh,
    out_type=jax.ShapeDtypeStruct((_N, _OUT_DIM), jnp.float32),
    scratch_types=[
        pltpu.VMEM((_CHUNKS, _C), jnp.int32),
        pltpu.VMEM((_CHUNKS, _C), jnp.int32),
        pltpu.VMEM((2, _MASK_DIM), jnp.float32),
        pltpu.VMEM((_NBUF, _C, _EMBED_DIM), jnp.float32),
        pltpu.VMEM((_NBUF, _C, _MASK_DIM), jnp.float32),
    ]
    + [pltpu.SemaphoreType.DMA] * (3 * _NBUF),
    compiler_params=pltpu.CompilerParams(use_tc_tiling_on_sc=False),
)
def _embed_cat(sent_hbm, mask_hbm, word_hbm, mtab_hbm, out_hbm,
               sidx, midx, mtab, wbuf, mbuf, *sems):
    gsem = sems[:_NBUF]
    wsem = sems[_NBUF:2 * _NBUF]
    msem = sems[2 * _NBUF:]
    wid = lax.axis_index("s") * 2 + lax.axis_index("c")
    wbase = wid * _PER_W

    pltpu.sync_copy(sent_hbm.at[wid], sidx)
    pltpu.sync_copy(mask_hbm.at[wid], midx)
    pltpu.sync_copy(mtab_hbm, mtab)

    def fire_gather(c, s):
        pltpu.async_copy(word_hbm.at[sidx.at[c]], wbuf.at[s], gsem[s])

    def wait_gather(s):
        pltpu.make_async_copy(word_hbm.at[sidx.at[0]], wbuf.at[s],
                              gsem[s]).wait()

    def mask_fill(c, s):
        t0 = mtab[0, :]
        t1 = mtab[1, :]

        def body(v, carry):
            mv = midx[c, pl.ds(v * 16, 16)]
            base = v * 16
            for j in range(16):
                mbuf[s, base + j, :] = jnp.where(mv[j] == 0, t0, t1)
            return carry

        lax.fori_loop(0, _C // 16, body, 0)

    def fire_write(c, s):
        rows = pl.ds(wbase + c * _C, _C)
        pltpu.async_copy(wbuf.at[s], out_hbm.at[rows, pl.ds(0, _EMBED_DIM)],
                         wsem[s])
        pltpu.async_copy(mbuf.at[s],
                         out_hbm.at[rows, pl.ds(_EMBED_DIM, _MASK_DIM)],
                         msem[s])

    def wait_write(s):
        rows = pl.ds(wbase, _C)
        pltpu.make_async_copy(wbuf.at[s],
                              out_hbm.at[rows, pl.ds(0, _EMBED_DIM)],
                              wsem[s]).wait()
        pltpu.make_async_copy(mbuf.at[s],
                              out_hbm.at[rows, pl.ds(_EMBED_DIM, _MASK_DIM)],
                              msem[s]).wait()

    for c in range(_D):
        fire_gather(c, c)

    def body(t, carry):
        for j in range(_NBUF):
            c = t * _NBUF + j
            sn = (j + _D) % _NBUF

            if j < _NBUF - _D:
                @pl.when(t > 0)
                def _():
                    wait_write(sn)

                fire_gather(c + _D, sn)
            else:
                wait_write(sn)

                @pl.when(t < _T - 1)
                def _():
                    fire_gather(c + _D, sn)

            mask_fill(c, j)
            wait_gather(j)
            fire_write(c, j)
        return carry

    lax.fori_loop(0, _T, body, 0)

    for s in range(_D, _NBUF):
        wait_write(s)


def kernel(sent, mask, word_table, mask_table):
    s = sent.reshape(_NW, _CHUNKS, _C).astype(jnp.int32)
    m = mask.reshape(_NW, _CHUNKS, _C).astype(jnp.int32)
    out = _embed_cat(s, m, word_table, mask_table)
    return out.reshape(_B, _L, _OUT_DIM)

# --- scband reference (transcript-rebuilt; emitter-appended) ---
"""Pipeline reference for scband-simple-cat-20151986553286 (READ-ONLY COPY).

The authoritative reference and input builder live on the scoring server;
editing this copy changes nothing except your own understanding.
"""

import jax, jax.numpy as jnp
import numpy as np

EMBED_NUM = 1000000
EMBED_DIM = 64
MASK_DIM = 16
B = 4096
L = 50


def setup_inputs(seed: int = 0) -> dict:
    key = jax.random.key(seed)
    k1, k2, k3, k4 = jax.random.split(key, 4)
    sent = jax.random.randint(k1, (B, L), 0, EMBED_NUM)
    mask = jax.random.randint(k2, (B, L), 0, 2)
    word_table = jax.random.normal(k3, (EMBED_NUM, EMBED_DIM), dtype=jnp.float32) * 0.02
    mask_table = jax.random.normal(k4, (2, MASK_DIM), dtype=jnp.float32) * 0.02
    return {"sent": sent, "mask": mask, "word_table": word_table, "mask_table": mask_table}


def reference(sent, mask, word_table, mask_table):
    # sent_vec = self.word_embed(sent)
    sent_vec = jnp.take(word_table, sent, axis=0)          # [B, L, EMBED_DIM]
    # mask_vec = self.mask_embed(mask)
    mask_vec = jnp.take(mask_table, mask, axis=0)          # [B, L, MASK_DIM]
    # dropout with p=0.0 (eval / config.dropout=0.0) is the identity
    sent_vec = jnp.concatenate([sent_vec, mask_vec], axis=2)  # [B, L, EMBED_DIM+MASK_DIM]
    return sent_vec

if __name__ == "__main__":
    import jax
    _d = setup_inputs()
    print(jax.jit(kernel)(*tuple(_d.values())))

</pallas_src>

<mosaic_0001>
#map = affine_map<(d0, d1) -> (0, 0, 0)>
#map1 = affine_map<(d0, d1) -> (0, 0)>
module attributes {stable_mosaic.version = 14 : i64} {
  func.func @_embed_cat(%arg0: i32, %arg1: i32, %arg2: memref<32x50x128xi32, #tpu.memory_space<hbm>>, %arg3: memref<32x50x128xi32, #tpu.memory_space<hbm>>, %arg4: memref<1000000x64xf32, #tpu.memory_space<hbm>>, %arg5: memref<2x16xf32, #tpu.memory_space<hbm>>, %arg6: memref<204800x80xf32, #tpu.memory_space<hbm>>, %arg7: memref<50x128xi32, #tpu.memory_space<vmem>>, %arg8: memref<50x128xi32, #tpu.memory_space<vmem>>, %arg9: memref<2x16xf32, #tpu.memory_space<vmem>>, %arg10: memref<5x128x64xf32, #tpu.memory_space<vmem>>, %arg11: memref<5x128x16xf32, #tpu.memory_space<vmem>>, %arg12: memref<!tpu.dma_semaphore, #tpu.memory_space<semaphore_mem>>, %arg13: memref<!tpu.dma_semaphore, #tpu.memory_space<semaphore_mem>>, %arg14: memref<!tpu.dma_semaphore, #tpu.memory_space<semaphore_mem>>, %arg15: memref<!tpu.dma_semaphore, #tpu.memory_space<semaphore_mem>>, %arg16: memref<!tpu.dma_semaphore, #tpu.memory_space<semaphore_mem>>, %arg17: memref<!tpu.dma_semaphore, #tpu.memory_space<semaphore_mem>>, %arg18: memref<!tpu.dma_semaphore, #tpu.memory_space<semaphore_mem>>, %arg19: memref<!tpu.dma_semaphore, #tpu.memory_space<semaphore_mem>>, %arg20: memref<!tpu.dma_semaphore, #tpu.memory_space<semaphore_mem>>, %arg21: memref<!tpu.dma_semaphore, #tpu.memory_space<semaphore_mem>>, %arg22: memref<!tpu.dma_semaphore, #tpu.memory_space<semaphore_mem>>, %arg23: memref<!tpu.dma_semaphore, #tpu.memory_space<semaphore_mem>>, %arg24: memref<!tpu.dma_semaphore, #tpu.memory_space<semaphore_mem>>, %arg25: memref<!tpu.dma_semaphore, #tpu.memory_space<semaphore_mem>>, %arg26: memref<!tpu.dma_semaphore, #tpu.memory_space<semaphore_mem>>) attributes {dimension_semantics = [#tpu.dimension_semantics<core_parallel>, #tpu.dimension_semantics<subcore_parallel>], iteration_bounds = array<i64: 2, 16>, scalar_prefetch = 0 : i64, scratch_operands = 20 : i64, tpu.core_type = #tpu.core_type<sc_vector_subcore>, window_params = [{transform_indices = #map}, {transform_indices = #map}, {transform_indices = #map1}, {transform_indices = #map1}, {transform_indices = #map1}]} {
    %mul3A = arith.constant 2 : i32
    %mul3A_0 = arith.muli %arg1, %mul3A : i32
    %add3A = arith.addi %mul3A_0, %arg0 : i32
    %mul3A_1 = arith.constant 6400 : i32
    %mul3A_2 = arith.muli %add3A, %mul3A_1 : i32
    "tpu.region"() ({
      %run_scoped3A = tpu.sem_alloc : memref<!tpu.dma_semaphore, #tpu.memory_space<semaphore_mem>>
      %dma_start3A_108 = arith.constant 0 : i32
      %dma_start3A_109 = arith.constant 0 : i32
      %dma_start3A_110 = tpu.memref_slice %arg2[%add3A, %dma_start3A_108, %dma_start3A_109] : memref<32x50x128xi32, #tpu.memory_space<hbm>> -> memref<1x50x128xi32, #tpu.memory_space<hbm>>
      %dma_start3A_111 = tpu.memref_squeeze %dma_start3A_110 : memref<1x50x128xi32, #tpu.memory_space<hbm>> -> memref<50x128xi32, #tpu.memory_space<hbm>>
      %dma_start3A_112 = arith.constant 0 : i32
      %dma_start3A_113 = arith.constant 0 : i32
      %dma_start3A_114 = tpu.memref_slice %arg2[%add3A, %dma_start3A_112, %dma_start3A_113] : memref<32x50x128xi32, #tpu.memory_space<hbm>> -> memref<1x50x128xi32, #tpu.memory_space<hbm>>
      %dma_start3A_115 = tpu.memref_squeeze %dma_start3A_114 : memref<1x50x128xi32, #tpu.memory_space<hbm>> -> memref<50x128xi32, #tpu.memory_space<hbm>>
      tpu.enqueue_dma source(%dma_start3A_115 : memref<50x128xi32, #tpu.memory_space<hbm>>) target(%arg7 : memref<50x128xi32, #tpu.memory_space<vmem>>) target_semaphore(%run_scoped3A : memref<!tpu.dma_semaphore, #tpu.memory_space<semaphore_mem>>)
      %dma_wait3A_116 = arith.constant 0 : i32
      %dma_wait3A_117 = arith.constant 0 : i32
      %dma_wait3A_118 = tpu.memref_slice %arg2[%add3A, %dma_wait3A_116, %dma_wait3A_117] : memref<32x50x128xi32, #tpu.memory_space<hbm>> -> memref<1x50x128xi32, #tpu.memory_space<hbm>>
      %dma_wait3A_119 = tpu.memref_squeeze %dma_wait3A_118 : memref<1x50x128xi32, #tpu.memory_space<hbm>> -> memref<50x128xi32, #tpu.memory_space<hbm>>
      %dma_wait3A_120 = arith.constant 0 : i32
      %dma_wait3A_121 = arith.constant 0 : i32
      %dma_wait3A_122 = tpu.memref_slice %arg2[%add3A, %dma_wait3A_120, %dma_wait3A_121] : memref<32x50x128xi32, #tpu.memory_space<hbm>> -> memref<1x50x128xi32, #tpu.memory_space<hbm>>
      %dma_wait3A_123 = tpu.memref_squeeze %dma_wait3A_122 : memref<1x50x128xi32, #tpu.memory_space<hbm>> -> memref<50x128xi32, #tpu.memory_space<hbm>>
      tpu.wait_dma2 semaphore(%run_scoped3A : memref<!tpu.dma_semaphore, #tpu.memory_space<semaphore_mem>>) src(%dma_wait3A_123 : memref<50x128xi32, #tpu.memory_space<hbm>>) dst(%arg7 : memref<50x128xi32, #tpu.memory_space<vmem>>)
      tpu.yield
    }) : () -> ()
    "tpu.region"() ({
      %run_scoped3A = tpu.sem_alloc : memref<!tpu.dma_semaphore, #tpu.memory_space<semaphore_mem>>
      %dma_start3A_108 = arith.constant 0 : i32
      %dma_start3A_109 = arith.constant 0 : i32
      %dma_start3A_110 = tpu.memref_slice %arg3[%add3A, %dma_start3A_108, %dma_start3A_109] : memref<32x50x128xi32, #tpu.memory_space<hbm>> -> memref<1x50x128xi32, #tpu.memory_space<hbm>>
      %dma_start3A_111 = tpu.memref_squeeze %dma_start3A_110 : memref<1x50x128xi32, #tpu.memory_space<hbm>> -> memref<50x128xi32, #tpu.memory_space<hbm>>
      %dma_start3A_112 = arith.constant 0 : i32
      %dma_start3A_113 = arith.constant 0 : i32
      %dma_start3A_114 = tpu.memref_slice %arg3[%add3A, %dma_start3A_112, %dma_start3A_113] : memref<32x50x128xi32, #tpu.memory_space<hbm>> -> memref<1x50x128xi32, #tpu.memory_space<hbm>>
      %dma_start3A_115 = tpu.memref_squeeze %dma_start3A_114 : memref<1x50x128xi32, #tpu.memory_space<hbm>> -> memref<50x128xi32, #tpu.memory_space<hbm>>
      tpu.enqueue_dma source(%dma_start3A_115 : memref<50x128xi32, #tpu.memory_space<hbm>>) target(%arg8 : memref<50x128xi32, #tpu.memory_space<vmem>>) target_semaphore(%run_scoped3A : memref<!tpu.dma_semaphore, #tpu.memory_space<semaphore_mem>>)
      %dma_wait3A_116 = arith.constant 0 : i32
      %dma_wait3A_117 = arith.constant 0 : i32
      %dma_wait3A_118 = tpu.memref_slice %arg3[%add3A, %dma_wait3A_116, %dma_wait3A_117] : memref<32x50x128xi32, #tpu.memory_space<hbm>> -> memref<1x50x128xi32, #tpu.memory_space<hbm>>
      %dma_wait3A_119 = tpu.memref_squeeze %dma_wait3A_118 : memref<1x50x128xi32, #tpu.memory_space<hbm>> -> memref<50x128xi32, #tpu.memory_space<hbm>>
      %dma_wait3A_120 = arith.constant 0 : i32
      %dma_wait3A_121 = arith.constant 0 : i32
      %dma_wait3A_122 = tpu.memref_slice %arg3[%add3A, %dma_wait3A_120, %dma_wait3A_121] : memref<32x50x128xi32, #tpu.memory_space<hbm>> -> memref<1x50x128xi32, #tpu.memory_space<hbm>>
      %dma_wait3A_123 = tpu.memref_squeeze %dma_wait3A_122 : memref<1x50x128xi32, #tpu.memory_space<hbm>> -> memref<50x128xi32, #tpu.memory_space<hbm>>
      tpu.wait_dma2 semaphore(%run_scoped3A : memref<!tpu.dma_semaphore, #tpu.memory_space<semaphore_mem>>) src(%dma_wait3A_123 : memref<50x128xi32, #tpu.memory_space<hbm>>) dst(%arg8 : memref<50x128xi32, #tpu.memory_space<vmem>>)
      tpu.yield
    }) : () -> ()
    "tpu.region"() ({
      %run_scoped3A = tpu.sem_alloc : memref<!tpu.dma_semaphore, #tpu.memory_space<semaphore_mem>>
      tpu.enqueue_dma source(%arg5 : memref<2x16xf32, #tpu.memory_space<hbm>>) target(%arg9 : memref<2x16xf32, #tpu.memory_space<vmem>>) target_semaphore(%run_scoped3A : memref<!tpu.dma_semaphore, #tpu.memory_space<semaphore_mem>>)
      tpu.wait_dma2 semaphore(%run_scoped3A : memref<!tpu.dma_semaphore, #tpu.memory_space<semaphore_mem>>) src(%arg5 : memref<2x16xf32, #tpu.memory_space<hbm>>) dst(%arg9 : memref<2x16xf32, #tpu.memory_space<vmem>>)
      tpu.yield
    }) : () -> ()
    %dma_start3A = arith.constant 0 : i32
    %dma_start3A_3 = arith.constant 0 : i32
    %dma_start3A_4 = arith.constant 0 : i32
    %dma_start3A_5 = arith.constant 0 : i32
    %dma_start3A_6 = tpu.memref_slice %arg10[%dma_start3A_3, %dma_start3A_4, %dma_start3A_5] : memref<5x128x64xf32, #tpu.memory_space<vmem>> -> memref<1x128x64xf32, #tpu.memory_space<vmem>>
    %dma_start3A_7 = tpu.memref_squeeze %dma_start3A_6 : memref<1x128x64xf32, #tpu.memory_space<vmem>> -> memref<128x64xf32, #tpu.memory_space<vmem>>
    %dma_start3A_8 = arith.constant 0 : i32
    %dma_start3A_9 = tpu.memref_slice %arg7[%dma_start3A, %dma_start3A_8] : memref<50x128xi32, #tpu.memory_space<vmem>> -> memref<1x128xi32, #tpu.memory_space<vmem>>
    %dma_start3A_10 = tpu.memref_squeeze %dma_start3A_9 : memref<1x128xi32, #tpu.memory_space<vmem>> -> memref<128xi32, #tpu.memory_space<vmem>>
    %dma_start3A_11 = arith.constant 0 : i32
    %dma_start3A_12 = arith.constant 0 : i32
    %dma_start3A_13 = tpu.memref_slice %arg4[%dma_start3A_11, %dma_start3A_12] : memref<1000000x64xf32, #tpu.memory_space<hbm>> -> memref<1000000x64xf32, #tpu.memory_space<hbm>>
    tpu.enqueue_indirect_dma source(%dma_start3A_13 : memref<1000000x64xf32, #tpu.memory_space<hbm>>) target(%dma_start3A_7 : memref<128x64xf32, #tpu.memory_space<vmem>>) offsets(%dma_start3A_10 : memref<128xi32, #tpu.memory_space<vmem>>) semaphore(%arg12 : memref<!tpu.dma_semaphore, #tpu.memory_space<semaphore_mem>>)
    %dma_start3A_14 = arith.constant 1 : i32
    %dma_start3A_15 = arith.constant 1 : i32
    %dma_start3A_16 = arith.constant 0 : i32
    %dma_start3A_17 = arith.constant 0 : i32
    %dma_start3A_18 = tpu.memref_slice %arg10[%dma_start3A_15, %dma_start3A_16, %dma_start3A_17] : memref<5x128x64xf32, #tpu.memory_space<vmem>> -> memref<1x128x64xf32, #tpu.memory_space<vmem>>
    %dma_start3A_19 = tpu.memref_squeeze %dma_start3A_18 : memref<1x128x64xf32, #tpu.memory_space<vmem>> -> memref<128x64xf32, #tpu.memory_space<vmem>>
    %dma_start3A_20 = arith.constant 0 : i32
    %dma_start3A_21 = tpu.memref_slice %arg7[%dma_start3A_14, %dma_start3A_20] : memref<50x128xi32, #tpu.memory_space<vmem>> -> memref<1x128xi32, #tpu.memory_space<vmem>>
    %dma_start3A_22 = tpu.memref_squeeze %dma_start3A_21 : memref<1x128xi32, #tpu.memory_space<vmem>> -> memref<128xi32, #tpu.memory_space<vmem>>
    %dma_start3A_23 = arith.constant 0 : i32
    %dma_start3A_24 = arith.constant 0 : i32
    %dma_start3A_25 = tpu.memref_slice %arg4[%dma_start3A_23, %dma_start3A_24] : memref<1000000x64xf32, #tpu.memory_space<hbm>> -> memref<1000000x64xf32, #tpu.memory_space<hbm>>
    tpu.enqueue_indirect_dma source(%dma_start3A_25 : memref<1000000x64xf32, #tpu.memory_space<hbm>>) target(%dma_start3A_19 : memref<128x64xf32, #tpu.memory_space<vmem>>) offsets(%dma_start3A_22 : memref<128xi32, #tpu.memory_space<vmem>>) semaphore(%arg13 : memref<!tpu.dma_semaphore, #tpu.memory_space<semaphore_mem>>)
    %scan3A = arith.constant 0 : i32
    %scan3A_26 = arith.constant 0 : i32
    %scan3A_27 = arith.constant 10 : i32
    %scan3A_28 = arith.addi %scan3A_26, %scan3A_27 : i32
    %scan3A_29 = arith.constant 1 : i32
    scf.for %scan3A_108 = %scan3A_26 to %scan3A_28 step %scan3A_29  : i32 {
      %mul3A_109 = arith.constant 5 : i32
      %mul3A_110 = arith.muli %scan3A_108, %mul3A_109 : i32
      %add3A_111 = arith.constant 0 : i32
      %add3A_112 = arith.addi %mul3A_110, %add3A_111 : i32
      %gt3A = arith.constant 0 : i32
      %gt3A_113 = arith.cmpi sgt, %scan3A_108, %gt3A : i32
      %convert_element_type3A = arith.extui %gt3A_113 : i1 to i32
      %cond3A = arith.constant 0 : i32
      %cond3A_114 = arith.cmpi ne, %convert_element_type3A, %cond3A : i32
      scf.if %cond3A_114 {
        %dma_wait3A_525 = arith.constant 2 : i32
        %dma_wait3A_526 = arith.constant 0 : i32
        %dma_wait3A_527 = arith.constant 0 : i32
        %dma_wait3A_528 = tpu.memref_slice %arg10[%dma_wait3A_525, %dma_wait3A_526, %dma_wait3A_527] : memref<5x128x64xf32, #tpu.memory_space<vmem>> -> memref<1x128x64xf32, #tpu.memory_space<vmem>>
        %dma_wait3A_529 = tpu.memref_squeeze %dma_wait3A_528 : memref<1x128x64xf32, #tpu.memory_space<vmem>> -> memref<128x64xf32, #tpu.memory_space<vmem>>
        %dma_wait3A_530 = arith.constant 0 : i32
        %dma_wait3A_531 = tpu.memref_slice %arg6[%mul3A_2, %dma_wait3A_530] : memref<204800x80xf32, #tpu.memory_space<hbm>> -> memref<128x64xf32, #tpu.memory_space<hbm>>
        %dma_wait3A_532 = arith.constant 0 : i32
        %dma_wait3A_533 = tpu.memref_slice %arg6[%mul3A_2, %dma_wait3A_532] : memref<204800x80xf32, #tpu.memory_space<hbm>> -> memref<128x64xf32, #tpu.memory_space<hbm>>
        %dma_wait3A_534 = arith.constant 0 : i32
        %dma_wait3A_535 = arith.constant 0 : i32
        %dma_wait3A_536 = tpu.memref_slice %arg10[%dma_wait3A_525, %dma_wait3A_534, %dma_wait3A_535] : memref<5x128x64xf32, #tpu.memory_space<vmem>> -> memref<1x128x64xf32, #tpu.memory_space<vmem>>
        %dma_wait3A_537 = tpu.memref_squeeze %dma_wait3A_536 : memref<1x128x64xf32, #tpu.memory_space<vmem>> -> memref<128x64xf32, #tpu.memory_space<vmem>>
        tpu.wait_dma2 semaphore(%arg19 : memref<!tpu.dma_semaphore, #tpu.memory_space<semaphore_mem>>) src(%dma_wait3A_537 : memref<128x64xf32, #tpu.memory_space<vmem>>) dst(%dma_wait3A_533 : memref<128x64xf32, #tpu.memory_space<hbm>>)
        %dma_wait3A_538 = arith.constant 2 : i32
        %dma_wait3A_539 = arith.constant 0 : i32
        %dma_wait3A_540 = arith.constant 0 : i32
        %dma_wait3A_541 = tpu.memref_slice %arg11[%dma_wait3A_538, %dma_wait3A_539, %dma_wait3A_540] : memref<5x128x16xf32, #tpu.memory_space<vmem>> -> memref<1x128x16xf32, #tpu.memory_space<vmem>>
        %dma_wait3A_542 = tpu.memref_squeeze %dma_wait3A_541 : memref<1x128x16xf32, #tpu.memory_space<vmem>> -> memref<128x16xf32, #tpu.memory_space<vmem>>
        %dma_wait3A_543 = arith.constant 64 : i32
        %dma_wait3A_544 = tpu.memref_slice %arg6[%mul3A_2, %dma_wait3A_543] : memref<204800x80xf32, #tpu.memory_space<hbm>> -> memref<128x16xf32, #tpu.memory_space<hbm>>
        %dma_wait3A_545 = arith.constant 64 : i32
        %dma_wait3A_546 = tpu.memref_slice %arg6[%mul3A_2, %dma_wait3A_545] : memref<204800x80xf32, #tpu.memory_space<hbm>> -> memref<128x16xf32, #tpu.memory_space<hbm>>
        %dma_wait3A_547 = arith.constant 0 : i32
        %dma_wait3A_548 = arith.constant 0 : i32
        %dma_wait3A_549 = tpu.memref_slice %arg11[%dma_wait3A_538, %dma_wait3A_547, %dma_wait3A_548] : memref<5x128x16xf32, #tpu.memory_space<vmem>> -> memref<1x128x16xf32, #tpu.memory_space<vmem>>
        %dma_wait3A_550 = tpu.memref_squeeze %dma_wait3A_549 : memref<1x128x16xf32, #tpu.memory_space<vmem>> -> memref<128x16xf32, #tpu.memory_space<vmem>>
        tpu.wait_dma2 semaphore(%arg24 : memref<!tpu.dma_semaphore, #tpu.memory_space<semaphore_mem>>) src(%dma_wait3A_550 : memref<128x16xf32, #tpu.memory_space<vmem>>) dst(%dma_wait3A_546 : memref<128x16xf32, #tpu.memory_space<hbm>>)
      } else {
      }
      %add3A_115 = arith.constant 2 : i32
      %add3A_116 = arith.addi %add3A_112, %add3A_115 : i32
      %dma_start3A_117 = arith.constant 2 : i32
      %dma_start3A_118 = arith.constant 0 : i32
      %dma_start3A_119 = arith.constant 0 : i32
      %dma_start3A_120 = tpu.memref_slice %arg10[%dma_start3A_117, %dma_start3A_118, %dma_start3A_119] : memref<5x128x64xf32, #tpu.memory_space<vmem>> -> memref<1x128x64xf32, #tpu.memory_space<vmem>>
      %dma_start3A_121 = tpu.memref_squeeze %dma_start3A_120 : memref<1x128x64xf32, #tpu.memory_space<vmem>> -> memref<128x64xf32, #tpu.memory_space<vmem>>
      %dma_start3A_122 = arith.constant 0 : i32
      %dma_start3A_123 = tpu.memref_slice %arg7[%add3A_116, %dma_start3A_122] : memref<50x128xi32, #tpu.memory_space<vmem>> -> memref<1x128xi32, #tpu.memory_space<vmem>>
      %dma_start3A_124 = tpu.memref_squeeze %dma_start3A_123 : memref<1x128xi32, #tpu.memory_space<vmem>> -> memref<128xi32, #tpu.memory_space<vmem>>
      %dma_start3A_125 = arith.constant 0 : i32
      %dma_start3A_126 = arith.constant 0 : i32
      %dma_start3A_127 = tpu.memref_slice %arg4[%dma_start3A_125, %dma_start3A_126] : memref<1000000x64xf32, #tpu.memory_space<hbm>> -> memref<1000000x64xf32, #tpu.memory_space<hbm>>
      tpu.enqueue_indirect_dma source(%dma_start3A_127 : memref<1000000x64xf32, #tpu.memory_space<hbm>>) target(%dma_start3A_121 : memref<128x64xf32, #tpu.memory_space<vmem>>) offsets(%dma_start3A_124 : memref<128xi32, #tpu.memory_space<vmem>>) semaphore(%arg14 : memref<!tpu.dma_semaphore, #tpu.memory_space<semaphore_mem>>)
      %get3A = arith.constant 0 : i32
      %get3A_128 = arith.index_cast %get3A : i32 to index
      %get3A_129 = arith.constant 0 : index
      %get3A_130 = tpu.vector_load %arg9[%get3A_128, %get3A_129] {strides = array<i32>} : memref<2x16xf32, #tpu.memory_space<vmem>>, vector<1x16xf32>,
      %get3A_131 = vector.shape_cast %get3A_130 : vector<1x16xf32> to vector<16xf32>
      %get3A_132 = arith.constant 1 : i32
      %get3A_133 = arith.index_cast %get3A_132 : i32 to index
      %get3A_134 = arith.constant 0 : index
      %get3A_135 = tpu.vector_load %arg9[%get3A_133, %get3A_134] {strides = array<i32>} : memref<2x16xf32, #tpu.memory_space<vmem>>, vector<1x16xf32>,
      %get3A_136 = vector.shape_cast %get3A_135 : vector<1x16xf32> to vector<16xf32>
      %scan3A_137 = arith.constant 0 : i32
      %scan3A_138 = arith.constant 0 : i32
      %scan3A_139 = arith.constant 8 : i32
      %scan3A_140 = arith.addi %scan3A_138, %scan3A_139 : i32
      %scan3A_141 = arith.constant 1 : i32
      scf.for %scan3A_525 = %scan3A_138 to %scan3A_140 step %scan3A_141  : i32 {
        %mul3A_526 = arith.constant 16 : i32
        %mul3A_527 = arith.muli %scan3A_525, %mul3A_526 : i32
        %get3A_528 = arith.index_cast %add3A_112 : i32 to index
        %get3A_529 = arith.index_cast %mul3A_527 : i32 to index
        %get3A_530 = tpu.vector_load %arg8[%get3A_528, %get3A_529] {strides = array<i32>} : memref<50x128xi32, #tpu.memory_space<vmem>>, vector<1x16xi32>,
        %get3A_531 = vector.shape_cast %get3A_530 : vector<1x16xi32> to vector<16xi32>
        %mul3A_532 = arith.constant 16 : i32
        %mul3A_533 = arith.muli %scan3A_525, %mul3A_532 : i32
        %slice3A = vector.extract_strided_slice %get3A_531 {offsets = [0], sizes = [1], strides = [1]} : vector<16xi32> to vector<1xi32>
        %squeeze3A = vector.extract %slice3A[0] : i32 from vector<1xi32>
        %eq3A = arith.constant 0 : i32
        %eq3A_534 = arith.cmpi eq, %squeeze3A, %eq3A : i32
        %select_n3A = arith.select %eq3A_534, %get3A_131, %get3A_136 : vector<16xf32>
        %add3A_535 = arith.constant 0 : i32
        %add3A_536 = arith.addi %mul3A_533, %add3A_535 : i32
        %swap3A = arith.constant 0 : i32
        %swap3A_537 = arith.index_cast %swap3A : i32 to index
        %swap3A_538 = arith.index_cast %add3A_536 : i32 to index
        %swap3A_539 = arith.constant 0 : index
        %swap3A_540 = tpu.vector_load %arg11[%swap3A_537, %swap3A_538, %swap3A_539] {strides = array<i32>} : memref<5x128x16xf32, #tpu.memory_space<vmem>>, vector<1x1x16xf32>,
        %swap3A_541 = vector.shape_cast %swap3A_540 : vector<1x1x16xf32> to vector<16xf32>
        %swap3A_542 = vector.shape_cast %select_n3A : vector<16xf32> to vector<1x1x16xf32>
        tpu.vector_store %arg11[%swap3A_537, %swap3A_538, %swap3A_539], %swap3A_542 {strides = array<i32>} : memref<5x128x16xf32, #tpu.memory_space<vmem>>, vector<1x1x16xf32>,
        %slice3A_543 = vector.extract_strided_slice %get3A_531 {offsets = [1], sizes = [1], strides = [1]} : vector<16xi32> to vector<1xi32>
        %squeeze3A_544 = vector.extract %slice3A_543[0] : i32 from vector<1xi32>
        %eq3A_545 = arith.constant 0 : i32
        %eq3A_546 = arith.cmpi eq, %squeeze3A_544, %eq3A_545 : i32
        %select_n3A_547 = arith.select %eq3A_546, %get3A_131, %get3A_136 : vector<16xf32>
        %add3A_548 = arith.constant 1 : i32
        %add3A_549 = arith.addi %mul3A_533, %add3A_548 : i32
        %swap3A_550 = arith.constant 0 : i32
        %swap3A_551 = arith.index_cast %swap3A_550 : i32 to index
        %swap3A_552 = arith.index_cast %add3A_549 : i32 to index
        %swap3A_553 = arith.constant 0 : index
        %swap3A_554 = tpu.vector_load %arg11[%swap3A_551, %swap3A_552, %swap3A_553] {strides = array<i32>} : memref<5x128x16xf32, #tpu.memory_space<vmem>>, vector<1x1x16xf32>,
        %swap3A_555 = vector.shape_cast %swap3A_554 : vector<1x1x16xf32> to vector<16xf32>
        %swap3A_556 = vector.shape_cast %select_n3A_547 : vector<16xf32> to vector<1x1x16xf32>
        tpu.vector_store %arg11[%swap3A_551, %swap3A_552, %swap3A_553], %swap3A_556 {strides = array<i32>} : memref<5x128x16xf32, #tpu.memory_space<vmem>>, vector<1x1x16xf32>,
        %slice3A_557 = vector.extract_strided_slice %get3A_531 {offsets = [2], sizes = [1], strides = [1]} : vector<16xi32> to vector<1xi32>
        %squeeze3A_558 = vector.extract %slice3A_557[0] : i32 from vector<1xi32>
        %eq3A_559 = arith.constant 0 : i32
        %eq3A_560 = arith.cmpi eq, %squeeze3A_558, %eq3A_559 : i32
        %select_n3A_561 = arith.select %eq3A_560, %get3A_131, %get3A_136 : vector<16xf32>
        %add3A_562 = arith.constant 2 : i32
        %add3A_563 = arith.addi %mul3A_533, %add3A_562 : i32
        %swap3A_564 = arith.constant 0 : i32
        %swap3A_565 = arith.index_cast %swap3A_564 : i32 to index
        %swap3A_566 = arith.index_cast %add3A_563 : i32 to index
        %swap3A_567 = arith.constant 0 : index
        %swap3A_568 = tpu.vector_load %arg11[%swap3A_565, %swap3A_566, %swap3A_567] {strides = array<i32>} : memref<5x128x16xf32, #tpu.memory_space<vmem>>, vector<1x1x16xf32>,
        %swap3A_569 = vector.shape_cast %swap3A_568 : vector<1x1x16xf32> to vector<16xf32>
        %swap3A_570 = vector.shape_cast %select_n3A_561 : vector<16xf32> to vector<1x1x16xf32>
        tpu.vector_store %arg11[%swap3A_565, %swap3A_566, %swap3A_567], %swap3A_570 {strides = array<i32>} : memref<5x128x16xf32, #tpu.memory_space<vmem>>, vector<1x1x16xf32>,
        %slice3A_571 = vector.extract_strided_slice %get3A_531 {offsets = [3], sizes = [1], strides = [1]} : vector<16xi32> to vector<1xi32>
        %squeeze3A_572 = vector.extract %slice3A_571[0] : i32 from vector<1xi32>
        %eq3A_573 = arith.constant 0 : i32
        %eq3A_574 = arith.cmpi eq, %squeeze3A_572, %eq3A_573 : i32
        %select_n3A_575 = arith.select %eq3A_574, %get3A_131, %get3A_136 : vector<16xf32>
        %add3A_576 = arith.constant 3 : i32
        %add3A_577 = arith.addi %mul3A_533, %add3A_576 : i32
        %swap3A_578 = arith.constant 0 : i32
        %swap3A_579 = arith.index_cast %swap3A_578 : i32 to index
        %swap3A_580 = arith.index_cast %add3A_577 : i32 to index
        %swap3A_581 = arith.constant 0 : index
        %swap3A_582 = tpu.vector_load %arg11[%swap3A_579, %swap3A_580, %swap3A_581] {strides = array<i32>} : memref<5x128x16xf32, #tpu.memory_space<vmem>>, vector<1x1x16xf32>,
        %swap3A_583 = vector.shape_cast %swap3A_582 : vector<1x1x16xf32> to vector<16xf32>
        %swap3A_584 = vector.shape_cast %select_n3A_575 : vector<16xf32> to vector<1x1x16xf32>
        tpu.vector_store %arg11[%swap3A_579, %swap3A_580, %swap3A_581], %swap3A_584 {strides = array<i32>} : memref<5x128x16xf32, #tpu.memory_space<vmem>>, vector<1x1x16xf32>,
        %slice3A_585 = vector.extract_strided_slice %get3A_531 {offsets = [4], sizes = [1], strides = [1]} : vector<16xi32> to vector<1xi32>
        %squeeze3A_586 = vector.extract %slice3A_585[0] : i32 from vector<1xi32>
        %eq3A_587 = arith.constant 0 : i32
        %eq3A_588 = arith.cmpi eq, %squeeze3A_586, %eq3A_587 : i32
        %select_n3A_589 = arith.select %eq3A_588, %get3A_131, %get3A_136 : vector<16xf32>
        %add3A_590 = arith.constant 4 : i32
        %add3A_591 = arith.addi %mul3A_533, %add3A_590 : i32
        %swap3A_592 = arith.constant 0 : i32
        %swap3A_593 = arith.index_cast %swap3A_592 : i32 to index
        %swap3A_594 = arith.index_cast %add3A_591 : i32 to index
        %swap3A_595 = arith.constant 0 : index
        %swap3A_596 = tpu.vector_load %arg11[%swap3A_593, %swap3A_594, %swap3A_595] {strides = array<i32>} : memref<5x128x16xf32, #tpu.memory_space<vmem>>, vector<1x1x16xf32>,
        %swap3A_597 = vector.shape_cast %swap3A_596 : vector<1x1x16xf32> to vector<16xf32>
        %swap3A_598 = vector.shape_cast %select_n3A_589 : vector<16xf32> to vector<1x1x16xf32>
        tpu.vector_store %arg11[%swap3A_593, %swap3A_594, %swap3A_595], %swap3A_598 {strides = array<i32>} : memref<5x128x16xf32, #tpu.memory_space<vmem>>, vector<1x1x16xf32>,
        %slice3A_599 = vector.extract_strided_slice %get3A_531 {offsets = [5], sizes = [1], strides = [1]} : vector<16xi32> to vector<1xi32>
        %squeeze3A_600 = vector.extract %slice3A_599[0] : i32 from vector<1xi32>
        %eq3A_601 = arith.constant 0 : i32
        %eq3A_602 = arith.cmpi eq, %squeeze3A_600, %eq3A_601 : i32
        %select_n3A_603 = arith.select %eq3A_602, %get3A_131, %get3A_136 : vector<16xf32>
        %add3A_604 = arith.constant 5 : i32
        %add3A_605 = arith.addi %mul3A_533, %add3A_604 : i32
        %swap3A_606 = arith.constant 0 : i32
        %swap3A_607 = arith.index_cast %swap3A_606 : i32 to index
        %swap3A_608 = arith.index_cast %add3A_605 : i32 to index
        %swap3A_609 = arith.constant 0 : index
        %swap3A_610 = tpu.vector_load %arg11[%swap3A_607, %swap3A_608, %swap3A_609] {strides = array<i32>} : memref<5x128x16xf32, #tpu.memory_space<vmem>>, vector<1x1x16xf32>,
        %swap3A_611 = vector.shape_cast %swap3A_610 : vector<1x1x16xf32> to vector<16xf32>
        %swap3A_612 = vector.shape_cast %select_n3A_603 : vector<16xf32> to vector<1x1x16xf32>
        tpu.vector_store %arg11[%swap3A_607, %swap3A_608, %swap3A_609], %swap3A_612 {strides = array<i32>} : memref<5x128x16xf32, #tpu.memory_space<vmem>>, vector<1x1x16xf32>,
        %slice3A_613 = vector.extract_strided_slice %get3A_531 {offsets = [6], sizes = [1], strides = [1]} : vector<16xi32> to vector<1xi32>
        %squeeze3A_614 = vector.extract %slice3A_613[0] : i32 from vector<1xi32>
        %eq3A_615 = arith.constant 0 : i32
        %eq3A_616 = arith.cmpi eq, %squeeze3A_614, %eq3A_615 : i32
        %select_n3A_617 = arith.select %eq3A_616, %get3A_131, %get3A_136 : vector<16xf32>
        %add3A_618 = arith.constant 6 : i32
        %add3A_619 = arith.addi %mul3A_533, %add3A_618 : i32
        %swap3A_620 = arith.constant 0 : i32
        %swap3A_621 = arith.index_cast %swap3A_620 : i32 to index
        %swap3A_622 = arith.index_cast %add3A_619 : i32 to index
        %swap3A_623 = arith.constant 0 : index
        %swap3A_624 = tpu.vector_load %arg11[%swap3A_621, %swap3A_622, %swap3A_623] {strides = array<i32>} : memref<5x128x16xf32, #tpu.memory_space<vmem>>, vector<1x1x16xf32>,
        %swap3A_625 = vector.shape_cast %swap3A_624 : vector<1x1x16xf32> to vector<16xf32>
        %swap3A_626 = vector.shape_cast %select_n3A_617 : vector<16xf32> to vector<1x1x16xf32>
        tpu.vector_store %arg11[%swap3A_621, %swap3A_622, %swap3A_623], %swap3A_626 {strides = array<i32>} : memref<5x128x16xf32, #tpu.memory_space<vmem>>, vector<1x1x16xf32>,
        %slice3A_627 = vector.extract_strided_slice %get3A_531 {offsets = [7], sizes = [1], strides = [1]} : vector<16xi32> to vector<1xi32>
        %squeeze3A_628 = vector.extract %slice3A_627[0] : i32 from vector<1xi32>
        %eq3A_629 = arith.constant 0 : i32
        %eq3A_630 = arith.cmpi eq, %squeeze3A_628, %eq3A_629 : i32
        %select_n3A_631 = arith.select %eq3A_630, %get3A_131, %get3A_136 : vector<16xf32>
        %add3A_632 = arith.constant 7 : i32
        %add3A_633 = arith.addi %mul3A_533, %add3A_632 : i32
        %swap3A_634 = arith.constant 0 : i32
        %swap3A_635 = arith.index_cast %swap3A_634 : i32 to index
        %swap3A_636 = arith.index_cast %add3A_633 : i32 to index
        %swap3A_637 = arith.constant 0 : index
        %swap3A_638 = tpu.vector_load %arg11[%swap3A_635, %swap3A_636, %swap3A_637] {strides = array<i32>} : memref<5x128x16xf32, #tpu.memory_space<vmem>>, vector<1x1x16xf32>,
        %swap3A_639 = vector.shape_cast %swap3A_638 : vector<1x1x16xf32> to vector<16xf32>
        %swap3A_640 = vector.shape_cast %select_n3A_631 : vector<16xf32> to vector<1x1x16xf32>
        tpu.vector_store %arg11[%swap3A_635, %swap3A_636, %swap3A_637], %swap3A_640 {strides = array<i32>} : memref<5x128x16xf32, #tpu.memory_space<vmem>>, vector<1x1x16xf32>,
        %slice3A_641 = vector.extract_strided_slice %get3A_531 {offsets = [8], sizes = [1], strides = [1]} : vector<16xi32> to vector<1xi32>
        %squeeze3A_642 = vector.extract %slice3A_641[0] : i32 from vector<1xi32>
        %eq3A_643 = arith.constant 0 : i32
        %eq3A_644 = arith.cmpi eq, %squeeze3A_642, %eq3A_643 : i32
        %select_n3A_645 = arith.select %eq3A_644, %get3A_131, %get3A_136 : vector<16xf32>
        %add3A_646 = arith.constant 8 : i32
        %add3A_647 = arith.addi %mul3A_533, %add3A_646 : i32
        %swap3A_648 = arith.constant 0 : i32
        %swap3A_649 = arith.index_cast %swap3A_648 : i32 to index
        %swap3A_650 = arith.index_cast %add3A_647 : i32 to index
        %swap3A_651 = arith.constant 0 : index
        %swap3A_652 = tpu.vector_load %arg11[%swap3A_649, %swap3A_650, %swap3A_651] {strides = array<i32>} : memref<5x128x16xf32, #tpu.memory_space<vmem>>, vector<1x1x16xf32>,
        %swap3A_653 = vector.shape_cast %swap3A_652 : vector<1x1x16xf32> to vector<16xf32>
        %swap3A_654 = vector.shape_cast %select_n3A_645 : vector<16xf32> to vector<1x1x16xf32>
        tpu.vector_store %arg11[%swap3A_649, %swap3A_650, %swap3A_651], %swap3A_654 {strides = array<i32>} : memref<5x128x16xf32, #tpu.memory_space<vmem>>, vector<1x1x16xf32>,
        %slice3A_655 = vector.extract_strided_slice %get3A_531 {offsets = [9], sizes = [1], strides = [1]} : vector<16xi32> to vector<1xi32>
        %squeeze3A_656 = vector.extract %slice3A_655[0] : i32 from vector<1xi32>
        %eq3A_657 = arith.constant 0 : i32
        %eq3A_658 = arith.cmpi eq, %squeeze3A_656, %eq3A_657 : i32
        %select_n3A_659 = arith.select %eq3A_658, %get3A_131, %get3A_136 : vector<16xf32>
        %add3A_660 = arith.constant 9 : i32
        %add3A_661 = arith.addi %mul3A_533, %add3A_660 : i32
        %swap3A_662 = arith.constant 0 : i32
        %swap3A_663 = arith.index_cast %swap3A_662 : i32 to index
        %swap3A_664 = arith.index_cast %add3A_661 : i32 to index
        %swap3A_665 = arith.constant 0 : index
        %swap3A_666 = tpu.vector_load %arg11[%swap3A_663, %swap3A_664, %swap3A_665] {strides = array<i32>} : memref<5x128x16xf32, #tpu.memory_space<vmem>>, vector<1x1x16xf32>,
        %swap3A_667 = vector.shape_cast %swap3A_666 : vector<1x1x16xf32> to vector<16xf32>
        %swap3A_668 = vector.shape_cast %select_n3A_659 : vector<16xf32> to vector<1x1x16xf32>
        tpu.vector_store %arg11[%swap3A_663, %swap3A_664, %swap3A_665], %swap3A_668 {strides = array<i32>} : memref<5x128x16xf32, #tpu.memory_space<vmem>>, vector<1x1x16xf32>,
        %slice3A_669 = vector.extract_strided_slice %get3A_531 {offsets = [10], sizes = [1], strides = [1]} : vector<16xi32> to vector<1xi32>
        %squeeze3A_670 = vector.extract %slice3A_669[0] : i32 from vector<1xi32>
        %eq3A_671 = arith.constant 0 : i32
        %eq3A_672 = arith.cmpi eq, %squeeze3A_670, %eq3A_671 : i32
        %select_n3A_673 = arith.select %eq3A_672, %get3A_131, %get3A_136 : vector<16xf32>
        %add3A_674 = arith.constant 10 : i32
        %add3A_675 = arith.addi %mul3A_533, %add3A_674 : i32
        %swap3A_676 = arith.constant 0 : i32
        %swap3A_677 = arith.index_cast %swap3A_676 : i32 to index
        %swap3A_678 = arith.index_cast %add3A_675 : i32 to index
        %swap3A_679 = arith.constant 0 : index
        %swap3A_680 = tpu.vector_load %arg11[%swap3A_677, %swap3A_678, %swap3A_679] {strides = array<i32>} : memref<5x128x16xf32, #tpu.memory_space<vmem>>, vector<1x1x16xf32>,
        %swap3A_681 = vector.shape_cast %swap3A_680 : vector<1x1x16xf32> to vector<16xf32>
        %swap3A_682 = vector.shape_cast %select_n3A_673 : vector<16xf32> to vector<1x1x16xf32>
        tpu.vector_store %arg11[%swap3A_677, %swap3A_678, %swap3A_679], %swap3A_682 {strides = array<i32>} : memref<5x128x16xf32, #tpu.memory_space<vmem>>, vector<1x1x16xf32>,
        %slice3A_683 = vector.extract_strided_slice %get3A_531 {offsets = [11], sizes = [1], strides = [1]} : vector<16xi32> to vector<1xi32>
        %squeeze3A_684 = vector.extract %slice3A_683[0] : i32 from vector<1xi32>
        %eq3A_685 = arith.constant 0 : i32
        %eq3A_686 = arith.cmpi eq, %squeeze3A_684, %eq3A_685 : i32
        %select_n3A_687 = arith.select %eq3A_686, %get3A_131, %get3A_136 : vector<16xf32>
        %add3A_688 = arith.constant 11 : i32
        %add3A_689 = arith.addi %mul3A_533, %add3A_688 : i32
        %swap3A_690 = arith.constant 0 : i32
        %swap3A_691 = arith.index_cast %swap3A_690 : i32 to index
        %swap3A_692 = arith.index_cast %add3A_689 : i32 to index
        %swap3A_693 = arith.constant 0 : index
        %swap3A_694 = tpu.vector_load %arg11[%swap3A_691, %swap3A_692, %swap3A_693] {strides = array<i32>} : memref<5x128x16xf32, #tpu.memory_space<vmem>>, vector<1x1x16xf32>,
        %swap3A_695 = vector.shape_cast %swap3A_694 : vector<1x1x16xf32> to vector<16xf32>
        %swap3A_696 = vector.shape_cast %select_n3A_687 : vector<16xf32> to vector<1x1x16xf32>
        tpu.vector_store %arg11[%swap3A_691, %swap3A_692, %swap3A_693], %swap3A_696 {strides = array<i32>} : memref<5x128x16xf32, #tpu.memory_space<vmem>>, vector<1x1x16xf32>,
        %slice3A_697 = vector.extract_strided_slice %get3A_531 {offsets = [12], sizes = [1], strides = [1]} : vector<16xi32> to vector<1xi32>
        %squeeze3A_698 = vector.extract %slice3A_697[0] : i32 from vector<1xi32>
        %eq3A_699 = arith.constant 0 : i32
        %eq3A_700 = arith.cmpi eq, %squeeze3A_698, %eq3A_699 : i32
        %select_n3A_701 = arith.select %eq3A_700, %get3A_131, %get3A_136 : vector<16xf32>
        %add3A_702 = arith.constant 12 : i32
        %add3A_703 = arith.addi %mul3A_533, %add3A_702 : i32
        %swap3A_704 = arith.constant 0 : i32
        %swap3A_705 = arith.index_cast %swap3A_704 : i32 to index
        %swap3A_706 = arith.index_cast %add3A_703 : i32 to index
        %swap3A_707 = arith.constant 0 : index
        %swap3A_708 = tpu.vector_load %arg11[%swap3A_705, %swap3A_706, %swap3A_707] {strides = array<i32>} : memref<5x128x16xf32, #tpu.memory_space<vmem>>, vector<1x1x16xf32>,
        %swap3A_709 = vector.shape_cast %swap3A_708 : vector<1x1x16xf32> to vector<16xf32>
        %swap3A_710 = vector.shape_cast %select_n3A_701 : vector<16xf32> to vector<1x1x16xf32>
        tpu.vector_store %arg11[%swap3A_705, %swap3A_706, %swap3A_707], %swap3A_710 {strides = array<i32>} : memref<5x128x16xf32, #tpu.memory_space<vmem>>, vector<1x1x16xf32>,
        %slice3A_711 = vector.extract_strided_slice %get3A_531 {offsets = [13], sizes = [1], strides = [1]} : vector<16xi32> to vector<1xi32>
        %squeeze3A_712 = vector.extract %slice3A_711[0] : i32 from vector<1xi32>
        %eq3A_713 = arith.constant 0 : i32
        %eq3A_714 = arith.cmpi eq, %squeeze3A_712, %eq3A_713 : i32
        %select_n3A_715 = arith.select %eq3A_714, %get3A_131, %get3A_136 : vector<16xf32>
        %add3A_716 = arith.constant 13 : i32
        %add3A_717 = arith.addi %mul3A_533, %add3A_716 : i32
        %swap3A_718 = arith.constant 0 : i32
        %swap3A_719 = arith.index_cast %swap3A_718 : i32 to index
        %swap3A_720 = arith.index_cast %add3A_717 : i32 to index
        %swap3A_721 = arith.constant 0 : index
        %swap3A_722 = tpu.vector_load %arg11[%swap3A_719, %swap3A_720, %swap3A_721] {strides = array<i32>} : memref<5x128x16xf32, #tpu.memory_space<vmem>>, vector<1x1x16xf32>,
        %swap3A_723 = vector.shape_cast %swap3A_722 : vector<1x1x16xf32> to vector<16xf32>
        %swap3A_724 = vector.shape_cast %select_n3A_715 : vector<16xf32> to vector<1x1x16xf32>
        tpu.vector_store %arg11[%swap3A_719, %swap3A_720, %swap3A_721], %swap3A_724 {strides = array<i32>} : memref<5x128x16xf32, #tpu.memory_space<vmem>>, vector<1x1x16xf32>,
        %slice3A_725 = vector.extract_strided_slice %get3A_531 {offsets = [14], sizes = [1], strides = [1]} : vector<16xi32> to vector<1xi32>
        %squeeze3A_726 = vector.extract %slice3A_725[0] : i32 from vector<1xi32>
        %eq3A_727 = arith.constant 0 : i32
        %eq3A_728 = arith.cmpi eq, %squeeze3A_726, %eq3A_727 : i32
        %select_n3A_729 = arith.select %eq3A_728, %get3A_131, %get3A_136 : vector<16xf32>
        %add3A_730 = arith.constant 14 : i32
        %add3A_731 = arith.addi %mul3A_533, %add3A_730 : i32
        %swap3A_732 = arith.constant 0 : i32
        %swap3A_733 = arith.index_cast %swap3A_732 : i32 to index
        %swap3A_734 = arith.index_cast %add3A_731 : i32 to index
        %swap3A_735 = arith.constant 0 : index
        %swap3A_736 = tpu.vector_load %arg11[%swap3A_733, %swap3A_734, %swap3A_735] {strides = array<i32>} : memref<5x128x16xf32, #tpu.memory_space<vmem>>, vector<1x1x16xf32>,
        %swap3A_737 = vector.shape_cast %swap3A_736 : vector<1x1x16xf32> to vector<16xf32>
        %swap3A_738 = vector.shape_cast %select_n3A_729 : vector<16xf32> to vector<1x1x16xf32>
        tpu.vector_store %arg11[%swap3A_733, %swap3A_734, %swap3A_735], %swap3A_738 {strides = array<i32>} : memref<5x128x16xf32, #tpu.memory_space<vmem>>, vector<1x1x16xf32>,
        %slice3A_739 = vector.extract_strided_slice %get3A_531 {offsets = [15], sizes = [1], strides = [1]} : vector<16xi32> to vector<1xi32>
        %squeeze3A_740 = vector.extract %slice3A_739[0] : i32 from vector<1xi32>
        %eq3A_741 = arith.constant 0 : i32
        %eq3A_742 = arith.cmpi eq, %squeeze3A_740, %eq3A_741 : i32
        %select_n3A_743 = arith.select %eq3A_742, %get3A_131, %get3A_136 : vector<16xf32>
        %add3A_744 = arith.constant 15 : i32
        %add3A_745 = arith.addi %mul3A_533, %add3A_744 : i32
        %swap3A_746 = arith.constant 0 : i32
        %swap3A_747 = arith.index_cast %swap3A_746 : i32 to index
        %swap3A_748 = arith.index_cast %add3A_745 : i32 to index
        %swap3A_749 = arith.constant 0 : index
        %swap3A_750 = tpu.vector_load %arg11[%swap3A_747, %swap3A_748, %swap3A_749] {strides = array<i32>} : memref<5x128x16xf32, #tpu.memory_space<vmem>>, vector<1x1x16xf32>,
        %swap3A_751 = vector.shape_cast %swap3A_750 : vector<1x1x16xf32> to vector<16xf32>
        %swap3A_752 = vector.shape_cast %select_n3A_743 : vector<16xf32> to vector<1x1x16xf32>
        tpu.vector_store %arg11[%swap3A_747, %swap3A_748, %swap3A_749], %swap3A_752 {strides = array<i32>} : memref<5x128x16xf32, #tpu.memory_space<vmem>>, vector<1x1x16xf32>,
      }
      %scan3A_142 = arith.constant 8 : i32
      %dma_wait3A_143 = arith.constant 0 : i32
      %dma_wait3A_144 = arith.constant 0 : i32
      %dma_wait3A_145 = arith.constant 0 : i32
      %dma_wait3A_146 = arith.constant 0 : i32
      %dma_wait3A_147 = tpu.memref_slice %arg10[%dma_wait3A_144, %dma_wait3A_145, %dma_wait3A_146] : memref<5x128x64xf32, #tpu.memory_space<vmem>> -> memref<1x128x64xf32, #tpu.memory_space<vmem>>
      %dma_wait3A_148 = tpu.memref_squeeze %dma_wait3A_147 : memref<1x128x64xf32, #tpu.memory_space<vmem>> -> memref<128x64xf32, #tpu.memory_space<vmem>>
      %dma_wait3A_149 = arith.constant 0 : i32
      %dma_wait3A_150 = tpu.memref_slice %arg7[%dma_wait3A_143, %dma_wait3A_149] : memref<50x128xi32, #tpu.memory_space<vmem>> -> memref<1x128xi32, #tpu.memory_space<vmem>>
      %dma_wait3A_151 = tpu.memref_squeeze %dma_wait3A_150 : memref<1x128xi32, #tpu.memory_space<vmem>> -> memref<128xi32, #tpu.memory_space<vmem>>
      %dma_wait3A_152 = arith.constant 0 : i32
      %dma_wait3A_153 = arith.constant 0 : i32
      %dma_wait3A_154 = tpu.memref_slice %arg4[%dma_wait3A_152, %dma_wait3A_153] : memref<1000000x64xf32, #tpu.memory_space<hbm>> -> memref<1000000x64xf32, #tpu.memory_space<hbm>>
      tpu.wait_indirect_dma semaphore(%arg12 : memref<!tpu.dma_semaphore, #tpu.memory_space<semaphore_mem>>) src(%dma_wait3A_154 : memref<1000000x64xf32, #tpu.memory_space<hbm>>) dst(%dma_wait3A_148 : memref<128x64xf32, #tpu.memory_space<vmem>>)
      %mul3A_155 = arith.constant 128 : i32
      %mul3A_156 = arith.muli %add3A_112, %mul3A_155 : i32
      %add3A_157 = arith.addi %mul3A_2, %mul3A_156 : i32
      %dma_start3A_158 = arith.constant 0 : i32
      %dma_start3A_159 = arith.constant 0 : i32
      %dma_start3A_160 = arith.constant 0 : i32
      %dma_start3A_161 = tpu.memref_slice %arg10[%dma_start3A_158, %dma_start3A_159, %dma_start3A_160] : memref<5x128x64xf32, #tpu.memory_space<vmem>> -> memref<1x128x64xf32, #tpu.memory_space<vmem>>
      %dma_start3A_162 = tpu.memref_squeeze %dma_start3A_161 : memref<1x128x64xf32, #tpu.memory_space<vmem>> -> memref<128x64xf32, #tpu.memory_space<vmem>>
      %dma_start3A_163 = arith.constant 0 : i32
      %dma_start3A_164 = tpu.memref_slice %arg6[%add3A_157, %dma_start3A_163] : memref<204800x80xf32, #tpu.memory_space<hbm>> -> memref<128x64xf32, #tpu.memory_space<hbm>>
      %dma_start3A_165 = arith.constant 0 : i32
      %dma_start3A_166 = tpu.memref_slice %arg6[%add3A_157, %dma_start3A_165] : memref<204800x80xf32, #tpu.memory_space<hbm>> -> memref<128x64xf32, #tpu.memory_space<hbm>>
      %dma_start3A_167 = arith.constant 0 : i32
      %dma_start3A_168 = arith.constant 0 : i32
      %dma_start3A_169 = tpu.memref_slice %arg10[%dma_start3A_158, %dma_start3A_167, %dma_start3A_168] : memref<5x128x64xf32, #tpu.memory_space<vmem>> -> memref<1x128x64xf32, #tpu.memory_space<vmem>>
      %dma_start3A_170 = tpu.memref_squeeze %dma_start3A_169 : memref<1x128x64xf32, #tpu.memory_space<vmem>> -> memref<128x64xf32, #tpu.memory_space<vmem>>
      tpu.enqueue_dma source(%dma_start3A_170 : memref<128x64xf32, #tpu.memory_space<vmem>>) target(%dma_start3A_166 : memref<128x64xf32, #tpu.memory_space<hbm>>) target_semaphore(%arg17 : memref<!tpu.dma_semaphore, #tpu.memory_space<semaphore_mem>>)
      %dma_start3A_171 = arith.constant 0 : i32
      %dma_start3A_172 = arith.constant 0 : i32
      %dma_start3A_173 = arith.constant 0 : i32
      %dma_start3A_174 = tpu.memref_slice %arg11[%dma_start3A_171, %dma_start3A_172, %dma_start3A_173] : memref<5x128x16xf32, #tpu.memory_space<vmem>> -> memref<1x128x16xf32, #tpu.memory_space<vmem>>
      %dma_start3A_175 = tpu.memref_squeeze %dma_start3A_174 : memref<1x128x16xf32, #tpu.memory_space<vmem>> -> memref<128x16xf32, #tpu.memory_space<vmem>>
      %dma_start3A_176 = arith.constant 64 : i32
      %dma_start3A_177 = tpu.memref_slice %arg6[%add3A_157, %dma_start3A_176] : memref<204800x80xf32, #tpu.memory_space<hbm>> -> memref<128x16xf32, #tpu.memory_space<hbm>>
      %dma_start3A_178 = arith.constant 64 : i32
      %dma_start3A_179 = tpu.memref_slice %arg6[%add3A_157, %dma_start3A_178] : memref<204800x80xf32, #tpu.memory_space<hbm>> -> memref<128x16xf32, #tpu.memory_space<hbm>>
      %dma_start3A_180 = arith.constant 0 : i32
      %dma_start3A_181 = arith.constant 0 : i32
      %dma_start3A_182 = tpu.memref_slice %arg11[%dma_start3A_171, %dma_start3A_180, %dma_start3A_181] : memref<5x128x16xf32, #tpu.memory_space<vmem>> -> memref<1x128x16xf32, #tpu.memory_space<vmem>>
      %dma_start3A_183 = tpu.memref_squeeze %dma_start3A_182 : memref<1x128x16xf32, #tpu.memory_space<vmem>> -> memref<128x16xf32, #tpu.memory_space<vmem>>
      tpu.enqueue_dma source(%dma_start3A_183 : memref<128x16xf32, #tpu.memory_space<vmem>>) target(%dma_start3A_179 : memref<128x16xf32, #tpu.memory_space<hbm>>) target_semaphore(%arg22 : memref<!tpu.dma_semaphore, #tpu.memory_space<semaphore_mem>>)
      %mul3A_184 = arith.constant 5 : i32
      %mul3A_185 = arith.muli %scan3A_108, %mul3A_184 : i32
      %add3A_186 = arith.constant 1 : i32
      %add3A_187 = arith.addi %mul3A_185, %add3A_186 : i32
      %gt3A_188 = arith.constant 0 : i32
      %gt3A_189 = arith.cmpi sgt, %scan3A_108, %gt3A_188 : i32
      %convert_element_type3A_190 = arith.extui %gt3A_189 : i1 to i32
      %cond3A_191 = arith.constant 0 : i32
      %cond3A_192 = arith.cmpi ne, %convert_element_type3A_190, %cond3A_191 : i32
      scf.if %cond3A_192 {
        %dma_wait3A_525 = arith.constant 3 : i32
        %dma_wait3A_526 = arith.constant 0 : i32
        %dma_wait3A_527 = arith.constant 0 : i32
        %dma_wait3A_528 = tpu.memref_slice %arg10[%dma_wait3A_525, %dma_wait3A_526, %dma_wait3A_527] : memref<5x128x64xf32, #tpu.memory_space<vmem>> -> memref<1x128x64xf32, #tpu.memory_space<vmem>>
        %dma_wait3A_529 = tpu.memref_squeeze %dma_wait3A_528 : memref<1x128x64xf32, #tpu.memory_space<vmem>> -> memref<128x64xf32, #tpu.memory_space<vmem>>
        %dma_wait3A_530 = arith.constant 0 : i32
        %dma_wait3A_531 = tpu.memref_slice %arg6[%mul3A_2, %dma_wait3A_530] : memref<204800x80xf32, #tpu.memory_space<hbm>> -> memref<128x64xf32, #tpu.memory_space<hbm>>
        %dma_wait3A_532 = arith.constant 0 : i32
        %dma_wait3A_533 = tpu.memref_slice %arg6[%mul3A_2, %dma_wait3A_532] : memref<204800x80xf32, #tpu.memory_space<hbm>> -> memref<128x64xf32, #tpu.memory_space<hbm>>
        %dma_wait3A_534 = arith.constant 0 : i32
        %dma_wait3A_535 = arith.constant 0 : i32
        %dma_wait3A_536 = tpu.memref_slice %arg10[%dma_wait3A_525, %dma_wait3A_534, %dma_wait3A_535] : memref<5x128x64xf32, #tpu.memory_space<vmem>> -> memref<1x128x64xf32, #tpu.memory_space<vmem>>
        %dma_wait3A_537 = tpu.memref_squeeze %dma_wait3A_536 : memref<1x128x64xf32, #tpu.memory_space<vmem>> -> memref<128x64xf32, #tpu.memory_space<vmem>>
        tpu.wait_dma2 semaphore(%arg20 : memref<!tpu.dma_semaphore, #tpu.memory_space<semaphore_mem>>) src(%dma_wait3A_537 : memref<128x64xf32, #tpu.memory_space<vmem>>) dst(%dma_wait3A_533 : memref<128x64xf32, #tpu.memory_space<hbm>>)
        %dma_wait3A_538 = arith.constant 3 : i32
        %dma_wait3A_539 = arith.constant 0 : i32
        %dma_wait3A_540 = arith.constant 0 : i32
        %dma_wait3A_541 = tpu.memref_slice %arg11[%dma_wait3A_538, %dma_wait3A_539, %dma_wait3A_540] : memref<5x128x16xf32, #tpu.memory_space<vmem>> -> memref<1x128x16xf32, #tpu.memory_space<vmem>>
        %dma_wait3A_542 = tpu.memref_squeeze %dma_wait3A_541 : memref<1x128x16xf32, #tpu.memory_space<vmem>> -> memref<128x16xf32, #tpu.memory_space<vmem>>
        %dma_wait3A_543 = arith.constant 64 : i32
        %dma_wait3A_544 = tpu.memref_slice %arg6[%mul3A_2, %dma_wait3A_543] : memref<204800x80xf32, #tpu.memory_space<hbm>> -> memref<128x16xf32, #tpu.memory_space<hbm>>
        %dma_wait3A_545 = arith.constant 64 : i32
        %dma_wait3A_546 = tpu.memref_slice %arg6[%mul3A_2, %dma_wait3A_545] : memref<204800x80xf32, #tpu.memory_space<hbm>> -> memref<128x16xf32, #tpu.memory_space<hbm>>
        %dma_wait3A_547 = arith.constant 0 : i32
        %dma_wait3A_548 = arith.constant 0 : i32
        %dma_wait3A_549 = tpu.memref_slice %arg11[%dma_wait3A_538, %dma_wait3A_547, %dma_wait3A_548] : memref<5x128x16xf32, #tpu.memory_space<vmem>> -> memref<1x128x16xf32, #tpu.memory_space<vmem>>
        %dma_wait3A_550 = tpu.memref_squeeze %dma_wait3A_549 : memref<1x128x16xf32, #tpu.memory_space<vmem>> -> memref<128x16xf32, #tpu.memory_space<vmem>>
        tpu.wait_dma2 semaphore(%arg25 : memref<!tpu.dma_semaphore, #tpu.memory_space<semaphore_mem>>) src(%dma_wait3A_550 : memref<128x16xf32, #tpu.memory_space<vmem>>) dst(%dma_wait3A_546 : memref<128x16xf32, #tpu.memory_space<hbm>>)
      } else {
      }
      %add3A_193 = arith.constant 2 : i32
      %add3A_194 = arith.addi %add3A_187, %add3A_193 : i32
      %dma_start3A_195 = arith.constant 3 : i32
      %dma_start3A_196 = arith.constant 0 : i32
      %dma_start3A_197 = arith.constant 0 : i32
      %dma_start3A_198 = tpu.memref_slice %arg10[%dma_start3A_195, %dma_start3A_196, %dma_start3A_197] : memref<5x128x64xf32, #tpu.memory_space<vmem>> -> memref<1x128x64xf32, #tpu.memory_space<vmem>>
      %dma_start3A_199 = tpu.memref_squeeze %dma_start3A_198 : memref<1x128x64xf32, #tpu.memory_space<vmem>> -> memref<128x64xf32, #tpu.memory_space<vmem>>
      %dma_start3A_200 = arith.constant 0 : i32
      %dma_start3A_201 = tpu.memref_slice %arg7[%add3A_194, %dma_start3A_200] : memref<50x128xi32, #tpu.memory_space<vmem>> -> memref<1x128xi32, #tpu.memory_space<vmem>>
      %dma_start3A_202 = tpu.memref_squeeze %dma_start3A_201 : memref<1x128xi32, #tpu.memory_space<vmem>> -> memref<128xi32, #tpu.memory_space<vmem>>
      %dma_start3A_203 = arith.constant 0 : i32
      %dma_start3A_204 = arith.constant 0 : i32
      %dma_start3A_205 = tpu.memref_slice %arg4[%dma_start3A_203, %dma_start3A_204] : memref<1000000x64xf32, #tpu.memory_space<hbm>> -> memref<1000000x64xf32, #tpu.memory_space<hbm>>
      tpu.enqueue_indirect_dma source(%dma_start3A_205 : memref<1000000x64xf32, #tpu.memory_space<hbm>>) target(%dma_start3A_199 : memref<128x64xf32, #tpu.memory_space<vmem>>) offsets(%dma_start3A_202 : memref<128xi32, #tpu.memory_space<vmem>>) semaphore(%arg15 : memref<!tpu.dma_semaphore, #tpu.memory_space<semaphore_mem>>)
      %get3A_206 = arith.constant 0 : i32
      %get3A_207 = arith.index_cast %get3A_206 : i32 to index
      %get3A_208 = arith.constant 0 : index
      %get3A_209 = tpu.vector_load %arg9[%get3A_207, %get3A_208] {strides = array<i32>} : memref<2x16xf32, #tpu.memory_space<vmem>>, vector<1x16xf32>,
      %get3A_210 = vector.shape_cast %get3A_209 : vector<1x16xf32> to vector<16xf32>
      %get3A_211 = arith.constant 1 : i32
      %get3A_212 = arith.index_cast %get3A_211 : i32 to index
      %get3A_213 = arith.constant 0 : index
      %get3A_214 = tpu.vector_load %arg9[%get3A_212, %get3A_213] {strides = array<i32>} : memref<2x16xf32, #tpu.memory_space<vmem>>, vector<1x16xf32>,
      %get3A_215 = vector.shape_cast %get3A_214 : vector<1x16xf32> to vector<16xf32>
      %scan3A_216 = arith.constant 0 : i32
      %scan3A_217 = arith.constant 0 : i32
      %scan3A_218 = arith.constant 8 : i32
      %scan3A_219 = arith.addi %scan3A_217, %scan3A_218 : i32
      %scan3A_220 = arith.constant 1 : i32
      scf.for %scan3A_525 = %scan3A_217 to %scan3A_219 step %scan3A_220  : i32 {
        %mul3A_526 = arith.constant 16 : i32
        %mul3A_527 = arith.muli %scan3A_525, %mul3A_526 : i32
        %get3A_528 = arith.index_cast %add3A_187 : i32 to index
        %get3A_529 = arith.index_cast %mul3A_527 : i32 to index
        %get3A_530 = tpu.vector_load %arg8[%get3A_528, %get3A_529] {strides = array<i32>} : memref<50x128xi32, #tpu.memory_space<vmem>>, vector<1x16xi32>,
        %get3A_531 = vector.shape_cast %get3A_530 : vector<1x16xi32> to vector<16xi32>
        %mul3A_532 = arith.constant 16 : i32
        %mul3A_533 = arith.muli %scan3A_525, %mul3A_532 : i32
        %slice3A = vector.extract_strided_slice %get3A_531 {offsets = [0], sizes = [1], strides = [1]} : vector<16xi32> to vector<1xi32>
        %squeeze3A = vector.extract %slice3A[0] : i32 from vector<1xi32>
        %eq3A = arith.constant 0 : i32
        %eq3A_534 = arith.cmpi eq, %squeeze3A, %eq3A : i32
        %select_n3A = arith.select %eq3A_534, %get3A_210, %get3A_215 : vector<16xf32>
        %add3A_535 = arith.constant 0 : i32
        %add3A_536 = arith.addi %mul3A_533, %add3A_535 : i32
        %swap3A = arith.constant 1 : i32
        %swap3A_537 = arith.index_cast %swap3A : i32 to index
        %swap3A_538 = arith.index_cast %add3A_536 : i32 to index
        %swap3A_539 = arith.constant 0 : index
        %swap3A_540 = tpu.vector_load %arg11[%swap3A_537, %swap3A_538, %swap3A_539] {strides = array<i32>} : memref<5x128x16xf32, #tpu.memory_space<vmem>>, vector<1x1x16xf32>,
        %swap3A_541 = vector.shape_cast %swap3A_540 : vector<1x1x16xf32> to vector<16xf32>
        %swap3A_542 = vector.shape_cast %select_n3A : vector<16xf32> to vector<1x1x16xf32>
        tpu.vector_store %arg11[%swap3A_537, %swap3A_538, %swap3A_539], %swap3A_542 {strides = array<i32>} : memref<5x128x16xf32, #tpu.memory_space<vmem>>, vector<1x1x16xf32>,
        %slice3A_543 = vector.extract_strided_slice %get3A_531 {offsets = [1], sizes = [1], strides = [1]} : vector<16xi32> to vector<1xi32>
        %squeeze3A_544 = vector.extract %slice3A_543[0] : i32 from vector<1xi32>
        %eq3A_545 = arith.constant 0 : i32
        %eq3A_546 = arith.cmpi eq, %squeeze3A_544, %eq3A_545 : i32
        %select_n3A_547 = arith.select %eq3A_546, %get3A_210, %get3A_215 : vector<16xf32>
        %add3A_548 = arith.constant 1 : i32
        %add3A_549 = arith.addi %mul3A_533, %add3A_548 : i32
        %swap3A_550 = arith.constant 1 : i32
        %swap3A_551 = arith.index_cast %swap3A_550 : i32 to index
        %swap3A_552 = arith.index_cast %add3A_549 : i32 to index
        %swap3A_553 = arith.constant 0 : index
        %swap3A_554 = tpu.vector_load %arg11[%swap3A_551, %swap3A_552, %swap3A_553] {strides = array<i32>} : memref<5x128x16xf32, #tpu.memory_space<vmem>>, vector<1x1x16xf32>,
        %swap3A_555 = vector.shape_cast %swap3A_554 : vector<1x1x16xf32> to vector<16xf32>
        %swap3A_556 = vector.shape_cast %select_n3A_547 : vector<16xf32> to vector<1x1x16xf32>
        tpu.vector_store %arg11[%swap3A_551, %swap3A_552, %swap3A_553], %swap3A_556 {strides = array<i32>} : memref<5x128x16xf32, #tpu.memory_space<vmem>>, vector<1x1x16xf32>,
        %slice3A_557 = vector.extract_strided_slice %get3A_531 {offsets = [2], sizes = [1], strides = [1]} : vector<16xi32> to vector<1xi32>
        %squeeze3A_558 = vector.extract %slice3A_557[0] : i32 from vector<1xi32>
        %eq3A_559 = arith.constant 0 : i32
        %eq3A_560 = arith.cmpi eq, %squeeze3A_558, %eq3A_559 : i32
        %select_n3A_561 = arith.select %eq3A_560, %get3A_210, %get3A_215 : vector<16xf32>
        %add3A_562 = arith.constant 2 : i32
        %add3A_563 = arith.addi %mul3A_533, %add3A_562 : i32
        %swap3A_564 = arith.constant 1 : i32
        %swap3A_565 = arith.index_cast %swap3A_564 : i32 to index
        %swap3A_566 = arith.index_cast %add3A_563 : i32 to index
        %swap3A_567 = arith.constant 0 : index
        %swap3A_568 = tpu.vector_load %arg11[%swap3A_565, %swap3A_566, %swap3A_567] {strides = array<i32>} : memref<5x128x16xf32, #tpu.memory_space<vmem>>, vector<1x1x16xf32>,
        %swap3A_569 = vector.shape_cast %swap3A_568 : vector<1x1x16xf32> to vector<16xf32>
        %swap3A_570 = vector.shape_cast %select_n3A_561 : vector<16xf32> to vector<1x1x16xf32>
        tpu.vector_store %arg11[%swap3A_565, %swap3A_566, %swap3A_567], %swap3A_570 {strides = array<i32>} : memref<5x128x16xf32, #tpu.memory_space<vmem>>, vector<1x1x16xf32>,
        %slice3A_571 = vector.extract_strided_slice %get3A_531 {offsets = [3], sizes = [1], strides = [1]} : vector<16xi32> to vector<1xi32>
        %squeeze3A_572 = vector.extract %slice3A_571[0] : i32 from vector<1xi32>
        %eq3A_573 = arith.constant 0 : i32
        %eq3A_574 = arith.cmpi eq, %squeeze3A_572, %eq3A_573 : i32
        %select_n3A_575 = arith.select %eq3A_574, %get3A_210, %get3A_215 : vector<16xf32>
        %add3A_576 = arith.constant 3 : i32
        %add3A_577 = arith.addi %mul3A_533, %add3A_576 : i32
        %swap3A_578 = arith.constant 1 : i32
        %swap3A_579 = arith.index_cast %swap3A_578 : i32 to index
        %swap3A_580 = arith.index_cast %add3A_577 : i32 to index
        %swap3A_581 = arith.constant 0 : index
        %swap3A_582 = tpu.vector_load %arg11[%swap3A_579, %swap3A_580, %swap3A_581] {strides = array<i32>} : memref<5x128x16xf32, #tpu.memory_space<vmem>>, vector<1x1x16xf32>,
        %swap3A_583 = vector.shape_cast %swap3A_582 : vector<1x1x16xf32> to vector<16xf32>
        %swap3A_584 = vector.shape_cast %select_n3A_575 : vector<16xf32> to vector<1x1x16xf32>
        tpu.vector_store %arg11[%swap3A_579, %swap3A_580, %swap3A_581], %swap3A_584 {strides = array<i32>} : memref<5x128x16xf32, #tpu.memory_space<vmem>>, vector<1x1x16xf32>,
        %slice3A_585 = vector.extract_strided_slice %get3A_531 {offsets = [4], sizes = [1], strides = [1]} : vector<16xi32> to vector<1xi32>
        %squeeze3A_586 = vector.extract %slice3A_585[0] : i32 from vector<1xi32>
        %eq3A_587 = arith.constant 0 : i32
        %eq3A_588 = arith.cmpi eq, %squeeze3A_586, %eq3A_587 : i32
        %select_n3A_589 = arith.select %eq3A_588, %get3A_210, %get3A_215 : vector<16xf32>
        %add3A_590 = arith.constant 4 : i32
        %add3A_591 = arith.addi %mul3A_533, %add3A_590 : i32
        %swap3A_592 = arith.constant 1 : i32
        %swap3A_593 = arith.index_cast %swap3A_592 : i32 to index
        %swap3A_594 = arith.index_cast %add3A_591 : i32 to index
        %swap3A_595 = arith.constant 0 : index
        %swap3A_596 = tpu.vector_load %arg11[%swap3A_593, %swap3A_594, %swap3A_595] {strides = array<i32>} : memref<5x128x16xf32, #tpu.memory_space<vmem>>, vector<1x1x16xf32>,
        %swap3A_597 = vector.shape_cast %swap3A_596 : vector<1x1x16xf32> to vector<16xf32>
        %swap3A_598 = vector.shape_cast %select_n3A_589 : vector<16xf32> to vector<1x1x16xf32>
        tpu.vector_store %arg11[%swap3A_593, %swap3A_594, %swap3A_595], %swap3A_598 {strides = array<i32>} : memref<5x128x16xf32, #tpu.memory_space<vmem>>, vector<1x1x16xf32>,
        %slice3A_599 = vector.extract_strided_slice %get3A_531 {offsets = [5], sizes = [1], strides = [1]} : vector<16xi32> to vector<1xi32>
        %squeeze3A_600 = vector.extract %slice3A_599[0] : i32 from vector<1xi32>
        %eq3A_601 = arith.constant 0 : i32
        %eq3A_602 = arith.cmpi eq, %squeeze3A_600, %eq3A_601 : i32
        %select_n3A_603 = arith.select %eq3A_602, %get3A_210, %get3A_215 : vector<16xf32>
        %add3A_604 = arith.constant 5 : i32
        %add3A_605 = arith.addi %mul3A_533, %add3A_604 : i32
        %swap3A_606 = arith.constant 1 : i32
        %swap3A_607 = arith.index_cast %swap3A_606 : i32 to index
        %swap3A_608 = arith.index_cast %add3A_605 : i32 to index
        %swap3A_609 = arith.constant 0 : index
        %swap3A_610 = tpu.vector_load %arg11[%swap3A_607, %swap3A_608, %swap3A_609] {strides = array<i32>} : memref<5x128x16xf32, #tpu.memory_space<vmem>>, vector<1x1x16xf32>,
        %swap3A_611 = vector.shape_cast %swap3A_610 : vector<1x1x16xf32> to vector<16xf32>
        %swap3A_612 = vector.shape_cast %select_n3A_603 : vector<16xf32> to vector<1x1x16xf32>
        tpu.vector_store %arg11[%swap3A_607, %swap3A_608, %swap3A_609], %swap3A_612 {strides = array<i32>} : memref<5x128x16xf32, #tpu.memory_space<vmem>>, vector<1x1x16xf32>,
        %slice3A_613 = vector.extract_strided_slice %get3A_531 {offsets = [6], sizes = [1], strides = [1]} : vector<16xi32> to vector<1xi32>
        %squeeze3A_614 = vector.extract %slice3A_613[0] : i32 from vector<1xi32>
        %eq3A_615 = arith.constant 0 : i32
        %eq3A_616 = arith.cmpi eq, %squeeze3A_614, %eq3A_615 : i32
        %select_n3A_617 = arith.select %eq3A_616, %get3A_210, %get3A_215 : vector<16xf32>
        %add3A_618 = arith.constant 6 : i32
        %add3A_619 = arith.addi %mul3A_533, %add3A_618 : i32
        %swap3A_620 = arith.constant 1 : i32
        %swap3A_621 = arith.index_cast %swap3A_620 : i32 to index
        %swap3A_622 = arith.index_cast %add3A_619 : i32 to index
        %swap3A_623 = arith.constant 0 : index
        %swap3A_624 = tpu.vector_load %arg11[%swap3A_621, %swap3A_622, %swap3A_623] {strides = array<i32>} : memref<5x128x16xf32, #tpu.memory_space<vmem>>, vector<1x1x16xf32>,
        %swap3A_625 = vector.shape_cast %swap3A_624 : vector<1x1x16xf32> to vector<16xf32>
        %swap3A_626 = vector.shape_cast %select_n3A_617 : vector<16xf32> to vector<1x1x16xf32>
        tpu.vector_store %arg11[%swap3A_621, %swap3A_622, %swap3A_623], %swap3A_626 {strides = array<i32>} : memref<5x128x16xf32, #tpu.memory_space<vmem>>, vector<1x1x16xf32>,
        %slice3A_627 = vector.extract_strided_slice %get3A_531 {offsets = [7], sizes = [1], strides = [1]} : vector<16xi32> to vector<1xi32>
        %squeeze3A_628 = vector.extract %slice3A_627[0] : i32 from vector<1xi32>
        %eq3A_629 = arith.constant 0 : i32
        %eq3A_630 = arith.cmpi eq, %squeeze3A_628, %eq3A_629 : i32
        %select_n3A_631 = arith.select %eq3A_630, %get3A_210, %get3A_215 : vector<16xf32>
        %add3A_632 = arith.constant 7 : i32
        %add3A_633 = arith.addi %mul3A_533, %add3A_632 : i32
        %swap3A_634 = arith.constant 1 : i32
        %swap3A_635 = arith.index_cast %swap3A_634 : i32 to index
        %swap3A_636 = arith.index_cast %add3A_633 : i32 to index
        %swap3A_637 = arith.constant 0 : index
        %swap3A_638 = tpu.vector_load %arg11[%swap3A_635, %swap3A_636, %swap3A_637] {strides = array<i32>} : memref<5x128x16xf32, #tpu.memory_space<vmem>>, vector<1x1x16xf32>,
        %swap3A_639 = vector.shape_cast %swap3A_638 : vector<1x1x16xf32> to vector<16xf32>
        %swap3A_640 = vector.shape_cast %select_n3A_631 : vector<16xf32> to vector<1x1x16xf32>
        tpu.vector_store %arg11[%swap3A_635, %swap3A_636, %swap3A_637], %swap3A_640 {strides = array<i32>} : memref<5x128x16xf32, #tpu.memory_space<vmem>>, vector<1x1x16xf32>,
        %slice3A_641 = vector.extract_strided_slice %get3A_531 {offsets = [8], sizes = [1], strides = [1]} : vector<16xi32> to vector<1xi32>
        %squeeze3A_642 = vector.extract %slice3A_641[0] : i32 from vector<1xi32>
        %eq3A_643 = arith.constant 0 : i32
        %eq3A_644 = arith.cmpi eq, %squeeze3A_642, %eq3A_643 : i32
        %select_n3A_645 = arith.select %eq3A_644, %get3A_210, %get3A_215 : vector<16xf32>
        %add3A_646 = arith.constant 8 : i32
        %add3A_647 = arith.addi %mul3A_533, %add3A_646 : i32
        %swap3A_648 = arith.constant 1 : i32
        %swap3A_649 = arith.index_cast %swap3A_648 : i32 to index
        %swap3A_650 = arith.index_cast %add3A_647 : i32 to index
        %swap3A_651 = arith.constant 0 : index
        %swap3A_652 = tpu.vector_load %arg11[%swap3A_649, %swap3A_650, %swap3A_651] {strides = array<i32>} : memref<5x128x16xf32, #tpu.memory_space<vmem>>, vector<1x1x16xf32>,
        %swap3A_653 = vector.shape_cast %swap3A_652 : vector<1x1x16xf32> to vector<16xf32>
        %swap3A_654 = vector.shape_cast %select_n3A_645 : vector<16xf32> to vector<1x1x16xf32>
        tpu.vector_store %arg11[%swap3A_649, %swap3A_650, %swap3A_651], %swap3A_654 {strides = array<i32>} : memref<5x128x16xf32, #tpu.memory_space<vmem>>, vector<1x1x16xf32>,
        %slice3A_655 = vector.extract_strided_slice %get3A_531 {offsets = [9], sizes = [1], strides = [1]} : vector<16xi32> to vector<1xi32>
        %squeeze3A_656 = vector.extract %slice3A_655[0] : i32 from vector<1xi32>
        %eq3A_657 = arith.constant 0 : i32
        %eq3A_658 = arith.cmpi eq, %squeeze3A_656, %eq3A_657 : i32
        %select_n3A_659 = arith.select %eq3A_658, %get3A_210, %get3A_215 : vector<16xf32>
        %add3A_660 = arith.constant 9 : i32
        %add3A_661 = arith.addi %mul3A_533, %add3A_660 : i32
        %swap3A_662 = arith.constant 1 : i32
        %swap3A_663 = arith.index_cast %swap3A_662 : i32 to index
        %swap3A_664 = arith.index_cast %add3A_661 : i32 to index
        %swap3A_665 = arith.constant 0 : index
        %swap3A_666 = tpu.vector_load %arg11[%swap3A_663, %swap3A_664, %swap3A_665] {strides = array<i32>} : memref<5x128x16xf32, #tpu.memory_space<vmem>>, vector<1x1x16xf32>,
        %swap3A_667 = vector.shape_cast %swap3A_666 : vector<1x1x16xf32> to vector<16xf32>
        %swap3A_668 = vector.shape_cast %select_n3A_659 : vector<16xf32> to vector<1x1x16xf32>
        tpu.vector_store %arg11[%swap3A_663, %swap3A_664, %swap3A_665], %swap3A_668 {strides = array<i32>} : memref<5x128x16xf32, #tpu.memory_space<vmem>>, vector<1x1x16xf32>,
        %slice3A_669 = vector.extract_strided_slice %get3A_531 {offsets = [10], sizes = [1], strides = [1]} : vector<16xi32> to vector<1xi32>
        %squeeze3A_670 = vector.extract %slice3A_669[0] : i32 from vector<1xi32>
        %eq3A_671 = arith.constant 0 : i32
        %eq3A_672 = arith.cmpi eq, %squeeze3A_670, %eq3A_671 : i32
        %select_n3A_673 = arith.select %eq3A_672, %get3A_210, %get3A_215 : vector<16xf32>
        %add3A_674 = arith.constant 10 : i32
        %add3A_675 = arith.addi %mul3A_533, %add3A_674 : i32
        %swap3A_676 = arith.constant 1 : i32
        %swap3A_677 = arith.index_cast %swap3A_676 : i32 to index
        %swap3A_678 = arith.index_cast %add3A_675 : i32 to index
        %swap3A_679 = arith.constant 0 : index
        %swap3A_680 = tpu.vector_load %arg11[%swap3A_677, %swap3A_678, %swap3A_679] {strides = array<i32>} : memref<5x128x16xf32, #tpu.memory_space<vmem>>, vector<1x1x16xf32>,
        %swap3A_681 = vector.shape_cast %swap3A_680 : vector<1x1x16xf32> to vector<16xf32>
        %swap3A_682 = vector.shape_cast %select_n3A_673 : vector<16xf32> to vector<1x1x16xf32>
        tpu.vector_store %arg11[%swap3A_677, %swap3A_678, %swap3A_679], %swap3A_682 {strides = array<i32>} : memref<5x128x16xf32, #tpu.memory_space<vmem>>, vector<1x1x16xf32>,
        %slice3A_683 = vector.extract_strided_slice %get3A_531 {offsets = [11], sizes = [1], strides = [1]} : vector<16xi32> to vector<1xi32>
        %squeeze3A_684 = vector.extract %slice3A_683[0] : i32 from vector<1xi32>
        %eq3A_685 = arith.constant 0 : i32
        %eq3A_686 = arith.cmpi eq, %squeeze3A_684, %eq3A_685 : i32
        %select_n3A_687 = arith.select %eq3A_686, %get3A_210, %get3A_215 : vector<16xf32>
        %add3A_688 = arith.constant 11 : i32
        %add3A_689 = arith.addi %mul3A_533, %add3A_688 : i32
        %swap3A_690 = arith.constant 1 : i32
        %swap3A_691 = arith.index_cast %swap3A_690 : i32 to index
        %swap3A_692 = arith.index_cast %add3A_689 : i32 to index
        %swap3A_693 = arith.constant 0 : index
        %swap3A_694 = tpu.vector_load %arg11[%swap3A_691, %swap3A_692, %swap3A_693] {strides = array<i32>} : memref<5x128x16xf32, #tpu.memory_space<vmem>>, vector<1x1x16xf32>,
        %swap3A_695 = vector.shape_cast %swap3A_694 : vector<1x1x16xf32> to vector<16xf32>
        %swap3A_696 = vector.shape_cast %select_n3A_687 : vector<16xf32> to vector<1x1x16xf32>
        tpu.vector_store %arg11[%swap3A_691, %swap3A_692, %swap3A_693], %swap3A_696 {strides = array<i32>} : memref<5x128x16xf32, #tpu.memory_space<vmem>>, vector<1x1x16xf32>,
        %slice3A_697 = vector.extract_strided_slice %get3A_531 {offsets = [12], sizes = [1], strides = [1]} : vector<16xi32> to vector<1xi32>
        %squeeze3A_698 = vector.extract %slice3A_697[0] : i32 from vector<1xi32>
        %eq3A_699 = arith.constant 0 : i32
        %eq3A_700 = arith.cmpi eq, %squeeze3A_698, %eq3A_699 : i32
        %select_n3A_701 = arith.select %eq3A_700, %get3A_210, %get3A_215 : vector<16xf32>
        %add3A_702 = arith.constant 12 : i32
        %add3A_703 = arith.addi %mul3A_533, %add3A_702 : i32
        %swap3A_704 = arith.constant 1 : i32
        %swap3A_705 = arith.index_cast %swap3A_704 : i32 to index
        %swap3A_706 = arith.index_cast %add3A_703 : i32 to index
        %swap3A_707 = arith.constant 0 : index
        %swap3A_708 = tpu.vector_load %arg11[%swap3A_705, %swap3A_706, %swap3A_707] {strides = array<i32>} : memref<5x128x16xf32, #tpu.memory_space<vmem>>, vector<1x1x16xf32>,
        %swap3A_709 = vector.shape_cast %swap3A_708 : vector<1x1x16xf32> to vector<16xf32>
        %swap3A_710 = vector.shape_cast %select_n3A_701 : vector<16xf32> to vector<1x1x16xf32>
        tpu.vector_store %arg11[%swap3A_705, %swap3A_706, %swap3A_707], %swap3A_710 {strides = array<i32>} : memref<5x128x16xf32, #tpu.memory_space<vmem>>, vector<1x1x16xf32>,
        %slice3A_711 = vector.extract_strided_slice %get3A_531 {offsets = [13], sizes = [1], strides = [1]} : vector<16xi32> to vector<1xi32>
        %squeeze3A_712 = vector.extract %slice3A_711[0] : i32 from vector<1xi32>
        %eq3A_713 = arith.constant 0 : i32
        %eq3A_714 = arith.cmpi eq, %squeeze3A_712, %eq3A_713 : i32
        %select_n3A_715 = arith.select %eq3A_714, %get3A_210, %get3A_215 : vector<16xf32>
        %add3A_716 = arith.constant 13 : i32
        %add3A_717 = arith.addi %mul3A_533, %add3A_716 : i32
        %swap3A_718 = arith.constant 1 : i32
        %swap3A_719 = arith.index_cast %swap3A_718 : i32 to index
        %swap3A_720 = arith.index_cast %add3A_717 : i32 to index
        %swap3A_721 = arith.constant 0 : index
        %swap3A_722 = tpu.vector_load %arg11[%swap3A_719, %swap3A_720, %swap3A_721] {strides = array<i32>} : memref<5x128x16xf32, #tpu.memory_space<vmem>>, vector<1x1x16xf32>,
        %swap3A_723 = vector.shape_cast %swap3A_722 : vector<1x1x16xf32> to vector<16xf32>
        %swap3A_724 = vector.shape_cast %select_n3A_715 : vector<16xf32> to vector<1x1x16xf32>
        tpu.vector_store %arg11[%swap3A_719, %swap3A_720, %swap3A_721], %swap3A_724 {strides = array<i32>} : memref<5x128x16xf32, #tpu.memory_space<vmem>>, vector<1x1x16xf32>,
        %slice3A_725 = vector.extract_strided_slice %get3A_531 {offsets = [14], sizes = [1], strides = [1]} : vector<16xi32> to vector<1xi32>
        %squeeze3A_726 = vector.extract %slice3A_725[0] : i32 from vector<1xi32>
        %eq3A_727 = arith.constant 0 : i32
        %eq3A_728 = arith.cmpi eq, %squeeze3A_726, %eq3A_727 : i32
        %select_n3A_729 = arith.select %eq3A_728, %get3A_210, %get3A_215 : vector<16xf32>
        %add3A_730 = arith.constant 14 : i32
        %add3A_731 = arith.addi %mul3A_533, %add3A_730 : i32
        %swap3A_732 = arith.constant 1 : i32
        %swap3A_733 = arith.index_cast %swap3A_732 : i32 to index
        %swap3A_734 = arith.index_cast %add3A_731 : i32 to index
        %swap3A_735 = arith.constant 0 : index
        %swap3A_736 = tpu.vector_load %arg11[%swap3A_733, %swap3A_734, %swap3A_735] {strides = array<i32>} : memref<5x128x16xf32, #tpu.memory_space<vmem>>, vector<1x1x16xf32>,
        %swap3A_737 = vector.shape_cast %swap3A_736 : vector<1x1x16xf32> to vector<16xf32>
        %swap3A_738 = vector.shape_cast %select_n3A_729 : vector<16xf32> to vector<1x1x16xf32>
        tpu.vector_store %arg11[%swap3A_733, %swap3A_734, %swap3A_735], %swap3A_738 {strides = array<i32>} : memref<5x128x16xf32, #tpu.memory_space<vmem>>, vector<1x1x16xf32>,
        %slice3A_739 = vector.extract_strided_slice %get3A_531 {offsets = [15], sizes = [1], strides = [1]} : vector<16xi32> to vector<1xi32>
        %squeeze3A_740 = vector.extract %slice3A_739[0] : i32 from vector<1xi32>
        %eq3A_741 = arith.constant 0 : i32
        %eq3A_742 = arith.cmpi eq, %squeeze3A_740, %eq3A_741 : i32
        %select_n3A_743 = arith.select %eq3A_742, %get3A_210, %get3A_215 : vector<16xf32>
        %add3A_744 = arith.constant 15 : i32
        %add3A_745 = arith.addi %mul3A_533, %add3A_744 : i32
        %swap3A_746 = arith.constant 1 : i32
        %swap3A_747 = arith.index_cast %swap3A_746 : i32 to index
        %swap3A_748 = arith.index_cast %add3A_745 : i32 to index
        %swap3A_749 = arith.constant 0 : index
        %swap3A_750 = tpu.vector_load %arg11[%swap3A_747, %swap3A_748, %swap3A_749] {strides = array<i32>} : memref<5x128x16xf32, #tpu.memory_space<vmem>>, vector<1x1x16xf32>,
        %swap3A_751 = vector.shape_cast %swap3A_750 : vector<1x1x16xf32> to vector<16xf32>
        %swap3A_752 = vector.shape_cast %select_n3A_743 : vector<16xf32> to vector<1x1x16xf32>
        tpu.vector_store %arg11[%swap3A_747, %swap3A_748, %swap3A_749], %swap3A_752 {strides = array<i32>} : memref<5x128x16xf32, #tpu.memory_space<vmem>>, vector<1x1x16xf32>,
      }
      %scan3A_221 = arith.constant 8 : i32
      %dma_wait3A_222 = arith.constant 0 : i32
      %dma_wait3A_223 = arith.constant 1 : i32
      %dma_wait3A_224 = arith.constant 0 : i32
      %dma_wait3A_225 = arith.constant 0 : i32
      %dma_wait3A_226 = tpu.memref_slice %arg10[%dma_wait3A_223, %dma_wait3A_224, %dma_wait3A_225] : memref<5x128x64xf32, #tpu.memory_space<vmem>> -> memref<1x128x64xf32, #tpu.memory_space<vmem>>
      %dma_wait3A_227 = tpu.memref_squeeze %dma_wait3A_226 : memref<1x128x64xf32, #tpu.memory_space<vmem>> -> memref<128x64xf32, #tpu.memory_space<vmem>>
      %dma_wait3A_228 = arith.constant 0 : i32
      %dma_wait3A_229 = tpu.memref_slice %arg7[%dma_wait3A_222, %dma_wait3A_228] : memref<50x128xi32, #tpu.memory_space<vmem>> -> memref<1x128xi32, #tpu.memory_space<vmem>>
      %dma_wait3A_230 = tpu.memref_squeeze %dma_wait3A_229 : memref<1x128xi32, #tpu.memory_space<vmem>> -> memref<128xi32, #tpu.memory_space<vmem>>
      %dma_wait3A_231 = arith.constant 0 : i32
      %dma_wait3A_232 = arith.constant 0 : i32
      %dma_wait3A_233 = tpu.memref_slice %arg4[%dma_wait3A_231, %dma_wait3A_232] : memref<1000000x64xf32, #tpu.memory_space<hbm>> -> memref<1000000x64xf32, #tpu.memory_space<hbm>>
      tpu.wait_indirect_dma semaphore(%arg13 : memref<!tpu.dma_semaphore, #tpu.memory_space<semaphore_mem>>) src(%dma_wait3A_233 : memref<1000000x64xf32, #tpu.memory_space<hbm>>) dst(%dma_wait3A_227 : memref<128x64xf32, #tpu.memory_space<vmem>>)
      %mul3A_234 = arith.constant 128 : i32
      %mul3A_235 = arith.muli %add3A_187, %mul3A_234 : i32
      %add3A_236 = arith.addi %mul3A_2, %mul3A_235 : i32
      %dma_start3A_237 = arith.constant 1 : i32
      %dma_start3A_238 = arith.constant 0 : i32
      %dma_start3A_239 = arith.constant 0 : i32
      %dma_start3A_240 = tpu.memref_slice %arg10[%dma_start3A_237, %dma_start3A_238, %dma_start3A_239] : memref<5x128x64xf32, #tpu.memory_space<vmem>> -> memref<1x128x64xf32, #tpu.memory_space<vmem>>
      %dma_start3A_241 = tpu.memref_squeeze %dma_start3A_240 : memref<1x128x64xf32, #tpu.memory_space<vmem>> -> memref<128x64xf32, #tpu.memory_space<vmem>>
      %dma_start3A_242 = arith.constant 0 : i32
      %dma_start3A_243 = tpu.memref_slice %arg6[%add3A_236, %dma_start3A_242] : memref<204800x80xf32, #tpu.memory_space<hbm>> -> memref<128x64xf32, #tpu.memory_space<hbm>>
      %dma_start3A_244 = arith.constant 0 : i32
      %dma_start3A_245 = tpu.memref_slice %arg6[%add3A_236, %dma_start3A_244] : memref<204800x80xf32, #tpu.memory_space<hbm>> -> memref<128x64xf32, #tpu.memory_space<hbm>>
      %dma_start3A_246 = arith.constant 0 : i32
      %dma_start3A_247 = arith.constant 0 : i32
      %dma_start3A_248 = tpu.memref_slice %arg10[%dma_start3A_237, %dma_start3A_246, %dma_start3A_247] : memref<5x128x64xf32, #tpu.memory_space<vmem>> -> memref<1x128x64xf32, #tpu.memory_space<vmem>>
      %dma_start3A_249 = tpu.memref_squeeze %dma_start3A_248 : memref<1x128x64xf32, #tpu.memory_space<vmem>> -> memref<128x64xf32, #tpu.memory_space<vmem>>
      tpu.enqueue_dma source(%dma_start3A_249 : memref<128x64xf32, #tpu.memory_space<vmem>>) target(%dma_start3A_245 : memref<128x64xf32, #tpu.memory_space<hbm>>) target_semaphore(%arg18 : memref<!tpu.dma_semaphore, #tpu.memory_space<semaphore_mem>>)
      %dma_start3A_250 = arith.constant 1 : i32
      %dma_start3A_251 = arith.constant 0 : i32
      %dma_start3A_252 = arith.constant 0 : i32
      %dma_start3A_253 = tpu.memref_slice %arg11[%dma_start3A_250, %dma_start3A_251, %dma_start3A_252] : memref<5x128x16xf32, #tpu.memory_space<vmem>> -> memref<1x128x16xf32, #tpu.memory_space<vmem>>
      %dma_start3A_254 = tpu.memref_squeeze %dma_start3A_253 : memref<1x128x16xf32, #tpu.memory_space<vmem>> -> memref<128x16xf32, #tpu.memory_space<vmem>>
      %dma_start3A_255 = arith.constant 64 : i32
      %dma_start3A_256 = tpu.memref_slice %arg6[%add3A_236, %dma_start3A_255] : memref<204800x80xf32, #tpu.memory_space<hbm>> -> memref<128x16xf32, #tpu.memory_space<hbm>>
      %dma_start3A_257 = arith.constant 64 : i32
      %dma_start3A_258 = tpu.memref_slice %arg6[%add3A_236, %dma_start3A_257] : memref<204800x80xf32, #tpu.memory_space<hbm>> -> memref<128x16xf32, #tpu.memory_space<hbm>>
      %dma_start3A_259 = arith.constant 0 : i32
      %dma_start3A_260 = arith.constant 0 : i32
      %dma_start3A_261 = tpu.memref_slice %arg11[%dma_start3A_250, %dma_start3A_259, %dma_start3A_260] : memref<5x128x16xf32, #tpu.memory_space<vmem>> -> memref<1x128x16xf32, #tpu.memory_space<vmem>>
      %dma_start3A_262 = tpu.memref_squeeze %dma_start3A_261 : memref<1x128x16xf32, #tpu.memory_space<vmem>> -> memref<128x16xf32, #tpu.memory_space<vmem>>
      tpu.enqueue_dma source(%dma_start3A_262 : memref<128x16xf32, #tpu.memory_space<vmem>>) target(%dma_start3A_258 : memref<128x16xf32, #tpu.memory_space<hbm>>) target_semaphore(%arg23 : memref<!tpu.dma_semaphore, #tpu.memory_space<semaphore_mem>>)
      %mul3A_263 = arith.constant 5 : i32
      %mul3A_264 = arith.muli %scan3A_108, %mul3A_263 : i32
      %add3A_265 = arith.constant 2 : i32
      %add3A_266 = arith.addi %mul3A_264, %add3A_265 : i32
      %gt3A_267 = arith.constant 0 : i32
      %gt3A_268 = arith.cmpi sgt, %scan3A_108, %gt3A_267 : i32
      %convert_element_type3A_269 = arith.extui %gt3A_268 : i1 to i32
      %cond3A_270 = arith.constant 0 : i32
      %cond3A_271 = arith.cmpi ne, %convert_element_type3A_269, %cond3A_270 : i32
      scf.if %cond3A_271 {
        %dma_wait3A_525 = arith.constant 4 : i32
        %dma_wait3A_526 = arith.constant 0 : i32
        %dma_wait3A_527 = arith.constant 0 : i32
        %dma_wait3A_528 = tpu.memref_slice %arg10[%dma_wait3A_525, %dma_wait3A_526, %dma_wait3A_527] : memref<5x128x64xf32, #tpu.memory_space<vmem>> -> memref<1x128x64xf32, #tpu.memory_space<vmem>>
        %dma_wait3A_529 = tpu.memref_squeeze %dma_wait3A_528 : memref<1x128x64xf32, #tpu.memory_space<vmem>> -> memref<128x64xf32, #tpu.memory_space<vmem>>
        %dma_wait3A_530 = arith.constant 0 : i32
        %dma_wait3A_531 = tpu.memref_slice %arg6[%mul3A_2, %dma_wait3A_530] : memref<204800x80xf32, #tpu.memory_space<hbm>> -> memref<128x64xf32, #tpu.memory_space<hbm>>
        %dma_wait3A_532 = arith.constant 0 : i32
        %dma_wait3A_533 = tpu.memref_slice %arg6[%mul3A_2, %dma_wait3A_532] : memref<204800x80xf32, #tpu.memory_space<hbm>> -> memref<128x64xf32, #tpu.memory_space<hbm>>
        %dma_wait3A_534 = arith.constant 0 : i32
        %dma_wait3A_535 = arith.constant 0 : i32
        %dma_wait3A_536 = tpu.memref_slice %arg10[%dma_wait3A_525, %dma_wait3A_534, %dma_wait3A_535] : memref<5x128x64xf32, #tpu.memory_space<vmem>> -> memref<1x128x64xf32, #tpu.memory_space<vmem>>
        %dma_wait3A_537 = tpu.memref_squeeze %dma_wait3A_536 : memref<1x128x64xf32, #tpu.memory_space<vmem>> -> memref<128x64xf32, #tpu.memory_space<vmem>>
        tpu.wait_dma2 semaphore(%arg21 : memref<!tpu.dma_semaphore, #tpu.memory_space<semaphore_mem>>) src(%dma_wait3A_537 : memref<128x64xf32, #tpu.memory_space<vmem>>) dst(%dma_wait3A_533 : memref<128x64xf32, #tpu.memory_space<hbm>>)
        %dma_wait3A_538 = arith.constant 4 : i32
        %dma_wait3A_539 = arith.constant 0 : i32
        %dma_wait3A_540 = arith.constant 0 : i32
        %dma_wait3A_541 = tpu.memref_slice %arg11[%dma_wait3A_538, %dma_wait3A_539, %dma_wait3A_540] : memref<5x128x16xf32, #tpu.memory_space<vmem>> -> memref<1x128x16xf32, #tpu.memory_space<vmem>>
        %dma_wait3A_542 = tpu.memref_squeeze %dma_wait3A_541 : memref<1x128x16xf32, #tpu.memory_space<vmem>> -> memref<128x16xf32, #tpu.memory_space<vmem>>
        %dma_wait3A_543 = arith.constant 64 : i32
        %dma_wait3A_544 = tpu.memref_slice %arg6[%mul3A_2, %dma_wait3A_543] : memref<204800x80xf32, #tpu.memory_space<hbm>> -> memref<128x16xf32, #tpu.memory_space<hbm>>
        %dma_wait3A_545 = arith.constant 64 : i32
        %dma_wait3A_546 = tpu.memref_slice %arg6[%mul3A_2, %dma_wait3A_545] : memref<204800x80xf32, #tpu.memory_space<hbm>> -> memref<128x16xf32, #tpu.memory_space<hbm>>
        %dma_wait3A_547 = arith.constant 0 : i32
        %dma_wait3A_548 = arith.constant 0 : i32
        %dma_wait3A_549 = tpu.memref_slice %arg11[%dma_wait3A_538, %dma_wait3A_547, %dma_wait3A_548] : memref<5x128x16xf32, #tpu.memory_space<vmem>> -> memref<1x128x16xf32, #tpu.memory_space<vmem>>
        %dma_wait3A_550 = tpu.memref_squeeze %dma_wait3A_549 : memref<1x128x16xf32, #tpu.memory_space<vmem>> -> memref<128x16xf32, #tpu.memory_space<vmem>>
        tpu.wait_dma2 semaphore(%arg26 : memref<!tpu.dma_semaphore, #tpu.memory_space<semaphore_mem>>) src(%dma_wait3A_550 : memref<128x16xf32, #tpu.memory_space<vmem>>) dst(%dma_wait3A_546 : memref<128x16xf32, #tpu.memory_space<hbm>>)
      } else {
      }
      %add3A_272 = arith.constant 2 : i32
      %add3A_273 = arith.addi %add3A_266, %add3A_272 : i32
      %dma_start3A_274 = arith.constant 4 : i32
      %dma_start3A_275 = arith.constant 0 : i32
      %dma_start3A_276 = arith.constant 0 : i32
      %dma_start3A_277 = tpu.memref_slice %arg10[%dma_start3A_274, %dma_start3A_275, %dma_start3A_276] : memref<5x128x64xf32, #tpu.memory_space<vmem>> -> memref<1x128x64xf32, #tpu.memory_space<vmem>>
      %dma_start3A_278 = tpu.memref_squeeze %dma_start3A_277 : memref<1x128x64xf32, #tpu.memory_space<vmem>> -> memref<128x64xf32, #tpu.memory_space<vmem>>
      %dma_start3A_279 = arith.constant 0 : i32
      %dma_start3A_280 = tpu.memref_slice %arg7[%add3A_273, %dma_start3A_279] : memref<50x128xi32, #tpu.memory_space<vmem>> -> memref<1x128xi32, #tpu.memory_space<vmem>>
      %dma_start3A_281 = tpu.memref_squeeze %dma_start3A_280 : memref<1x128xi32, #tpu.memory_space<vmem>> -> memref<128xi32, #tpu.memory_space<vmem>>
      %dma_start3A_282 = arith.constant 0 : i32
      %dma_start3A_283 = arith.constant 0 : i32
      %dma_start3A_284 = tpu.memref_slice %arg4[%dma_start3A_282, %dma_start3A_283] : memref<1000000x64xf32, #tpu.memory_space<hbm>> -> memref<1000000x64xf32, #tpu.memory_space<hbm>>
      tpu.enqueue_indirect_dma source(%dma_start3A_284 : memref<1000000x64xf32, #tpu.memory_space<hbm>>) target(%dma_start3A_278 : memref<128x64xf32, #tpu.memory_space<vmem>>) offsets(%dma_start3A_281 : memref<128xi32, #tpu.memory_space<vmem>>) semaphore(%arg16 : memref<!tpu.dma_semaphore, #tpu.memory_space<semaphore_mem>>)
      %get3A_285 = arith.constant 0 : i32
      %get3A_286 = arith.index_cast %get3A_285 : i32 to index
      %get3A_287 = arith.constant 0 : index
      %get3A_288 = tpu.vector_load %arg9[%get3A_286, %get3A_287] {strides = array<i32>} : memref<2x16xf32, #tpu.memory_space<vmem>>, vector<1x16xf32>,
      %get3A_289 = vector.shape_cast %get3A_288 : vector<1x16xf32> to vector<16xf32>
      %get3A_290 = arith.constant 1 : i32
      %get3A_291 = arith.index_cast %get3A_290 : i32 to index
      %get3A_292 = arith.constant 0 : index
      %get3A_293 = tpu.vector_load %arg9[%get3A_291, %get3A_292] {strides = array<i32>} : memref<2x16xf32, #tpu.memory_space<vmem>>, vector<1x16xf32>,
      %get3A_294 = vector.shape_cast %get3A_293 : vector<1x16xf32> to vector<16xf32>
      %scan3A_295 = arith.constant 0 : i32
      %scan3A_296 = arith.constant 0 : i32
      %scan3A_297 = arith.constant 8 : i32
      %scan3A_298 = arith.addi %scan3A_296, %scan3A_297 : i32
      %scan3A_299 = arith.constant 1 : i32
      scf.for %scan3A_525 = %scan3A_296 to %scan3A_298 step %scan3A_299  : i32 {
        %mul3A_526 = arith.constant 16 : i32
        %mul3A_527 = arith.muli %scan3A_525, %mul3A_526 : i32
        %get3A_528 = arith.index_cast %add3A_266 : i32 to index
        %get3A_529 = arith.index_cast %mul3A_527 : i32 to index
        %get3A_530 = tpu.vector_load %arg8[%get3A_528, %get3A_529] {strides = array<i32>} : memref<50x128xi32, #tpu.memory_space<vmem>>, vector<1x16xi32>,
        %get3A_531 = vector.shape_cast %get3A_530 : vector<1x16xi32> to vector<16xi32>
        %mul3A_532 = arith.constant 16 : i32
        %mul3A_533 = arith.muli %scan3A_525, %mul3A_532 : i32
        %slice3A = vector.extract_strided_slice %get3A_531 {offsets = [0], sizes = [1], strides = [1]} : vector<16xi32> to vector<1xi32>
        %squeeze3A = vector.extract %slice3A[0] : i32 from vector<1xi32>
        %eq3A = arith.constant 0 : i32
        %eq3A_534 = arith.cmpi eq, %squeeze3A, %eq3A : i32
        %select_n3A = arith.select %eq3A_534, %get3A_289, %get3A_294 : vector<16xf32>
        %add3A_535 = arith.constant 0 : i32
        %add3A_536 = arith.addi %mul3A_533, %add3A_535 : i32
        %swap3A = arith.constant 2 : i32
        %swap3A_537 = arith.index_cast %swap3A : i32 to index
        %swap3A_538 = arith.index_cast %add3A_536 : i32 to index
        %swap3A_539 = arith.constant 0 : index
        %swap3A_540 = tpu.vector_load %arg11[%swap3A_537, %swap3A_538, %swap3A_539] {strides = array<i32>} : memref<5x128x16xf32, #tpu.memory_space<vmem>>, vector<1x1x16xf32>,
        %swap3A_541 = vector.shape_cast %swap3A_540 : vector<1x1x16xf32> to vector<16xf32>
        %swap3A_542 = vector.shape_cast %select_n3A : vector<16xf32> to vector<1x1x16xf32>
        tpu.vector_store %arg11[%swap3A_537, %swap3A_538, %swap3A_539], %swap3A_542 {strides = array<i32>} : memref<5x128x16xf32, #tpu.memory_space<vmem>>, vector<1x1x16xf32>,
        %slice3A_543 = vector.extract_strided_slice %get3A_531 {offsets = [1], sizes = [1], strides = [1]} : vector<16xi32> to vector<1xi32>
        %squeeze3A_544 = vector.extract %slice3A_543[0] : i32 from vector<1xi32>
        %eq3A_545 = arith.constant 0 : i32
        %eq3A_546 = arith.cmpi eq, %squeeze3A_544, %eq3A_545 : i32
        %select_n3A_547 = arith.select %eq3A_546, %get3A_289, %get3A_294 : vector<16xf32>
        %add3A_548 = arith.constant 1 : i32
        %add3A_549 = arith.addi %mul3A_533, %add3A_548 : i32
        %swap3A_550 = arith.constant 2 : i32
        %swap3A_551 = arith.index_cast %swap3A_550 : i32 to index
        %swap3A_552 = arith.index_cast %add3A_549 : i32 to index
        %swap3A_553 = arith.constant 0 : index
        %swap3A_554 = tpu.vector_load %arg11[%swap3A_551, %swap3A_552, %swap3A_553] {strides = array<i32>} : memref<5x128x16xf32, #tpu.memory_space<vmem>>, vector<1x1x16xf32>,
        %swap3A_555 = vector.shape_cast %swap3A_554 : vector<1x1x16xf32> to vector<16xf32>
        %swap3A_556 = vector.shape_cast %select_n3A_547 : vector<16xf32> to vector<1x1x16xf32>
        tpu.vector_store %arg11[%swap3A_551, %swap3A_552, %swap3A_553], %swap3A_556 {strides = array<i32>} : memref<5x128x16xf32, #tpu.memory_space<vmem>>, vector<1x1x16xf32>,
        %slice3A_557 = vector.extract_strided_slice %get3A_531 {offsets = [2], sizes = [1], strides = [1]} : vector<16xi32> to vector<1xi32>
        %squeeze3A_558 = vector.extract %slice3A_557[0] : i32 from vector<1xi32>
        %eq3A_559 = arith.constant 0 : i32
        %eq3A_560 = arith.cmpi eq, %squeeze3A_558, %eq3A_559 : i32
        %select_n3A_561 = arith.select %eq3A_560, %get3A_289, %get3A_294 : vector<16xf32>
        %add3A_562 = arith.constant 2 : i32
        %add3A_563 = arith.addi %mul3A_533, %add3A_562 : i32
        %swap3A_564 = arith.constant 2 : i32
        %swap3A_565 = arith.index_cast %swap3A_564 : i32 to index
        %swap3A_566 = arith.index_cast %add3A_563 : i32 to index
        %swap3A_567 = arith.constant 0 : index
        %swap3A_568 = tpu.vector_load %arg11[%swap3A_565, %swap3A_566, %swap3A_567] {strides = array<i32>} : memref<5x128x16xf32, #tpu.memory_space<vmem>>, vector<1x1x16xf32>,
        %swap3A_569 = vector.shape_cast %swap3A_568 : vector<1x1x16xf32> to vector<16xf32>
        %swap3A_570 = vector.shape_cast %select_n3A_561 : vector<16xf32> to vector<1x1x16xf32>
        tpu.vector_store %arg11[%swap3A_565, %swap3A_566, %swap3A_567], %swap3A_570 {strides = array<i32>} : memref<5x128x16xf32, #tpu.memory_space<vmem>>, vector<1x1x16xf32>,
        %slice3A_571 = vector.extract_strided_slice %get3A_531 {offsets = [3], sizes = [1], strides = [1]} : vector<16xi32> to vector<1xi32>
        %squeeze3A_572 = vector.extract %slice3A_571[0] : i32 from vector<1xi32>
        %eq3A_573 = arith.constant 0 : i32
        %eq3A_574 = arith.cmpi eq, %squeeze3A_572, %eq3A_573 : i32
        %select_n3A_575 = arith.select %eq3A_574, %get3A_289, %get3A_294 : vector<16xf32>
        %add3A_576 = arith.constant 3 : i32
        %add3A_577 = arith.addi %mul3A_533, %add3A_576 : i32
        %swap3A_578 = arith.constant 2 : i32
        %swap3A_579 = arith.index_cast %swap3A_578 : i32 to index
        %swap3A_580 = arith.index_cast %add3A_577 : i32 to index
        %swap3A_581 = arith.constant 0 : index
        %swap3A_582 = tpu.vector_load %arg11[%swap3A_579, %swap3A_580, %swap3A_581] {strides = array<i32>} : memref<5x128x16xf32, #tpu.memory_space<vmem>>, vector<1x1x16xf32>,
        %swap3A_583 = vector.shape_cast %swap3A_582 : vector<1x1x16xf32> to vector<16xf32>
        %swap3A_584 = vector.shape_cast %select_n3A_575 : vector<16xf32> to vector<1x1x16xf32>
        tpu.vector_store %arg11[%swap3A_579, %swap3A_580, %swap3A_581], %swap3A_584 {strides = array<i32>} : memref<5x128x16xf32, #tpu.memory_space<vmem>>, vector<1x1x16xf32>,
        %slice3A_585 = vector.extract_strided_slice %get3A_531 {offsets = [4], sizes = [1], strides = [1]} : vector<16xi32> to vector<1xi32>
        %squeeze3A_586 = vector.extract %slice3A_585[0] : i32 from vector<1xi32>
        %eq3A_587 = arith.constant 0 : i32
        %eq3A_588 = arith.cmpi eq, %squeeze3A_586, %eq3A_587 : i32
        %select_n3A_589 = arith.select %eq3A_588, %get3A_289, %get3A_294 : vector<16xf32>
        %add3A_590 = arith.constant 4 : i32
        %add3A_591 = arith.addi %mul3A_533, %add3A_590 : i32
        %swap3A_592 = arith.constant 2 : i32
        %swap3A_593 = arith.index_cast %swap3A_592 : i32 to index
        %swap3A_594 = arith.index_cast %add3A_591 : i32 to index
        %swap3A_595 = arith.constant 0 : index
        %swap3A_596 = tpu.vector_load %arg11[%swap3A_593, %swap3A_594, %swap3A_595] {strides = array<i32>} : memref<5x128x16xf32, #tpu.memory_space<vmem>>, vector<1x1x16xf32>,
        %swap3A_597 = vector.shape_cast %swap3A_596 : vector<1x1x16xf32> to vector<16xf32>
        %swap3A_598 = vector.shape_cast %select_n3A_589 : vector<16xf32> to vector<1x1x16xf32>
        tpu.vector_store %arg11[%swap3A_593, %swap3A_594, %swap3A_595], %swap3A_598 {strides = array<i32>} : memref<5x128x16xf32, #tpu.memory_space<vmem>>, vector<1x1x16xf32>,
        %slice3A_599 = vector.extract_strided_slice %get3A_531 {offsets = [5], sizes = [1], strides = [1]} : vector<16xi32> to vector<1xi32>
        %squeeze3A_600 = vector.extract %slice3A_599[0] : i32 from vector<1xi32>
        %eq3A_601 = arith.constant 0 : i32
        %eq3A_602 = arith.cmpi eq, %squeeze3A_600, %eq3A_601 : i32
        %select_n3A_603 = arith.select %eq3A_602, %get3A_289, %get3A_294 : vector<16xf32>
        %add3A_604 = arith.constant 5 : i32
        %add3A_605 = arith.addi %mul3A_533, %add3A_604 : i32
        %swap3A_606 = arith.constant 2 : i32
        %swap3A_607 = arith.index_cast %swap3A_606 : i32 to index
        %swap3A_608 = arith.index_cast %add3A_605 : i32 to index
        %swap3A_609 = arith.constant 0 : index
        %swap3A_610 = tpu.vector_load %arg11[%swap3A_607, %swap3A_608, %swap3A_609] {strides = array<i32>} : memref<5x128x16xf32, #tpu.memory_space<vmem>>, vector<1x1x16xf32>,
        %swap3A_611 = vector.shape_cast %swap3A_610 : vector<1x1x16xf32> to vector<16xf32>
        %swap3A_612 = vector.shape_cast %select_n3A_603 : vector<16xf32> to vector<1x1x16xf32>
        tpu.vector_store %arg11[%swap3A_607, %swap3A_608, %swap3A_609], %swap3A_612 {strides = array<i32>} : memref<5x128x16xf32, #tpu.memory_space<vmem>>, vector<1x1x16xf32>,
        %slice3A_613 = vector.extract_strided_slice %get3A_531 {offsets = [6], sizes = [1], strides = [1]} : vector<16xi32> to vector<1xi32>
        %squeeze3A_614 = vector.extract %slice3A_613[0] : i32 from vector<1xi32>
        %eq3A_615 = arith.constant 0 : i32
        %eq3A_616 = arith.cmpi eq, %squeeze3A_614, %eq3A_615 : i32
        %select_n3A_617 = arith.select %eq3A_616, %get3A_289, %get3A_294 : vector<16xf32>
        %add3A_618 = arith.constant 6 : i32
        %add3A_619 = arith.addi %mul3A_533, %add3A_618 : i32
        %swap3A_620 = arith.constant 2 : i32
        %swap3A_621 = arith.index_cast %swap3A_620 : i32 to index
        %swap3A_622 = arith.index_cast %add3A_619 : i32 to index
        %swap3A_623 = arith.constant 0 : index
        %swap3A_624 = tpu.vector_load %arg11[%swap3A_621, %swap3A_622, %swap3A_623] {strides = array<i32>} : memref<5x128x16xf32, #tpu.memory_space<vmem>>, vector<1x1x16xf32>,
        %swap3A_625 = vector.shape_cast %swap3A_624 : vector<1x1x16xf32> to vector<16xf32>
        %swap3A_626 = vector.shape_cast %select_n3A_617 : vector<16xf32> to vector<1x1x16xf32>
        tpu.vector_store %arg11[%swap3A_621, %swap3A_622, %swap3A_623], %swap3A_626 {strides = array<i32>} : memref<5x128x16xf32, #tpu.memory_space<vmem>>, vector<1x1x16xf32>,
        %slice3A_627 = vector.extract_strided_slice %get3A_531 {offsets = [7], sizes = [1], strides = [1]} : vector<16xi32> to vector<1xi32>
        %squeeze3A_628 = vector.extract %slice3A_627[0] : i32 from vector<1xi32>
        %eq3A_629 = arith.constant 0 : i32
        %eq3A_630 = arith.cmpi eq, %squeeze3A_628, %eq3A_629 : i32
        %select_n3A_631 = arith.select %eq3A_630, %get3A_289, %get3A_294 : vector<16xf32>
        %add3A_632 = arith.constant 7 : i32
        %add3A_633 = arith.addi %mul3A_533, %add3A_632 : i32
        %swap3A_634 = arith.constant 2 : i32
        %swap3A_635 = arith.index_cast %swap3A_634 : i32 to index
        %swap3A_636 = arith.index_cast %add3A_633 : i32 to index
        %swap3A_637 = arith.constant 0 : index
        %swap3A_638 = tpu.vector_load %arg11[%swap3A_635, %swap3A_636, %swap3A_637] {strides = array<i32>} : memref<5x128x16xf32, #tpu.memory_space<vmem>>, vector<1x1x16xf32>,
        %swap3A_639 = vector.shape_cast %swap3A_638 : vector<1x1x16xf32> to vector<16xf32>
        %swap3A_640 = vector.shape_cast %select_n3A_631 : vector<16xf32> to vector<1x1x16xf32>
        tpu.vector_store %arg11[%swap3A_635, %swap3A_636, %swap3A_637], %swap3A_640 {strides = array<i32>} : memref<5x128x16xf32, #tpu.memory_space<vmem>>, vector<1x1x16xf32>,
        %slice3A_641 = vector.extract_strided_slice %get3A_531 {offsets = [8], sizes = [1], strides = [1]} : vector<16xi32> to vector<1xi32>
        %squeeze3A_642 = vector.extract %slice3A_641[0] : i32 from vector<1xi32>
        %eq3A_643 = arith.constant 0 : i32
        %eq3A_644 = arith.cmpi eq, %squeeze3A_642, %eq3A_643 : i32
        %select_n3A_645 = arith.select %eq3A_644, %get3A_289, %get3A_294 : vector<16xf32>
        %add3A_646 = arith.constant 8 : i32
        %add3A_647 = arith.addi %mul3A_533, %add3A_646 : i32
        %swap3A_648 = arith.constant 2 : i32
        %swap3A_649 = arith.index_cast %swap3A_648 : i32 to index
        %swap3A_650 = arith.index_cast %add3A_647 : i32 to index
        %swap3A_651 = arith.constant 0 : index
        %swap3A_652 = tpu.vector_load %arg11[%swap3A_649, %swap3A_650, %swap3A_651] {strides = array<i32>} : memref<5x128x16xf32, #tpu.memory_space<vmem>>, vector<1x1x16xf32>,
        %swap3A_653 = vector.shape_cast %swap3A_652 : vector<1x1x16xf32> to vector<16xf32>
        %swap3A_654 = vector.shape_cast %select_n3A_645 : vector<16xf32> to vector<1x1x16xf32>
        tpu.vector_store %arg11[%swap3A_649, %swap3A_650, %swap3A_651], %swap3A_654 {strides = array<i32>} : memref<5x128x16xf32, #tpu.memory_space<vmem>>, vector<1x1x16xf32>,
        %slice3A_655 = vector.extract_strided_slice %get3A_531 {offsets = [9], sizes = [1], strides = [1]} : vector<16xi32> to vector<1xi32>
        %squeeze3A_656 = vector.extract %slice3A_655[0] : i32 from vector<1xi32>
        %eq3A_657 = arith.constant 0 : i32
        %eq3A_658 = arith.cmpi eq, %squeeze3A_656, %eq3A_657 : i32
        %select_n3A_659 = arith.select %eq3A_658, %get3A_289, %get3A_294 : vector<16xf32>
        %add3A_660 = arith.constant 9 : i32
        %add3A_661 = arith.addi %mul3A_533, %add3A_660 : i32
        %swap3A_662 = arith.constant 2 : i32
        %swap3A_663 = arith.index_cast %swap3A_662 : i32 to index
        %swap3A_664 = arith.index_cast %add3A_661 : i32 to index
        %swap3A_665 = arith.constant 0 : index
        %swap3A_666 = tpu.vector_load %arg11[%swap3A_663, %swap3A_664, %swap3A_665] {strides = array<i32>} : memref<5x128x16xf32, #tpu.memory_space<vmem>>, vector<1x1x16xf32>,
        %swap3A_667 = vector.shape_cast %swap3A_666 : vector<1x1x16xf32> to vector<16xf32>
        %swap3A_668 = vector.shape_cast %select_n3A_659 : vector<16xf32> to vector<1x1x16xf32>
        tpu.vector_store %arg11[%swap3A_663, %swap3A_664, %swap3A_665], %swap3A_668 {strides = array<i32>} : memref<5x128x16xf32, #tpu.memory_space<vmem>>, vector<1x1x16xf32>,
        %slice3A_669 = vector.extract_strided_slice %get3A_531 {offsets = [10], sizes = [1], strides = [1]} : vector<16xi32> to vector<1xi32>
        %squeeze3A_670 = vector.extract %slice3A_669[0] : i32 from vector<1xi32>
        %eq3A_671 = arith.constant 0 : i32
        %eq3A_672 = arith.cmpi eq, %squeeze3A_670, %eq3A_671 : i32
        %select_n3A_673 = arith.select %eq3A_672, %get3A_289, %get3A_294 : vector<16xf32>
        %add3A_674 = arith.constant 10 : i32
        %add3A_675 = arith.addi %mul3A_533, %add3A_674 : i32
        %swap3A_676 = arith.constant 2 : i32
        %swap3A_677 = arith.index_cast %swap3A_676 : i32 to index
        %swap3A_678 = arith.index_cast %add3A_675 : i32 to index
        %swap3A_679 = arith.constant 0 : index
        %swap3A_680 = tpu.vector_load %arg11[%swap3A_677, %swap3A_678, %swap3A_679] {strides = array<i32>} : memref<5x128x16xf32, #tpu.memory_space<vmem>>, vector<1x1x16xf32>,
        %swap3A_681 = vector.shape_cast %swap3A_680 : vector<1x1x16xf32> to vector<16xf32>
        %swap3A_682 = vector.shape_cast %select_n3A_673 : vector<16xf32> to vector<1x1x16xf32>
        tpu.vector_store %arg11[%swap3A_677, %swap3A_678, %swap3A_679], %swap3A_682 {strides = array<i32>} : memref<5x128x16xf32, #tpu.memory_space<vmem>>, vector<1x1x16xf32>,
        %slice3A_683 = vector.extract_strided_slice %get3A_531 {offsets = [11], sizes = [1], strides = [1]} : vector<16xi32> to vector<1xi32>
        %squeeze3A_684 = vector.extract %slice3A_683[0] : i32 from vector<1xi32>
        %eq3A_685 = arith.constant 0 : i32
        %eq3A_686 = arith.cmpi eq, %squeeze3A_684, %eq3A_685 : i32
        %select_n3A_687 = arith.select %eq3A_686, %get3A_289, %get3A_294 : vector<16xf32>
        %add3A_688 = arith.constant 11 : i32
        %add3A_689 = arith.addi %mul3A_533, %add3A_688 : i32
        %swap3A_690 = arith.constant 2 : i32
        %swap3A_691 = arith.index_cast %swap3A_690 : i32 to index
        %swap3A_692 = arith.index_cast %add3A_689 : i32 to index
        %swap3A_693 = arith.constant 0 : index
        %swap3A_694 = tpu.vector_load %arg11[%swap3A_691, %swap3A_692, %swap3A_693] {strides = array<i32>} : memref<5x128x16xf32, #tpu.memory_space<vmem>>, vector<1x1x16xf32>,
        %swap3A_695 = vector.shape_cast %swap3A_694 : vector<1x1x16xf32> to vector<16xf32>
        %swap3A_696 = vector.shape_cast %select_n3A_687 : vector<16xf32> to vector<1x1x16xf32>
        tpu.vector_store %arg11[%swap3A_691, %swap3A_692, %swap3A_693], %swap3A_696 {strides = array<i32>} : memref<5x128x16xf32, #tpu.memory_space<vmem>>, vector<1x1x16xf32>,
        %slice3A_697 = vector.extract_strided_slice %get3A_531 {offsets = [12], sizes = [1], strides = [1]} : vector<16xi32> to vector<1xi32>
        %squeeze3A_698 = vector.extract %slice3A_697[0] : i32 from vector<1xi32>
        %eq3A_699 = arith.constant 0 : i32
        %eq3A_700 = arith.cmpi eq, %squeeze3A_698, %eq3A_699 : i32
        %select_n3A_701 = arith.select %eq3A_700, %get3A_289, %get3A_294 : vector<16xf32>
        %add3A_702 = arith.constant 12 : i32
        %add3A_703 = arith.addi %mul3A_533, %add3A_702 : i32
        %swap3A_704 = arith.constant 2 : i32
        %swap3A_705 = arith.index_cast %swap3A_704 : i32 to index
        %swap3A_706 = arith.index_cast %add3A_703 : i32 to index
        %swap3A_707 = arith.constant 0 : index
        %swap3A_708 = tpu.vector_load %arg11[%swap3A_705, %swap3A_706, %swap3A_707] {strides = array<i32>} : memref<5x128x16xf32, #tpu.memory_space<vmem>>, vector<1x1x16xf32>,
        %swap3A_709 = vector.shape_cast %swap3A_708 : vector<1x1x16xf32> to vector<16xf32>
        %swap3A_710 = vector.shape_cast %select_n3A_701 : vector<16xf32> to vector<1x1x16xf32>
        tpu.vector_store %arg11[%swap3A_705, %swap3A_706, %swap3A_707], %swap3A_710 {strides = array<i32>} : memref<5x128x16xf32, #tpu.memory_space<vmem>>, vector<1x1x16xf32>,
        %slice3A_711 = vector.extract_strided_slice %get3A_531 {offsets = [13], sizes = [1], strides = [1]} : vector<16xi32> to vector<1xi32>
        %squeeze3A_712 = vector.extract %slice3A_711[0] : i32 from vector<1xi32>
        %eq3A_713 = arith.constant 0 : i32
        %eq3A_714 = arith.cmpi eq, %squeeze3A_712, %eq3A_713 : i32
        %select_n3A_715 = arith.select %eq3A_714, %get3A_289, %get3A_294 : vector<16xf32>
        %add3A_716 = arith.constant 13 : i32
        %add3A_717 = arith.addi %mul3A_533, %add3A_716 : i32
        %swap3A_718 = arith.constant 2 : i32
        %swap3A_719 = arith.index_cast %swap3A_718 : i32 to index
        %swap3A_720 = arith.index_cast %add3A_717 : i32 to index
        %swap3A_721 = arith.constant 0 : index
        %swap3A_722 = tpu.vector_load %arg11[%swap3A_719, %swap3A_720, %swap3A_721] {strides = array<i32>} : memref<5x128x16xf32, #tpu.memory_space<vmem>>, vector<1x1x16xf32>,
        %swap3A_723 = vector.shape_cast %swap3A_722 : vector<1x1x16xf32> to vector<16xf32>
        %swap3A_724 = vector.shape_cast %select_n3A_715 : vector<16xf32> to vector<1x1x16xf32>
        tpu.vector_store %arg11[%swap3A_719, %swap3A_720, %swap3A_721], %swap3A_724 {strides = array<i32>} : memref<5x128x16xf32, #tpu.memory_space<vmem>>, vector<1x1x16xf32>,
        %slice3A_725 = vector.extract_strided_slice %get3A_531 {offsets = [14], sizes = [1], strides = [1]} : vector<16xi32> to vector<1xi32>
        %squeeze3A_726 = vector.extract %slice3A_725[0] : i32 from vector<1xi32>
        %eq3A_727 = arith.constant 0 : i32
        %eq3A_728 = arith.cmpi eq, %squeeze3A_726, %eq3A_727 : i32
        %select_n3A_729 = arith.select %eq3A_728, %get3A_289, %get3A_294 : vector<16xf32>
        %add3A_730 = arith.constant 14 : i32
        %add3A_731 = arith.addi %mul3A_533, %add3A_730 : i32
        %swap3A_732 = arith.constant 2 : i32
        %swap3A_733 = arith.index_cast %swap3A_732 : i32 to index
        %swap3A_734 = arith.index_cast %add3A_731 : i32 to index
        %swap3A_735 = arith.constant 0 : index
        %swap3A_736 = tpu.vector_load %arg11[%swap3A_733, %swap3A_734, %swap3A_735] {strides = array<i32>} : memref<5x128x16xf32, #tpu.memory_space<vmem>>, vector<1x1x16xf32>,
        %swap3A_737 = vector.shape_cast %swap3A_736 : vector<1x1x16xf32> to vector<16xf32>
        %swap3A_738 = vector.shape_cast %select_n3A_729 : vector<16xf32> to vector<1x1x16xf32>
        tpu.vector_store %arg11[%swap3A_733, %swap3A_734, %swap3A_735], %swap3A_738 {strides = array<i32>} : memref<5x128x16xf32, #tpu.memory_space<vmem>>, vector<1x1x16xf32>,
        %slice3A_739 = vector.extract_strided_slice %get3A_531 {offsets = [15], sizes = [1], strides = [1]} : vector<16xi32> to vector<1xi32>
        %squeeze3A_740 = vector.extract %slice3A_739[0] : i32 from vector<1xi32>
        %eq3A_741 = arith.constant 0 : i32
        %eq3A_742 = arith.cmpi eq, %squeeze3A_740, %eq3A_741 : i32
        %select_n3A_743 = arith.select %eq3A_742, %get3A_289, %get3A_294 : vector<16xf32>
        %add3A_744 = arith.constant 15 : i32
        %add3A_745 = arith.addi %mul3A_533, %add3A_744 : i32
        %swap3A_746 = arith.constant 2 : i32
        %swap3A_747 = arith.index_cast %swap3A_746 : i32 to index
        %swap3A_748 = arith.index_cast %add3A_745 : i32 to index
        %swap3A_749 = arith.constant 0 : index
        %swap3A_750 = tpu.vector_load %arg11[%swap3A_747, %swap3A_748, %swap3A_749] {strides = array<i32>} : memref<5x128x16xf32, #tpu.memory_space<vmem>>, vector<1x1x16xf32>,
        %swap3A_751 = vector.shape_cast %swap3A_750 : vector<1x1x16xf32> to vector<16xf32>
        %swap3A_752 = vector.shape_cast %select_n3A_743 : vector<16xf32> to vector<1x1x16xf32>
        tpu.vector_store %arg11[%swap3A_747, %swap3A_748, %swap3A_749], %swap3A_752 {strides = array<i32>} : memref<5x128x16xf32, #tpu.memory_space<vmem>>, vector<1x1x16xf32>,
      }
      %scan3A_300 = arith.constant 8 : i32
      %dma_wait3A_301 = arith.constant 0 : i32
      %dma_wait3A_302 = arith.constant 2 : i32
      %dma_wait3A_303 = arith.constant 0 : i32
      %dma_wait3A_304 = arith.constant 0 : i32
      %dma_wait3A_305 = tpu.memref_slice %arg10[%dma_wait3A_302, %dma_wait3A_303, %dma_wait3A_304] : memref<5x128x64xf32, #tpu.memory_space<vmem>> -> memref<1x128x64xf32, #tpu.memory_space<vmem>>
      %dma_wait3A_306 = tpu.memref_squeeze %dma_wait3A_305 : memref<1x128x64xf32, #tpu.memory_space<vmem>> -> memref<128x64xf32, #tpu.memory_space<vmem>>
      %dma_wait3A_307 = arith.constant 0 : i32
      %dma_wait3A_308 = tpu.memref_slice %arg7[%dma_wait3A_301, %dma_wait3A_307] : memref<50x128xi32, #tpu.memory_space<vmem>> -> memref<1x128xi32, #tpu.memory_space<vmem>>
      %dma_wait3A_309 = tpu.memref_squeeze %dma_wait3A_308 : memref<1x128xi32, #tpu.memory_space<vmem>> -> memref<128xi32, #tpu.memory_space<vmem>>
      %dma_wait3A_310 = arith.constant 0 : i32
      %dma_wait3A_311 = arith.constant 0 : i32
      %dma_wait3A_312 = tpu.memref_slice %arg4[%dma_wait3A_310, %dma_wait3A_311] : memref<1000000x64xf32, #tpu.memory_space<hbm>> -> memref<1000000x64xf32, #tpu.memory_space<hbm>>
      tpu.wait_indirect_dma semaphore(%arg14 : memref<!tpu.dma_semaphore, #tpu.memory_space<semaphore_mem>>) src(%dma_wait3A_312 : memref<1000000x64xf32, #tpu.memory_space<hbm>>) dst(%dma_wait3A_306 : memref<128x64xf32, #tpu.memory_space<vmem>>)
      %mul3A_313 = arith.constant 128 : i32
      %mul3A_314 = arith.muli %add3A_266, %mul3A_313 : i32
      %add3A_315 = arith.addi %mul3A_2, %mul3A_314 : i32
      %dma_start3A_316 = arith.constant 2 : i32
      %dma_start3A_317 = arith.constant 0 : i32
      %dma_start3A_318 = arith.constant 0 : i32
      %dma_start3A_319 = tpu.memref_slice %arg10[%dma_start3A_316, %dma_start3A_317, %dma_start3A_318] : memref<5x128x64xf32, #tpu.memory_space<vmem>> -> memref<1x128x64xf32, #tpu.memory_space<vmem>>
      %dma_start3A_320 = tpu.memref_squeeze %dma_start3A_319 : memref<1x128x64xf32, #tpu.memory_space<vmem>> -> memref<128x64xf32, #tpu.memory_space<vmem>>
      %dma_start3A_321 = arith.constant 0 : i32
      %dma_start3A_322 = tpu.memref_slice %arg6[%add3A_315, %dma_start3A_321] : memref<204800x80xf32, #tpu.memory_space<hbm>> -> memref<128x64xf32, #tpu.memory_space<hbm>>
      %dma_start3A_323 = arith.constant 0 : i32
      %dma_start3A_324 = tpu.memref_slice %arg6[%add3A_315, %dma_start3A_323] : memref<204800x80xf32, #tpu.memory_space<hbm>> -> memref<128x64xf32, #tpu.memory_space<hbm>>
      %dma_start3A_325 = arith.constant 0 : i32
      %dma_start3A_326 = arith.constant 0 : i32
      %dma_start3A_327 = tpu.memref_slice %arg10[%dma_start3A_316, %dma_start3A_325, %dma_start3A_326] : memref<5x128x64xf32, #tpu.memory_space<vmem>> -> memref<1x128x64xf32, #tpu.memory_space<vmem>>
      %dma_start3A_328 = tpu.memref_squeeze %dma_start3A_327 : memref<1x128x64xf32, #tpu.memory_space<vmem>> -> memref<128x64xf32, #tpu.memory_space<vmem>>
      tpu.enqueue_dma source(%dma_start3A_328 : memref<128x64xf32, #tpu.memory_space<vmem>>) target(%dma_start3A_324 : memref<128x64xf32, #tpu.memory_space<hbm>>) target_semaphore(%arg19 : memref<!tpu.dma_semaphore, #tpu.memory_space<semaphore_mem>>)
      %dma_start3A_329 = arith.constant 2 : i32
      %dma_start3A_330 = arith.constant 0 : i32
      %dma_start3A_331 = arith.constant 0 : i32
      %dma_start3A_332 = tpu.memref_slice %arg11[%dma_start3A_329, %dma_start3A_330, %dma_start3A_331] : memref<5x128x16xf32, #tpu.memory_space<vmem>> -> memref<1x128x16xf32, #tpu.memory_space<vmem>>
      %dma_start3A_333 = tpu.memref_squeeze %dma_start3A_332 : memref<1x128x16xf32, #tpu.memory_space<vmem>> -> memref<128x16xf32, #tpu.memory_space<vmem>>
      %dma_start3A_334 = arith.constant 64 : i32
      %dma_start3A_335 = tpu.memref_slice %arg6[%add3A_315, %dma_start3A_334] : memref<204800x80xf32, #tpu.memory_space<hbm>> -> memref<128x16xf32, #tpu.memory_space<hbm>>
      %dma_start3A_336 = arith.constant 64 : i32
      %dma_start3A_337 = tpu.memref_slice %arg6[%add3A_315, %dma_start3A_336] : memref<204800x80xf32, #tpu.memory_space<hbm>> -> memref<128x16xf32, #tpu.memory_space<hbm>>
      %dma_start3A_338 = arith.constant 0 : i32
      %dma_start3A_339 = arith.constant 0 : i32
      %dma_start3A_340 = tpu.memref_slice %arg11[%dma_start3A_329, %dma_start3A_338, %dma_start3A_339] : memref<5x128x16xf32, #tpu.memory_space<vmem>> -> memref<1x128x16xf32, #tpu.memory_space<vmem>>
      %dma_start3A_341 = tpu.memref_squeeze %dma_start3A_340 : memref<1x128x16xf32, #tpu.memory_space<vmem>> -> memref<128x16xf32, #tpu.memory_space<vmem>>
      tpu.enqueue_dma source(%dma_start3A_341 : memref<128x16xf32, #tpu.memory_space<vmem>>) target(%dma_start3A_337 : memref<128x16xf32, #tpu.memory_space<hbm>>) target_semaphore(%arg24 : memref<!tpu.dma_semaphore, #tpu.memory_space<semaphore_mem>>)
      %mul3A_342 = arith.constant 5 : i32
      %mul3A_343 = arith.muli %scan3A_108, %mul3A_342 : i32
      %add3A_344 = arith.constant 3 : i32
      %add3A_345 = arith.addi %mul3A_343, %add3A_344 : i32
      %dma_wait3A_346 = arith.constant 0 : i32
      %dma_wait3A_347 = arith.constant 0 : i32
      %dma_wait3A_348 = arith.constant 0 : i32
      %dma_wait3A_349 = tpu.memref_slice %arg10[%dma_wait3A_346, %dma_wait3A_347, %dma_wait3A_348] : memref<5x128x64xf32, #tpu.memory_space<vmem>> -> memref<1x128x64xf32, #tpu.memory_space<vmem>>
      %dma_wait3A_350 = tpu.memref_squeeze %dma_wait3A_349 : memref<1x128x64xf32, #tpu.memory_space<vmem>> -> memref<128x64xf32, #tpu.memory_space<vmem>>
      %dma_wait3A_351 = arith.constant 0 : i32
      %dma_wait3A_352 = tpu.memref_slice %arg6[%mul3A_2, %dma_wait3A_351] : memref<204800x80xf32, #tpu.memory_space<hbm>> -> memref<128x64xf32, #tpu.memory_space<hbm>>
      %dma_wait3A_353 = arith.constant 0 : i32
      %dma_wait3A_354 = tpu.memref_slice %arg6[%mul3A_2, %dma_wait3A_353] : memref<204800x80xf32, #tpu.memory_space<hbm>> -> memref<128x64xf32, #tpu.memory_space<hbm>>
      %dma_wait3A_355 = arith.constant 0 : i32
      %dma_wait3A_356 = arith.constant 0 : i32
      %dma_wait3A_357 = tpu.memref_slice %arg10[%dma_wait3A_346, %dma_wait3A_355, %dma_wait3A_356] : memref<5x128x64xf32, #tpu.memory_space<vmem>> -> memref<1x128x64xf32, #tpu.memory_space<vmem>>
      %dma_wait3A_358 = tpu.memref_squeeze %dma_wait3A_357 : memref<1x128x64xf32, #tpu.memory_space<vmem>> -> memref<128x64xf32, #tpu.memory_space<vmem>>
      tpu.wait_dma2 semaphore(%arg17 : memref<!tpu.dma_semaphore, #tpu.memory_space<semaphore_mem>>) src(%dma_wait3A_358 : memref<128x64xf32, #tpu.memory_space<vmem>>) dst(%dma_wait3A_354 : memref<128x64xf32, #tpu.memory_space<hbm>>)
      %dma_wait3A_359 = arith.constant 0 : i32
      %dma_wait3A_360 = arith.constant 0 : i32
      %dma_wait3A_361 = arith.constant 0 : i32
      %dma_wait3A_362 = tpu.memref_slice %arg11[%dma_wait3A_359, %dma_wait3A_360, %dma_wait3A_361] : memref<5x128x16xf32, #tpu.memory_space<vmem>> -> memref<1x128x16xf32, #tpu.memory_space<vmem>>
      %dma_wait3A_363 = tpu.memref_squeeze %dma_wait3A_362 : memref<1x128x16xf32, #tpu.memory_space<vmem>> -> memref<128x16xf32, #tpu.memory_space<vmem>>
      %dma_wait3A_364 = arith.constant 64 : i32
      %dma_wait3A_365 = tpu.memref_slice %arg6[%mul3A_2, %dma_wait3A_364] : memref<204800x80xf32, #tpu.memory_space<hbm>> -> memref<128x16xf32, #tpu.memory_space<hbm>>
      %dma_wait3A_366 = arith.constant 64 : i32
      %dma_wait3A_367 = tpu.memref_slice %arg6[%mul3A_2, %dma_wait3A_366] : memref<204800x80xf32, #tpu.memory_space<hbm>> -> memref<128x16xf32, #tpu.memory_space<hbm>>
      %dma_wait3A_368 = arith.constant 0 : i32
      %dma_wait3A_369 = arith.constant 0 : i32
      %dma_wait3A_370 = tpu.memref_slice %arg11[%dma_wait3A_359, %dma_wait3A_368, %dma_wait3A_369] : memref<5x128x16xf32, #tpu.memory_space<vmem>> -> memref<1x128x16xf32, #tpu.memory_space<vmem>>
      %dma_wait3A_371 = tpu.memref_squeeze %dma_wait3A_370 : memref<1x128x16xf32, #tpu.memory_space<vmem>> -> memref<128x16xf32, #tpu.memory_space<vmem>>
      tpu.wait_dma2 semaphore(%arg22 : memref<!tpu.dma_semaphore, #tpu.memory_space<semaphore_mem>>) src(%dma_wait3A_371 : memref<128x16xf32, #tpu.memory_space<vmem>>) dst(%dma_wait3A_367 : memref<128x16xf32, #tpu.memory_space<hbm>>)
      %lt3A = arith.constant 9 : i32
      %lt3A_372 = arith.cmpi slt, %scan3A_108, %lt3A : i32
      %convert_element_type3A_373 = arith.extui %lt3A_372 : i1 to i32
      %cond3A_374 = arith.constant 0 : i32
      %cond3A_375 = arith.cmpi ne, %convert_element_type3A_373, %cond3A_374 : i32
      scf.if %cond3A_375 {
        %add3A_525 = arith.constant 2 : i32
        %add3A_526 = arith.addi %add3A_345, %add3A_525 : i32
        %dma_start3A_527 = arith.constant 0 : i32
        %dma_start3A_528 = arith.constant 0 : i32
        %dma_start3A_529 = arith.constant 0 : i32
        %dma_start3A_530 = tpu.memref_slice %arg10[%dma_start3A_527, %dma_start3A_528, %dma_start3A_529] : memref<5x128x64xf32, #tpu.memory_space<vmem>> -> memref<1x128x64xf32, #tpu.memory_space<vmem>>
        %dma_start3A_531 = tpu.memref_squeeze %dma_start3A_530 : memref<1x128x64xf32, #tpu.memory_space<vmem>> -> memref<128x64xf32, #tpu.memory_space<vmem>>
        %dma_start3A_532 = arith.constant 0 : i32
        %dma_start3A_533 = tpu.memref_slice %arg7[%add3A_526, %dma_start3A_532] : memref<50x128xi32, #tpu.memory_space<vmem>> -> memref<1x128xi32, #tpu.memory_space<vmem>>
        %dma_start3A_534 = tpu.memref_squeeze %dma_start3A_533 : memref<1x128xi32, #tpu.memory_space<vmem>> -> memref<128xi32, #tpu.memory_space<vmem>>
        %dma_start3A_535 = arith.constant 0 : i32
        %dma_start3A_536 = arith.constant 0 : i32
        %dma_start3A_537 = tpu.memref_slice %arg4[%dma_start3A_535, %dma_start3A_536] : memref<1000000x64xf32, #tpu.memory_space<hbm>> -> memref<1000000x64xf32, #tpu.memory_space<hbm>>
        tpu.enqueue_indirect_dma source(%dma_start3A_537 : memref<1000000x64xf32, #tpu.memory_space<hbm>>) target(%dma_start3A_531 : memref<128x64xf32, #tpu.memory_space<vmem>>) offsets(%dma_start3A_534 : memref<128xi32, #tpu.memory_space<vmem>>) semaphore(%arg12 : memref<!tpu.dma_semaphore, #tpu.memory_space<semaphore_mem>>)
      } else {
      }
      %get3A_376 = arith.constant 0 : i32
      %get3A_377 = arith.index_cast %get3A_376 : i32 to index
      %get3A_378 = arith.constant 0 : index
      %get3A_379 = tpu.vector_load %arg9[%get3A_377, %get3A_378] {strides = array<i32>} : memref<2x16xf32, #tpu.memory_space<vmem>>, vector<1x16xf32>,
      %get3A_380 = vector.shape_cast %get3A_379 : vector<1x16xf32> to vector<16xf32>
      %get3A_381 = arith.constant 1 : i32
      %get3A_382 = arith.index_cast %get3A_381 : i32 to index
      %get3A_383 = arith.constant 0 : index
      %get3A_384 = tpu.vector_load %arg9[%get3A_382, %get3A_383] {strides = array<i32>} : memref<2x16xf32, #tpu.memory_space<vmem>>, vector<1x16xf32>,
      %get3A_385 = vector.shape_cast %get3A_384 : vector<1x16xf32> to vector<16xf32>
      %scan3A_386 = arith.constant 0 : i32
      %scan3A_387 = arith.constant 0 : i32
      %scan3A_388 = arith.constant 8 : i32
      %scan3A_389 = arith.addi %scan3A_387, %scan3A_388 : i32
      %scan3A_390 = arith.constant 1 : i32
      scf.for %scan3A_525 = %scan3A_387 to %scan3A_389 step %scan3A_390  : i32 {
        %mul3A_526 = arith.constant 16 : i32
        %mul3A_527 = arith.muli %scan3A_525, %mul3A_526 : i32
        %get3A_528 = arith.index_cast %add3A_345 : i32 to index
        %get3A_529 = arith.index_cast %mul3A_527 : i32 to index
        %get3A_530 = tpu.vector_load %arg8[%get3A_528, %get3A_529] {strides = array<i32>} : memref<50x128xi32, #tpu.memory_space<vmem>>, vector<1x16xi32>,
        %get3A_531 = vector.shape_cast %get3A_530 : vector<1x16xi32> to vector<16xi32>
        %mul3A_532 = arith.constant 16 : i32
        %mul3A_533 = arith.muli %scan3A_525, %mul3A_532 : i32
        %slice3A = vector.extract_strided_slice %get3A_531 {offsets = [0], sizes = [1], strides = [1]} : vector<16xi32> to vector<1xi32>
        %squeeze3A = vector.extract %slice3A[0] : i32 from vector<1xi32>
        %eq3A = arith.constant 0 : i32
        %eq3A_534 = arith.cmpi eq, %squeeze3A, %eq3A : i32
        %select_n3A = arith.select %eq3A_534, %get3A_380, %get3A_385 : vector<16xf32>
        %add3A_535 = arith.constant 0 : i32
        %add3A_536 = arith.addi %mul3A_533, %add3A_535 : i32
        %swap3A = arith.constant 3 : i32
        %swap3A_537 = arith.index_cast %swap3A : i32 to index
        %swap3A_538 = arith.index_cast %add3A_536 : i32 to index
        %swap3A_539 = arith.constant 0 : index
        %swap3A_540 = tpu.vector_load %arg11[%swap3A_537, %swap3A_538, %swap3A_539] {strides = array<i32>} : memref<5x128x16xf32, #tpu.memory_space<vmem>>, vector<1x1x16xf32>,
        %swap3A_541 = vector.shape_cast %swap3A_540 : vector<1x1x16xf32> to vector<16xf32>
        %swap3A_542 = vector.shape_cast %select_n3A : vector<16xf32> to vector<1x1x16xf32>
        tpu.vector_store %arg11[%swap3A_537, %swap3A_538, %swap3A_539], %swap3A_542 {strides = array<i32>} : memref<5x128x16xf32, #tpu.memory_space<vmem>>, vector<1x1x16xf32>,
        %slice3A_543 = vector.extract_strided_slice %get3A_531 {offsets = [1], sizes = [1], strides = [1]} : vector<16xi32> to vector<1xi32>
        %squeeze3A_544 = vector.extract %slice3A_543[0] : i32 from vector<1xi32>
        %eq3A_545 = arith.constant 0 : i32
        %eq3A_546 = arith.cmpi eq, %squeeze3A_544, %eq3A_545 : i32
        %select_n3A_547 = arith.select %eq3A_546, %get3A_380, %get3A_385 : vector<16xf32>
        %add3A_548 = arith.constant 1 : i32
        %add3A_549 = arith.addi %mul3A_533, %add3A_548 : i32
        %swap3A_550 = arith.constant 3 : i32
        %swap3A_551 = arith.index_cast %swap3A_550 : i32 to index
        %swap3A_552 = arith.index_cast %add3A_549 : i32 to index
        %swap3A_553 = arith.constant 0 : index
        %swap3A_554 = tpu.vector_load %arg11[%swap3A_551, %swap3A_552, %swap3A_553] {strides = array<i32>} : memref<5x128x16xf32, #tpu.memory_space<vmem>>, vector<1x1x16xf32>,
        %swap3A_555 = vector.shape_cast %swap3A_554 : vector<1x1x16xf32> to vector<16xf32>
        %swap3A_556 = vector.shape_cast %select_n3A_547 : vector<16xf32> to vector<1x1x16xf32>
        tpu.vector_store %arg11[%swap3A_551, %swap3A_552, %swap3A_553], %swap3A_556 {strides = array<i32>} : memref<5x128x16xf32, #tpu.memory_space<vmem>>, vector<1x1x16xf32>,
        %slice3A_557 = vector.extract_strided_slice %get3A_531 {offsets = [2], sizes = [1], strides = [1]} : vector<16xi32> to vector<1xi32>
        %squeeze3A_558 = vector.extract %slice3A_557[0] : i32 from vector<1xi32>
        %eq3A_559 = arith.constant 0 : i32
        %eq3A_560 = arith.cmpi eq, %squeeze3A_558, %eq3A_559 : i32
        %select_n3A_561 = arith.select %eq3A_560, %get3A_380, %get3A_385 : vector<16xf32>
        %add3A_562 = arith.constant 2 : i32
        %add3A_563 = arith.addi %mul3A_533, %add3A_562 : i32
        %swap3A_564 = arith.constant 3 : i32
        %swap3A_565 = arith.index_cast %swap3A_564 : i32 to index
        %swap3A_566 = arith.index_cast %add3A_563 : i32 to index
        %swap3A_567 = arith.constant 0 : index
        %swap3A_568 = tpu.vector_load %arg11[%swap3A_565, %swap3A_566, %swap3A_567] {strides = array<i32>} : memref<5x128x16xf32, #tpu.memory_space<vmem>>, vector<1x1x16xf32>,
        %swap3A_569 = vector.shape_cast %swap3A_568 : vector<1x1x16xf32> to vector<16xf32>
        %swap3A_570 = vector.shape_cast %select_n3A_561 : vector<16xf32> to vector<1x1x16xf32>
        tpu.vector_store %arg11[%swap3A_565, %swap3A_566, %swap3A_567], %swap3A_570 {strides = array<i32>} : memref<5x128x16xf32, #tpu.memory_space<vmem>>, vector<1x1x16xf32>,
        %slice3A_571 = vector.extract_strided_slice %get3A_531 {offsets = [3], sizes = [1], strides = [1]} : vector<16xi32> to vector<1xi32>
        %squeeze3A_572 = vector.extract %slice3A_571[0] : i32 from vector<1xi32>
        %eq3A_573 = arith.constant 0 : i32
        %eq3A_574 = arith.cmpi eq, %squeeze3A_572, %eq3A_573 : i32
        %select_n3A_575 = arith.select %eq3A_574, %get3A_380, %get3A_385 : vector<16xf32>
        %add3A_576 = arith.constant 3 : i32
        %add3A_577 = arith.addi %mul3A_533, %add3A_576 : i32
        %swap3A_578 = arith.constant 3 : i32
        %swap3A_579 = arith.index_cast %swap3A_578 : i32 to index
        %swap3A_580 = arith.index_cast %add3A_577 : i32 to index
        %swap3A_581 = arith.constant 0 : index
        %swap3A_582 = tpu.vector_load %arg11[%swap3A_579, %swap3A_580, %swap3A_581] {strides = array<i32>} : memref<5x128x16xf32, #tpu.memory_space<vmem>>, vector<1x1x16xf32>,
        %swap3A_583 = vector.shape_cast %swap3A_582 : vector<1x1x16xf32> to vector<16xf32>
        %swap3A_584 = vector.shape_cast %select_n3A_575 : vector<16xf32> to vector<1x1x16xf32>
        tpu.vector_store %arg11[%swap3A_579, %swap3A_580, %swap3A_581], %swap3A_584 {strides = array<i32>} : memref<5x128x16xf32, #tpu.memory_space<vmem>>, vector<1x1x16xf32>,
        %slice3A_585 = vector.extract_strided_slice %get3A_531 {offsets = [4], sizes = [1], strides = [1]} : vector<16xi32> to vector<1xi32>
        %squeeze3A_586 = vector.extract %slice3A_585[0] : i32 from vector<1xi32>
        %eq3A_587 = arith.constant 0 : i32
        %eq3A_588 = arith.cmpi eq, %squeeze3A_586, %eq3A_587 : i32
        %select_n3A_589 = arith.select %eq3A_588, %get3A_380, %get3A_385 : vector<16xf32>
        %add3A_590 = arith.constant 4 : i32
        %add3A_591 = arith.addi %mul3A_533, %add3A_590 : i32
        %swap3A_592 = arith.constant 3 : i32
        %swap3A_593 = arith.index_cast %swap3A_592 : i32 to index
        %swap3A_594 = arith.index_cast %add3A_591 : i32 to index
        %swap3A_595 = arith.constant 0 : index
        %swap3A_596 = tpu.vector_load %arg11[%swap3A_593, %swap3A_594, %swap3A_595] {strides = array<i32>} : memref<5x128x16xf32, #tpu.memory_space<vmem>>, vector<1x1x16xf32>,
        %swap3A_597 = vector.shape_cast %swap3A_596 : vector<1x1x16xf32> to vector<16xf32>
        %swap3A_598 = vector.shape_cast %select_n3A_589 : vector<16xf32> to vector<1x1x16xf32>
        tpu.vector_store %arg11[%swap3A_593, %swap3A_594, %swap3A_595], %swap3A_598 {strides = array<i32>} : memref<5x128x16xf32, #tpu.memory_space<vmem>>, vector<1x1x16xf32>,
        %slice3A_599 = vector.extract_strided_slice %get3A_531 {offsets = [5], sizes = [1], strides = [1]} : vector<16xi32> to vector<1xi32>
        %squeeze3A_600 = vector.extract %slice3A_599[0] : i32 from vector<1xi32>
        %eq3A_601 = arith.constant 0 : i32
        %eq3A_602 = arith.cmpi eq, %squeeze3A_600, %eq3A_601 : i32
        %select_n3A_603 = arith.select %eq3A_602, %get3A_380, %get3A_385 : vector<16xf32>
        %add3A_604 = arith.constant 5 : i32
        %add3A_605 = arith.addi %mul3A_533, %add3A_604 : i32
        %swap3A_606 = arith.constant 3 : i32
        %swap3A_607 = arith.index_cast %swap3A_606 : i32 to index
        %swap3A_608 = arith.index_cast %add3A_605 : i32 to index
        %swap3A_609 = arith.constant 0 : index
        %swap3A_610 = tpu.vector_load %arg11[%swap3A_607, %swap3A_608, %swap3A_609] {strides = array<i32>} : memref<5x128x16xf32, #tpu.memory_space<vmem>>, vector<1x1x16xf32>,
        %swap3A_611 = vector.shape_cast %swap3A_610 : vector<1x1x16xf32> to vector<16xf32>
        %swap3A_612 = vector.shape_cast %select_n3A_603 : vector<16xf32> to vector<1x1x16xf32>
        tpu.vector_store %arg11[%swap3A_607, %swap3A_608, %swap3A_609], %swap3A_612 {strides = array<i32>} : memref<5x128x16xf32, #tpu.memory_space<vmem>>, vector<1x1x16xf32>,
        %slice3A_613 = vector.extract_strided_slice %get3A_531 {offsets = [6], sizes = [1], strides = [1]} : vector<16xi32> to vector<1xi32>
        %squeeze3A_614 = vector.extract %slice3A_613[0] : i32 from vector<1xi32>
        %eq3A_615 = arith.constant 0 : i32
        %eq3A_616 = arith.cmpi eq, %squeeze3A_614, %eq3A_615 : i32
        %select_n3A_617 = arith.select %eq3A_616, %get3A_380, %get3A_385 : vector<16xf32>
        %add3A_618 = arith.constant 6 : i32
        %add3A_619 = arith.addi %mul3A_533, %add3A_618 : i32
        %swap3A_620 = arith.constant 3 : i32
        %swap3A_621 = arith.index_cast %swap3A_620 : i32 to index
        %swap3A_622 = arith.index_cast %add3A_619 : i32 to index
        %swap3A_623 = arith.constant 0 : index
        %swap3A_624 = tpu.vector_load %arg11[%swap3A_621, %swap3A_622, %swap3A_623] {strides = array<i32>} : memref<5x128x16xf32, #tpu.memory_space<vmem>>, vector<1x1x16xf32>,
        %swap3A_625 = vector.shape_cast %swap3A_624 : vector<1x1x16xf32> to vector<16xf32>
        %swap3A_626 = vector.shape_cast %select_n3A_617 : vector<16xf32> to vector<1x1x16xf32>
        tpu.vector_store %arg11[%swap3A_621, %swap3A_622, %swap3A_623], %swap3A_626 {strides = array<i32>} : memref<5x128x16xf32, #tpu.memory_space<vmem>>, vector<1x1x16xf32>,
        %slice3A_627 = vector.extract_strided_slice %get3A_531 {offsets = [7], sizes = [1], strides = [1]} : vector<16xi32> to vector<1xi32>
        %squeeze3A_628 = vector.extract %slice3A_627[0] : i32 from vector<1xi32>
        %eq3A_629 = arith.constant 0 : i32
        %eq3A_630 = arith.cmpi eq, %squeeze3A_628, %eq3A_629 : i32
        %select_n3A_631 = arith.select %eq3A_630, %get3A_380, %get3A_385 : vector<16xf32>
        %add3A_632 = arith.constant 7 : i32
        %add3A_633 = arith.addi %mul3A_533, %add3A_632 : i32
        %swap3A_634 = arith.constant 3 : i32
        %swap3A_635 = arith.index_cast %swap3A_634 : i32 to index
        %swap3A_636 = arith.index_cast %add3A_633 : i32 to index
        %swap3A_637 = arith.constant 0 : index
        %swap3A_638 = tpu.vector_load %arg11[%swap3A_635, %swap3A_636, %swap3A_637] {strides = array<i32>} : memref<5x128x16xf32, #tpu.memory_space<vmem>>, vector<1x1x16xf32>,
        %swap3A_639 = vector.shape_cast %swap3A_638 : vector<1x1x16xf32> to vector<16xf32>
        %swap3A_640 = vector.shape_cast %select_n3A_631 : vector<16xf32> to vector<1x1x16xf32>
        tpu.vector_store %arg11[%swap3A_635, %swap3A_636, %swap3A_637], %swap3A_640 {strides = array<i32>} : memref<5x128x16xf32, #tpu.memory_space<vmem>>, vector<1x1x16xf32>,
        %slice3A_641 = vector.extract_strided_slice %get3A_531 {offsets = [8], sizes = [1], strides = [1]} : vector<16xi32> to vector<1xi32>
        %squeeze3A_642 = vector.extract %slice3A_641[0] : i32 from vector<1xi32>
        %eq3A_643 = arith.constant 0 : i32
        %eq3A_644 = arith.cmpi eq, %squeeze3A_642, %eq3A_643 : i32
        %select_n3A_645 = arith.select %eq3A_644, %get3A_380, %get3A_385 : vector<16xf32>
        %add3A_646 = arith.constant 8 : i32
        %add3A_647 = arith.addi %mul3A_533, %add3A_646 : i32
        %swap3A_648 = arith.constant 3 : i32
        %swap3A_649 = arith.index_cast %swap3A_648 : i32 to index
        %swap3A_650 = arith.index_cast %add3A_647 : i32 to index
        %swap3A_651 = arith.constant 0 : index
        %swap3A_652 = tpu.vector_load %arg11[%swap3A_649, %swap3A_650, %swap3A_651] {strides = array<i32>} : memref<5x128x16xf32, #tpu.memory_space<vmem>>, vector<1x1x16xf32>,
        %swap3A_653 = vector.shape_cast %swap3A_652 : vector<1x1x16xf32> to vector<16xf32>
        %swap3A_654 = vector.shape_cast %select_n3A_645 : vector<16xf32> to vector<1x1x16xf32>
        tpu.vector_store %arg11[%swap3A_649, %swap3A_650, %swap3A_651], %swap3A_654 {strides = array<i32>} : memref<5x128x16xf32, #tpu.memory_space<vmem>>, vector<1x1x16xf32>,
        %slice3A_655 = vector.extract_strided_slice %get3A_531 {offsets = [9], sizes = [1], strides = [1]} : vector<16xi32> to vector<1xi32>
        %squeeze3A_656 = vector.extract %slice3A_655[0] : i32 from vector<1xi32>
        %eq3A_657 = arith.constant 0 : i32
        %eq3A_658 = arith.cmpi eq, %squeeze3A_656, %eq3A_657 : i32
        %select_n3A_659 = arith.select %eq3A_658, %get3A_380, %get3A_385 : vector<16xf32>
        %add3A_660 = arith.constant 9 : i32
        %add3A_661 = arith.addi %mul3A_533, %add3A_660 : i32
        %swap3A_662 = arith.constant 3 : i32
        %swap3A_663 = arith.index_cast %swap3A_662 : i32 to index
        %swap3A_664 = arith.index_cast %add3A_661 : i32 to index
        %swap3A_665 = arith.constant 0 : index
        %swap3A_666 = tpu.vector_load %arg11[%swap3A_663, %swap3A_664, %swap3A_665] {strides = array<i32>} : memref<5x128x16xf32, #tpu.memory_space<vmem>>, vector<1x1x16xf32>,
        %swap3A_667 = vector.shape_cast %swap3A_666 : vector<1x1x16xf32> to vector<16xf32>
        %swap3A_668 = vector.shape_cast %select_n3A_659 : vector<16xf32> to vector<1x1x16xf32>
        tpu.vector_store %arg11[%swap3A_663, %swap3A_664, %swap3A_665], %swap3A_668 {strides = array<i32>} : memref<5x128x16xf32, #tpu.memory_space<vmem>>, vector<1x1x16xf32>,
        %slice3A_669 = vector.extract_strided_slice %get3A_531 {offsets = [10], sizes = [1], strides = [1]} : vector<16xi32> to vector<1xi32>
        %squeeze3A_670 = vector.extract %slice3A_669[0] : i32 from vector<1xi32>
        %eq3A_671 = arith.constant 0 : i32
        %eq3A_672 = arith.cmpi eq, %squeeze3A_670, %eq3A_671 : i32
        %select_n3A_673 = arith.select %eq3A_672, %get3A_380, %get3A_385 : vector<16xf32>
        %add3A_674 = arith.constant 10 : i32
        %add3A_675 = arith.addi %mul3A_533, %add3A_674 : i32
        %swap3A_676 = arith.constant 3 : i32
        %swap3A_677 = arith.index_cast %swap3A_676 : i32 to index
        %swap3A_678 = arith.index_cast %add3A_675 : i32 to index
        %swap3A_679 = arith.constant 0 : index
        %swap3A_680 = tpu.vector_load %arg11[%swap3A_677, %swap3A_678, %swap3A_679] {strides = array<i32>} : memref<5x128x16xf32, #tpu.memory_space<vmem>>, vector<1x1x16xf32>,
        %swap3A_681 = vector.shape_cast %swap3A_680 : vector<1x1x16xf32> to vector<16xf32>
        %swap3A_682 = vector.shape_cast %select_n3A_673 : vector<16xf32> to vector<1x1x16xf32>
        tpu.vector_store %arg11[%swap3A_677, %swap3A_678, %swap3A_679], %swap3A_682 {strides = array<i32>} : memref<5x128x16xf32, #tpu.memory_space<vmem>>, vector<1x1x16xf32>,
        %slice3A_683 = vector.extract_strided_slice %get3A_531 {offsets = [11], sizes = [1], strides = [1]} : vector<16xi32> to vector<1xi32>
        %squeeze3A_684 = vector.extract %slice3A_683[0] : i32 from vector<1xi32>
        %eq3A_685 = arith.constant 0 : i32
        %eq3A_686 = arith.cmpi eq, %squeeze3A_684, %eq3A_685 : i32
        %select_n3A_687 = arith.select %eq3A_686, %get3A_380, %get3A_385 : vector<16xf32>
        %add3A_688 = arith.constant 11 : i32
        %add3A_689 = arith.addi %mul3A_533, %add3A_688 : i32
        %swap3A_690 = arith.constant 3 : i32
        %swap3A_691 = arith.index_cast %swap3A_690 : i32 to index
        %swap3A_692 = arith.index_cast %add3A_689 : i32 to index
        %swap3A_693 = arith.constant 0 : index
        %swap3A_694 = tpu.vector_load %arg11[%swap3A_691, %swap3A_692, %swap3A_693] {strides = array<i32>} : memref<5x128x16xf32, #tpu.memory_space<vmem>>, vector<1x1x16xf32>,
        %swap3A_695 = vector.shape_cast %swap3A_694 : vector<1x1x16xf32> to vector<16xf32>
        %swap3A_696 = vector.shape_cast %select_n3A_687 : vector<16xf32> to vector<1x1x16xf32>
        tpu.vector_store %arg11[%swap3A_691, %swap3A_692, %swap3A_693], %swap3A_696 {strides = array<i32>} : memref<5x128x16xf32, #tpu.memory_space<vmem>>, vector<1x1x16xf32>,
        %slice3A_697 = vector.extract_strided_slice %get3A_531 {offsets = [12], sizes = [1], strides = [1]} : vector<16xi32> to vector<1xi32>
        %squeeze3A_698 = vector.extract %slice3A_697[0] : i32 from vector<1xi32>
        %eq3A_699 = arith.constant 0 : i32
        %eq3A_700 = arith.cmpi eq, %squeeze3A_698, %eq3A_699 : i32
        %select_n3A_701 = arith.select %eq3A_700, %get3A_380, %get3A_385 : vector<16xf32>
        %add3A_702 = arith.constant 12 : i32
        %add3A_703 = arith.addi %mul3A_533, %add3A_702 : i32
        %swap3A_704 = arith.constant 3 : i32
        %swap3A_705 = arith.index_cast %swap3A_704 : i32 to index
        %swap3A_706 = arith.index_cast %add3A_703 : i32 to index
        %swap3A_707 = arith.constant 0 : index
        %swap3A_708 = tpu.vector_load %arg11[%swap3A_705, %swap3A_706, %swap3A_707] {strides = array<i32>} : memref<5x128x16xf32, #tpu.memory_space<vmem>>, vector<1x1x16xf32>,
        %swap3A_709 = vector.shape_cast %swap3A_708 : vector<1x1x16xf32> to vector<16xf32>
        %swap3A_710 = vector.shape_cast %select_n3A_701 : vector<16xf32> to vector<1x1x16xf32>
        tpu.vector_store %arg11[%swap3A_705, %swap3A_706, %swap3A_707], %swap3A_710 {strides = array<i32>} : memref<5x128x16xf32, #tpu.memory_space<vmem>>, vector<1x1x16xf32>,
        %slice3A_711 = vector.extract_strided_slice %get3A_531 {offsets = [13], sizes = [1], strides = [1]} : vector<16xi32> to vector<1xi32>
        %squeeze3A_712 = vector.extract %slice3A_711[0] : i32 from vector<1xi32>
        %eq3A_713 = arith.constant 0 : i32
        %eq3A_714 = arith.cmpi eq, %squeeze3A_712, %eq3A_713 : i32
        %select_n3A_715 = arith.select %eq3A_714, %get3A_380, %get3A_385 : vector<16xf32>
        %add3A_716 = arith.constant 13 : i32
        %add3A_717 = arith.addi %mul3A_533, %add3A_716 : i32
        %swap3A_718 = arith.constant 3 : i32
        %swap3A_719 = arith.index_cast %swap3A_718 : i32 to index
        %swap3A_720 = arith.index_cast %add3A_717 : i32 to index
        %swap3A_721 = arith.constant 0 : index
        %swap3A_722 = tpu.vector_load %arg11[%swap3A_719, %swap3A_720, %swap3A_721] {strides = array<i32>} : memref<5x128x16xf32, #tpu.memory_space<vmem>>, vector<1x1x16xf32>,
        %swap3A_723 = vector.shape_cast %swap3A_722 : vector<1x1x16xf32> to vector<16xf32>
        %swap3A_724 = vector.shape_cast %select_n3A_715 : vector<16xf32> to vector<1x1x16xf32>
        tpu.vector_store %arg11[%swap3A_719, %swap3A_720, %swap3A_721], %swap3A_724 {strides = array<i32>} : memref<5x128x16xf32, #tpu.memory_space<vmem>>, vector<1x1x16xf32>,
        %slice3A_725 = vector.extract_strided_slice %get3A_531 {offsets = [14], sizes = [1], strides = [1]} : vector<16xi32> to vector<1xi32>
        %squeeze3A_726 = vector.extract %slice3A_725[0] : i32 from vector<1xi32>
        %eq3A_727 = arith.constant 0 : i32
        %eq3A_728 = arith.cmpi eq, %squeeze3A_726, %eq3A_727 : i32
        %select_n3A_729 = arith.select %eq3A_728, %get3A_380, %get3A_385 : vector<16xf32>
        %add3A_730 = arith.constant 14 : i32
        %add3A_731 = arith.addi %mul3A_533, %add3A_730 : i32
        %swap3A_732 = arith.constant 3 : i32
        %swap3A_733 = arith.index_cast %swap3A_732 : i32 to index
        %swap3A_734 = arith.index_cast %add3A_731 : i32 to index
        %swap3A_735 = arith.constant 0 : index
        %swap3A_736 = tpu.vector_load %arg11[%swap3A_733, %swap3A_734, %swap3A_735] {strides = array<i32>} : memref<5x128x16xf32, #tpu.memory_space<vmem>>, vector<1x1x16xf32>,
        %swap3A_737 = vector.shape_cast %swap3A_736 : vector<1x1x16xf32> to vector<16xf32>
        %swap3A_738 = vector.shape_cast %select_n3A_729 : vector<16xf32> to vector<1x1x16xf32>
        tpu.vector_store %arg11[%swap3A_733, %swap3A_734, %swap3A_735], %swap3A_738 {strides = array<i32>} : memref<5x128x16xf32, #tpu.memory_space<vmem>>, vector<1x1x16xf32>,
        %slice3A_739 = vector.extract_strided_slice %get3A_531 {offsets = [15], sizes = [1], strides = [1]} : vector<16xi32> to vector<1xi32>
        %squeeze3A_740 = vector.extract %slice3A_739[0] : i32 from vector<1xi32>
        %eq3A_741 = arith.constant 0 : i32
        %eq3A_742 = arith.cmpi eq, %squeeze3A_740, %eq3A_741 : i32
        %select_n3A_743 = arith.select %eq3A_742, %get3A_380, %get3A_385 : vector<16xf32>
        %add3A_744 = arith.constant 15 : i32
        %add3A_745 = arith.addi %mul3A_533, %add3A_744 : i32
        %swap3A_746 = arith.constant 3 : i32
        %swap3A_747 = arith.index_cast %swap3A_746 : i32 to index
        %swap3A_748 = arith.index_cast %add3A_745 : i32 to index
        %swap3A_749 = arith.constant 0 : index
        %swap3A_750 = tpu.vector_load %arg11[%swap3A_747, %swap3A_748, %swap3A_749] {strides = array<i32>} : memref<5x128x16xf32, #tpu.memory_space<vmem>>, vector<1x1x16xf32>,
        %swap3A_751 = vector.shape_cast %swap3A_750 : vector<1x1x16xf32> to vector<16xf32>
        %swap3A_752 = vector.shape_cast %select_n3A_743 : vector<16xf32> to vector<1x1x16xf32>
        tpu.vector_store %arg11[%swap3A_747, %swap3A_748, %swap3A_749], %swap3A_752 {strides = array<i32>} : memref<5x128x16xf32, #tpu.memory_space<vmem>>, vector<1x1x16xf32>,
      }
      %scan3A_391 = arith.constant 8 : i32
      %dma_wait3A_392 = arith.constant 0 : i32
      %dma_wait3A_393 = arith.constant 3 : i32
      %dma_wait3A_394 = arith.constant 0 : i32
      %dma_wait3A_395 = arith.constant 0 : i32
      %dma_wait3A_396 = tpu.memref_slice %arg10[%dma_wait3A_393, %dma_wait3A_394, %dma_wait3A_395] : memref<5x128x64xf32, #tpu.memory_space<vmem>> -> memref<1x128x64xf32, #tpu.memory_space<vmem>>
      %dma_wait3A_397 = tpu.memref_squeeze %dma_wait3A_396 : memref<1x128x64xf32, #tpu.memory_space<vmem>> -> memref<128x64xf32, #tpu.memory_space<vmem>>
      %dma_wait3A_398 = arith.constant 0 : i32
      %dma_wait3A_399 = tpu.memref_slice %arg7[%dma_wait3A_392, %dma_wait3A_398] : memref<50x128xi32, #tpu.memory_space<vmem>> -> memref<1x128xi32, #tpu.memory_space<vmem>>
      %dma_wait3A_400 = tpu.memref_squeeze %dma_wait3A_399 : memref<1x128xi32, #tpu.memory_space<vmem>> -> memref<128xi32, #tpu.memory_space<vmem>>
      %dma_wait3A_401 = arith.constant 0 : i32
      %dma_wait3A_402 = arith.constant 0 : i32
      %dma_wait3A_403 = tpu.memref_slice %arg4[%dma_wait3A_401, %dma_wait3A_402] : memref<1000000x64xf32, #tpu.memory_space<hbm>> -> memref<1000000x64xf32, #tpu.memory_space<hbm>>
      tpu.wait_indirect_dma semaphore(%arg15 : memref<!tpu.dma_semaphore, #tpu.memory_space<semaphore_mem>>) src(%dma_wait3A_403 : memref<1000000x64xf32, #tpu.memory_space<hbm>>) dst(%dma_wait3A_397 : memref<128x64xf32, #tpu.memory_space<vmem>>)
      %mul3A_404 = arith.constant 128 : i32
      %mul3A_405 = arith.muli %add3A_345, %mul3A_404 : i32
      %add3A_406 = arith.addi %mul3A_2, %mul3A_405 : i32
      %dma_start3A_407 = arith.constant 3 : i32
      %dma_start3A_408 = arith.constant 0 : i32
      %dma_start3A_409 = arith.constant 0 : i32
      %dma_start3A_410 = tpu.memref_slice %arg10[%dma_start3A_407, %dma_start3A_408, %dma_start3A_409] : memref<5x128x64xf32, #tpu.memory_space<vmem>> -> memref<1x128x64xf32, #tpu.memory_space<vmem>>
      %dma_start3A_411 = tpu.memref_squeeze %dma_start3A_410 : memref<1x128x64xf32, #tpu.memory_space<vmem>> -> memref<128x64xf32, #tpu.memory_space<vmem>>
      %dma_start3A_412 = arith.constant 0 : i32
      %dma_start3A_413 = tpu.memref_slice %arg6[%add3A_406, %dma_start3A_412] : memref<204800x80xf32, #tpu.memory_space<hbm>> -> memref<128x64xf32, #tpu.memory_space<hbm>>
      %dma_start3A_414 = arith.constant 0 : i32
      %dma_start3A_415 = tpu.memref_slice %arg6[%add3A_406, %dma_start3A_414] : memref<204800x80xf32, #tpu.memory_space<hbm>> -> memref<128x64xf32, #tpu.memory_space<hbm>>
      %dma_start3A_416 = arith.constant 0 : i32
      %dma_start3A_417 = arith.constant 0 : i32
      %dma_start3A_418 = tpu.memref_slice %arg10[%dma_start3A_407, %dma_start3A_416, %dma_start3A_417] : memref<5x128x64xf32, #tpu.memory_space<vmem>> -> memref<1x128x64xf32, #tpu.memory_space<vmem>>
      %dma_start3A_419 = tpu.memref_squeeze %dma_start3A_418 : memref<1x128x64xf32, #tpu.memory_space<vmem>> -> memref<128x64xf32, #tpu.memory_space<vmem>>
      tpu.enqueue_dma source(%dma_start3A_419 : memref<128x64xf32, #tpu.memory_space<vmem>>) target(%dma_start3A_415 : memref<128x64xf32, #tpu.memory_space<hbm>>) target_semaphore(%arg20 : memref<!tpu.dma_semaphore, #tpu.memory_space<semaphore_mem>>)
      %dma_start3A_420 = arith.constant 3 : i32
      %dma_start3A_421 = arith.constant 0 : i32
      %dma_start3A_422 = arith.constant 0 : i32
      %dma_start3A_423 = tpu.memref_slice %arg11[%dma_start3A_420, %dma_start3A_421, %dma_start3A_422] : memref<5x128x16xf32, #tpu.memory_space<vmem>> -> memref<1x128x16xf32, #tpu.memory_space<vmem>>
      %dma_start3A_424 = tpu.memref_squeeze %dma_start3A_423 : memref<1x128x16xf32, #tpu.memory_space<vmem>> -> memref<128x16xf32, #tpu.memory_space<vmem>>
      %dma_start3A_425 = arith.constant 64 : i32
      %dma_start3A_426 = tpu.memref_slice %arg6[%add3A_406, %dma_start3A_425] : memref<204800x80xf32, #tpu.memory_space<hbm>> -> memref<128x16xf32, #tpu.memory_space<hbm>>
      %dma_start3A_427 = arith.constant 64 : i32
      %dma_start3A_428 = tpu.memref_slice %arg6[%add3A_406, %dma_start3A_427] : memref<204800x80xf32, #tpu.memory_space<hbm>> -> memref<128x16xf32, #tpu.memory_space<hbm>>
      %dma_start3A_429 = arith.constant 0 : i32
      %dma_start3A_430 = arith.constant 0 : i32
      %dma_start3A_431 = tpu.memref_slice %arg11[%dma_start3A_420, %dma_start3A_429, %dma_start3A_430] : memref<5x128x16xf32, #tpu.memory_space<vmem>> -> memref<1x128x16xf32, #tpu.memory_space<vmem>>
      %dma_start3A_432 = tpu.memref_squeeze %dma_start3A_431 : memref<1x128x16xf32, #tpu.memory_space<vmem>> -> memref<128x16xf32, #tpu.memory_space<vmem>>
      tpu.enqueue_dma source(%dma_start3A_432 : memref<128x16xf32, #tpu.memory_space<vmem>>) target(%dma_start3A_428 : memref<128x16xf32, #tpu.memory_space<hbm>>) target_semaphore(%arg25 : memref<!tpu.dma_semaphore, #tpu.memory_space<semaphore_mem>>)
      %mul3A_433 = arith.constant 5 : i32
      %mul3A_434 = arith.muli %scan3A_108, %mul3A_433 : i32
      %add3A_435 = arith.constant 4 : i32
      %add3A_436 = arith.addi %mul3A_434, %add3A_435 : i32
      %dma_wait3A_437 = arith.constant 1 : i32
      %dma_wait3A_438 = arith.constant 0 : i32
      %dma_wait3A_439 = arith.constant 0 : i32
      %dma_wait3A_440 = tpu.memref_slice %arg10[%dma_wait3A_437, %dma_wait3A_438, %dma_wait3A_439] : memref<5x128x64xf32, #tpu.memory_space<vmem>> -> memref<1x128x64xf32, #tpu.memory_space<vmem>>
      %dma_wait3A_441 = tpu.memref_squeeze %dma_wait3A_440 : memref<1x128x64xf32, #tpu.memory_space<vmem>> -> memref<128x64xf32, #tpu.memory_space<vmem>>
      %dma_wait3A_442 = arith.constant 0 : i32
      %dma_wait3A_443 = tpu.memref_slice %arg6[%mul3A_2, %dma_wait3A_442] : memref<204800x80xf32, #tpu.memory_space<hbm>> -> memref<128x64xf32, #tpu.memory_space<hbm>>
      %dma_wait3A_444 = arith.constant 0 : i32
      %dma_wait3A_445 = tpu.memref_slice %arg6[%mul3A_2, %dma_wait3A_444] : memref<204800x80xf32, #tpu.memory_space<hbm>> -> memref<128x64xf32, #tpu.memory_space<hbm>>
      %dma_wait3A_446 = arith.constant 0 : i32
      %dma_wait3A_447 = arith.constant 0 : i32
      %dma_wait3A_448 = tpu.memref_slice %arg10[%dma_wait3A_437, %dma_wait3A_446, %dma_wait3A_447] : memref<5x128x64xf32, #tpu.memory_space<vmem>> -> memref<1x128x64xf32, #tpu.memory_space<vmem>>
      %dma_wait3A_449 = tpu.memref_squeeze %dma_wait3A_448 : memref<1x128x64xf32, #tpu.memory_space<vmem>> -> memref<128x64xf32, #tpu.memory_space<vmem>>
      tpu.wait_dma2 semaphore(%arg18 : memref<!tpu.dma_semaphore, #tpu.memory_space<semaphore_mem>>) src(%dma_wait3A_449 : memref<128x64xf32, #tpu.memory_space<vmem>>) dst(%dma_wait3A_445 : memref<128x64xf32, #tpu.memory_space<hbm>>)
      %dma_wait3A_450 = arith.constant 1 : i32
      %dma_wait3A_451 = arith.constant 0 : i32
      %dma_wait3A_452 = arith.constant 0 : i32
      %dma_wait3A_453 = tpu.memref_slice %arg11[%dma_wait3A_450, %dma_wait3A_451, %dma_wait3A_452] : memref<5x128x16xf32, #tpu.memory_space<vmem>> -> memref<1x128x16xf32, #tpu.memory_space<vmem>>
      %dma_wait3A_454 = tpu.memref_squeeze %dma_wait3A_453 : memref<1x128x16xf32, #tpu.memory_space<vmem>> -> memref<128x16xf32, #tpu.memory_space<vmem>>
      %dma_wait3A_455 = arith.constant 64 : i32
      %dma_wait3A_456 = tpu.memref_slice %arg6[%mul3A_2, %dma_wait3A_455] : memref<204800x80xf32, #tpu.memory_space<hbm>> -> memref<128x16xf32, #tpu.memory_space<hbm>>
      %dma_wait3A_457 = arith.constant 64 : i32
      %dma_wait3A_458 = tpu.memref_slice %arg6[%mul3A_2, %dma_wait3A_457] : memref<204800x80xf32, #tpu.memory_space<hbm>> -> memref<128x16xf32, #tpu.memory_space<hbm>>
      %dma_wait3A_459 = arith.constant 0 : i32
      %dma_wait3A_460 = arith.constant 0 : i32
      %dma_wait3A_461 = tpu.memref_slice %arg11[%dma_wait3A_450, %dma_wait3A_459, %dma_wait3A_460] : memref<5x128x16xf32, #tpu.memory_space<vmem>> -> memref<1x128x16xf32, #tpu.memory_space<vmem>>
      %dma_wait3A_462 = tpu.memref_squeeze %dma_wait3A_461 : memref<1x128x16xf32, #tpu.memory_space<vmem>> -> memref<128x16xf32, #tpu.memory_space<vmem>>
      tpu.wait_dma2 semaphore(%arg23 : memref<!tpu.dma_semaphore, #tpu.memory_space<semaphore_mem>>) src(%dma_wait3A_462 : memref<128x16xf32, #tpu.memory_space<vmem>>) dst(%dma_wait3A_458 : memref<128x16xf32, #tpu.memory_space<hbm>>)
      %lt3A_463 = arith.constant 9 : i32
      %lt3A_464 = arith.cmpi slt, %scan3A_108, %lt3A_463 : i32
      %convert_element_type3A_465 = arith.extui %lt3A_464 : i1 to i32
      %cond3A_466 = arith.constant 0 : i32
      %cond3A_467 = arith.cmpi ne, %convert_element_type3A_465, %cond3A_466 : i32
      scf.if %cond3A_467 {
        %add3A_525 = arith.constant 2 : i32
        %add3A_526 = arith.addi %add3A_436, %add3A_525 : i32
        %dma_start3A_527 = arith.constant 1 : i32
        %dma_start3A_528 = arith.constant 0 : i32
        %dma_start3A_529 = arith.constant 0 : i32
        %dma_start3A_530 = tpu.memref_slice %arg10[%dma_start3A_527, %dma_start3A_528, %dma_start3A_529] : memref<5x128x64xf32, #tpu.memory_space<vmem>> -> memref<1x128x64xf32, #tpu.memory_space<vmem>>
        %dma_start3A_531 = tpu.memref_squeeze %dma_start3A_530 : memref<1x128x64xf32, #tpu.memory_space<vmem>> -> memref<128x64xf32, #tpu.memory_space<vmem>>
        %dma_start3A_532 = arith.constant 0 : i32
        %dma_start3A_533 = tpu.memref_slice %arg7[%add3A_526, %dma_start3A_532] : memref<50x128xi32, #tpu.memory_space<vmem>> -> memref<1x128xi32, #tpu.memory_space<vmem>>
        %dma_start3A_534 = tpu.memref_squeeze %dma_start3A_533 : memref<1x128xi32, #tpu.memory_space<vmem>> -> memref<128xi32, #tpu.memory_space<vmem>>
        %dma_start3A_535 = arith.constant 0 : i32
        %dma_start3A_536 = arith.constant 0 : i32
        %dma_start3A_537 = tpu.memref_slice %arg4[%dma_start3A_535, %dma_start3A_536] : memref<1000000x64xf32, #tpu.memory_space<hbm>> -> memref<1000000x64xf32, #tpu.memory_space<hbm>>
        tpu.enqueue_indirect_dma source(%dma_start3A_537 : memref<1000000x64xf32, #tpu.memory_space<hbm>>) target(%dma_start3A_531 : memref<128x64xf32, #tpu.memory_space<vmem>>) offsets(%dma_start3A_534 : memref<128xi32, #tpu.memory_space<vmem>>) semaphore(%arg13 : memref<!tpu.dma_semaphore, #tpu.memory_space<semaphore_mem>>)
      } else {
      }
      %get3A_468 = arith.constant 0 : i32
      %get3A_469 = arith.index_cast %get3A_468 : i32 to index
      %get3A_470 = arith.constant 0 : index
      %get3A_471 = tpu.vector_load %arg9[%get3A_469, %get3A_470] {strides = array<i32>} : memref<2x16xf32, #tpu.memory_space<vmem>>, vector<1x16xf32>,
      %get3A_472 = vector.shape_cast %get3A_471 : vector<1x16xf32> to vector<16xf32>
      %get3A_473 = arith.constant 1 : i32
      %get3A_474 = arith.index_cast %get3A_473 : i32 to index
      %get3A_475 = arith.constant 0 : index
      %get3A_476 = tpu.vector_load %arg9[%get3A_474, %get3A_475] {strides = array<i32>} : memref<2x16xf32, #tpu.memory_space<vmem>>, vector<1x16xf32>,
      %get3A_477 = vector.shape_cast %get3A_476 : vector<1x16xf32> to vector<16xf32>
      %scan3A_478 = arith.constant 0 : i32
      %scan3A_479 = arith.constant 0 : i32
      %scan3A_480 = arith.constant 8 : i32
      %scan3A_481 = arith.addi %scan3A_479, %scan3A_480 : i32
      %scan3A_482 = arith.constant 1 : i32
      scf.for %scan3A_525 = %scan3A_479 to %scan3A_481 step %scan3A_482  : i32 {
        %mul3A_526 = arith.constant 16 : i32
        %mul3A_527 = arith.muli %scan3A_525, %mul3A_526 : i32
        %get3A_528 = arith.index_cast %add3A_436 : i32 to index
        %get3A_529 = arith.index_cast %mul3A_527 : i32 to index
        %get3A_530 = tpu.vector_load %arg8[%get3A_528, %get3A_529] {strides = array<i32>} : memref<50x128xi32, #tpu.memory_space<vmem>>, vector<1x16xi32>,
        %get3A_531 = vector.shape_cast %get3A_530 : vector<1x16xi32> to vector<16xi32>
        %mul3A_532 = arith.constant 16 : i32
        %mul3A_533 = arith.muli %scan3A_525, %mul3A_532 : i32
        %slice3A = vector.extract_strided_slice %get3A_531 {offsets = [0], sizes = [1], strides = [1]} : vector<16xi32> to vector<1xi32>
        %squeeze3A = vector.extract %slice3A[0] : i32 from vector<1xi32>
        %eq3A = arith.constant 0 : i32
        %eq3A_534 = arith.cmpi eq, %squeeze3A, %eq3A : i32
        %select_n3A = arith.select %eq3A_534, %get3A_472, %get3A_477 : vector<16xf32>
        %add3A_535 = arith.constant 0 : i32
        %add3A_536 = arith.addi %mul3A_533, %add3A_535 : i32
        %swap3A = arith.constant 4 : i32
        %swap3A_537 = arith.index_cast %swap3A : i32 to index
        %swap3A_538 = arith.index_cast %add3A_536 : i32 to index
        %swap3A_539 = arith.constant 0 : index
        %swap3A_540 = tpu.vector_load %arg11[%swap3A_537, %swap3A_538, %swap3A_539] {strides = array<i32>} : memref<5x128x16xf32, #tpu.memory_space<vmem>>, vector<1x1x16xf32>,
        %swap3A_541 = vector.shape_cast %swap3A_540 : vector<1x1x16xf32> to vector<16xf32>
        %swap3A_542 = vector.shape_cast %select_n3A : vector<16xf32> to vector<1x1x16xf32>
        tpu.vector_store %arg11[%swap3A_537, %swap3A_538, %swap3A_539], %swap3A_542 {strides = array<i32>} : memref<5x128x16xf32, #tpu.memory_space<vmem>>, vector<1x1x16xf32>,
        %slice3A_543 = vector.extract_strided_slice %get3A_531 {offsets = [1], sizes = [1], strides = [1]} : vector<16xi32> to vector<1xi32>
        %squeeze3A_544 = vector.extract %slice3A_543[0] : i32 from vector<1xi32>
        %eq3A_545 = arith.constant 0 : i32
        %eq3A_546 = arith.cmpi eq, %squeeze3A_544, %eq3A_545 : i32
        %select_n3A_547 = arith.select %eq3A_546, %get3A_472, %get3A_477 : vector<16xf32>
        %add3A_548 = arith.constant 1 : i32
        %add3A_549 = arith.addi %mul3A_533, %add3A_548 : i32
        %swap3A_550 = arith.constant 4 : i32
        %swap3A_551 = arith.index_cast %swap3A_550 : i32 to index
        %swap3A_552 = arith.index_cast %add3A_549 : i32 to index
        %swap3A_553 = arith.constant 0 : index
        %swap3A_554 = tpu.vector_load %arg11[%swap3A_551, %swap3A_552, %swap3A_553] {strides = array<i32>} : memref<5x128x16xf32, #tpu.memory_space<vmem>>, vector<1x1x16xf32>,
        %swap3A_555 = vector.shape_cast %swap3A_554 : vector<1x1x16xf32> to vector<16xf32>
        %swap3A_556 = vector.shape_cast %select_n3A_547 : vector<16xf32> to vector<1x1x16xf32>
        tpu.vector_store %arg11[%swap3A_551, %swap3A_552, %swap3A_553], %swap3A_556 {strides = array<i32>} : memref<5x128x16xf32, #tpu.memory_space<vmem>>, vector<1x1x16xf32>,
        %slice3A_557 = vector.extract_strided_slice %get3A_531 {offsets = [2], sizes = [1], strides = [1]} : vector<16xi32> to vector<1xi32>
        %squeeze3A_558 = vector.extract %slice3A_557[0] : i32 from vector<1xi32>
        %eq3A_559 = arith.constant 0 : i32
        %eq3A_560 = arith.cmpi eq, %squeeze3A_558, %eq3A_559 : i32
        %select_n3A_561 = arith.select %eq3A_560, %get3A_472, %get3A_477 : vector<16xf32>
        %add3A_562 = arith.constant 2 : i32
        %add3A_563 = arith.addi %mul3A_533, %add3A_562 : i32
        %swap3A_564 = arith.constant 4 : i32
        %swap3A_565 = arith.index_cast %swap3A_564 : i32 to index
        %swap3A_566 = arith.index_cast %add3A_563 : i32 to index
        %swap3A_567 = arith.constant 0 : index
        %swap3A_568 = tpu.vector_load %arg11[%swap3A_565, %swap3A_566, %swap3A_567] {strides = array<i32>} : memref<5x128x16xf32, #tpu.memory_space<vmem>>, vector<1x1x16xf32>,
        %swap3A_569 = vector.shape_cast %swap3A_568 : vector<1x1x16xf32> to vector<16xf32>
        %swap3A_570 = vector.shape_cast %select_n3A_561 : vector<16xf32> to vector<1x1x16xf32>
        tpu.vector_store %arg11[%swap3A_565, %swap3A_566, %swap3A_567], %swap3A_570 {strides = array<i32>} : memref<5x128x16xf32, #tpu.memory_space<vmem>>, vector<1x1x16xf32>,
        %slice3A_571 = vector.extract_strided_slice %get3A_531 {offsets = [3], sizes = [1], strides = [1]} : vector<16xi32> to vector<1xi32>
        %squeeze3A_572 = vector.extract %slice3A_571[0] : i32 from vector<1xi32>
        %eq3A_573 = arith.constant 0 : i32
        %eq3A_574 = arith.cmpi eq, %squeeze3A_572, %eq3A_573 : i32
        %select_n3A_575 = arith.select %eq3A_574, %get3A_472, %get3A_477 : vector<16xf32>
        %add3A_576 = arith.constant 3 : i32
        %add3A_577 = arith.addi %mul3A_533, %add3A_576 : i32
        %swap3A_578 = arith.constant 4 : i32
        %swap3A_579 = arith.index_cast %swap3A_578 : i32 to index
        %swap3A_580 = arith.index_cast %add3A_577 : i32 to index
        %swap3A_581 = arith.constant 0 : index
        %swap3A_582 = tpu.vector_load %arg11[%swap3A_579, %swap3A_580, %swap3A_581] {strides = array<i32>} : memref<5x128x16xf32, #tpu.memory_space<vmem>>, vector<1x1x16xf32>,
        %swap3A_583 = vector.shape_cast %swap3A_582 : vector<1x1x16xf32> to vector<16xf32>
        %swap3A_584 = vector.shape_cast %select_n3A_575 : vector<16xf32> to vector<1x1x16xf32>
        tpu.vector_store %arg11[%swap3A_579, %swap3A_580, %swap3A_581], %swap3A_584 {strides = array<i32>} : memref<5x128x16xf32, #tpu.memory_space<vmem>>, vector<1x1x16xf32>,
        %slice3A_585 = vector.extract_strided_slice %get3A_531 {offsets = [4], sizes = [1], strides = [1]} : vector<16xi32> to vector<1xi32>
        %squeeze3A_586 = vector.extract %slice3A_585[0] : i32 from vector<1xi32>
        %eq3A_587 = arith.constant 0 : i32
        %eq3A_588 = arith.cmpi eq, %squeeze3A_586, %eq3A_587 : i32
        %select_n3A_589 = arith.select %eq3A_588, %get3A_472, %get3A_477 : vector<16xf32>
        %add3A_590 = arith.constant 4 : i32
        %add3A_591 = arith.addi %mul3A_533, %add3A_590 : i32
        %swap3A_592 = arith.constant 4 : i32
        %swap3A_593 = arith.index_cast %swap3A_592 : i32 to index
        %swap3A_594 = arith.index_cast %add3A_591 : i32 to index
        %swap3A_595 = arith.constant 0 : index
        %swap3A_596 = tpu.vector_load %arg11[%swap3A_593, %swap3A_594, %swap3A_595] {strides = array<i32>} : memref<5x128x16xf32, #tpu.memory_space<vmem>>, vector<1x1x16xf32>,
        %swap3A_597 = vector.shape_cast %swap3A_596 : vector<1x1x16xf32> to vector<16xf32>
        %swap3A_598 = vector.shape_cast %select_n3A_589 : vector<16xf32> to vector<1x1x16xf32>
        tpu.vector_store %arg11[%swap3A_593, %swap3A_594, %swap3A_595], %swap3A_598 {strides = array<i32>} : memref<5x128x16xf32, #tpu.memory_space<vmem>>, vector<1x1x16xf32>,
        %slice3A_599 = vector.extract_strided_slice %get3A_531 {offsets = [5], sizes = [1], strides = [1]} : vector<16xi32> to vector<1xi32>
        %squeeze3A_600 = vector.extract %slice3A_599[0] : i32 from vector<1xi32>
        %eq3A_601 = arith.constant 0 : i32
        %eq3A_602 = arith.cmpi eq, %squeeze3A_600, %eq3A_601 : i32
        %select_n3A_603 = arith.select %eq3A_602, %get3A_472, %get3A_477 : vector<16xf32>
        %add3A_604 = arith.constant 5 : i32
        %add3A_605 = arith.addi %mul3A_533, %add3A_604 : i32
        %swap3A_606 = arith.constant 4 : i32
        %swap3A_607 = arith.index_cast %swap3A_606 : i32 to index
        %swap3A_608 = arith.index_cast %add3A_605 : i32 to index
        %swap3A_609 = arith.constant 0 : index
        %swap3A_610 = tpu.vector_load %arg11[%swap3A_607, %swap3A_608, %swap3A_609] {strides = array<i32>} : memref<5x128x16xf32, #tpu.memory_space<vmem>>, vector<1x1x16xf32>,
        %swap3A_611 = vector.shape_cast %swap3A_610 : vector<1x1x16xf32> to vector<16xf32>
        %swap3A_612 = vector.shape_cast %select_n3A_603 : vector<16xf32> to vector<1x1x16xf32>
        tpu.vector_store %arg11[%swap3A_607, %swap3A_608, %swap3A_609], %swap3A_612 {strides = array<i32>} : memref<5x128x16xf32, #tpu.memory_space<vmem>>, vector<1x1x16xf32>,
        %slice3A_613 = vector.extract_strided_slice %get3A_531 {offsets = [6], sizes = [1], strides = [1]} : vector<16xi32> to vector<1xi32>
        %squeeze3A_614 = vector.extract %slice3A_613[0] : i32 from vector<1xi32>
        %eq3A_615 = arith.constant 0 : i32
        %eq3A_616 = arith.cmpi eq, %squeeze3A_614, %eq3A_615 : i32
        %select_n3A_617 = arith.select %eq3A_616, %get3A_472, %get3A_477 : vector<16xf32>
        %add3A_618 = arith.constant 6 : i32
        %add3A_619 = arith.addi %mul3A_533, %add3A_618 : i32
        %swap3A_620 = arith.constant 4 : i32
        %swap3A_621 = arith.index_cast %swap3A_620 : i32 to index
        %swap3A_622 = arith.index_cast %add3A_619 : i32 to index
        %swap3A_623 = arith.constant 0 : index
        %swap3A_624 = tpu.vector_load %arg11[%swap3A_621, %swap3A_622, %swap3A_623] {strides = array<i32>} : memref<5x128x16xf32, #tpu.memory_space<vmem>>, vector<1x1x16xf32>,
        %swap3A_625 = vector.shape_cast %swap3A_624 : vector<1x1x16xf32> to vector<16xf32>
        %swap3A_626 = vector.shape_cast %select_n3A_617 : vector<16xf32> to vector<1x1x16xf32>
        tpu.vector_store %arg11[%swap3A_621, %swap3A_622, %swap3A_623], %swap3A_626 {strides = array<i32>} : memref<5x128x16xf32, #tpu.memory_space<vmem>>, vector<1x1x16xf32>,
        %slice3A_627 = vector.extract_strided_slice %get3A_531 {offsets = [7], sizes = [1], strides = [1]} : vector<16xi32> to vector<1xi32>
        %squeeze3A_628 = vector.extract %slice3A_627[0] : i32 from vector<1xi32>
        %eq3A_629 = arith.constant 0 : i32
        %eq3A_630 = arith.cmpi eq, %squeeze3A_628, %eq3A_629 : i32
        %select_n3A_631 = arith.select %eq3A_630, %get3A_472, %get3A_477 : vector<16xf32>
        %add3A_632 = arith.constant 7 : i32
        %add3A_633 = arith.addi %mul3A_533, %add3A_632 : i32
        %swap3A_634 = arith.constant 4 : i32
        %swap3A_635 = arith.index_cast %swap3A_634 : i32 to index
        %swap3A_636 = arith.index_cast %add3A_633 : i32 to index
        %swap3A_637 = arith.constant 0 : index
        %swap3A_638 = tpu.vector_load %arg11[%swap3A_635, %swap3A_636, %swap3A_637] {strides = array<i32>} : memref<5x128x16xf32, #tpu.memory_space<vmem>>, vector<1x1x16xf32>,
        %swap3A_639 = vector.shape_cast %swap3A_638 : vector<1x1x16xf32> to vector<16xf32>
        %swap3A_640 = vector.shape_cast %select_n3A_631 : vector<16xf32> to vector<1x1x16xf32>
        tpu.vector_store %arg11[%swap3A_635, %swap3A_636, %swap3A_637], %swap3A_640 {strides = array<i32>} : memref<5x128x16xf32, #tpu.memory_space<vmem>>, vector<1x1x16xf32>,
        %slice3A_641 = vector.extract_strided_slice %get3A_531 {offsets = [8], sizes = [1], strides = [1]} : vector<16xi32> to vector<1xi32>
        %squeeze3A_642 = vector.extract %slice3A_641[0] : i32 from vector<1xi32>
        %eq3A_643 = arith.constant 0 : i32
        %eq3A_644 = arith.cmpi eq, %squeeze3A_642, %eq3A_643 : i32
        %select_n3A_645 = arith.select %eq3A_644, %get3A_472, %get3A_477 : vector<16xf32>
        %add3A_646 = arith.constant 8 : i32
        %add3A_647 = arith.addi %mul3A_533, %add3A_646 : i32
        %swap3A_648 = arith.constant 4 : i32
        %swap3A_649 = arith.index_cast %swap3A_648 : i32 to index
        %swap3A_650 = arith.index_cast %add3A_647 : i32 to index
        %swap3A_651 = arith.constant 0 : index
        %swap3A_652 = tpu.vector_load %arg11[%swap3A_649, %swap3A_650, %swap3A_651] {strides = array<i32>} : memref<5x128x16xf32, #tpu.memory_space<vmem>>, vector<1x1x16xf32>,
        %swap3A_653 = vector.shape_cast %swap3A_652 : vector<1x1x16xf32> to vector<16xf32>
        %swap3A_654 = vector.shape_cast %select_n3A_645 : vector<16xf32> to vector<1x1x16xf32>
        tpu.vector_store %arg11[%swap3A_649, %swap3A_650, %swap3A_651], %swap3A_654 {strides = array<i32>} : memref<5x128x16xf32, #tpu.memory_space<vmem>>, vector<1x1x16xf32>,
        %slice3A_655 = vector.extract_strided_slice %get3A_531 {offsets = [9], sizes = [1], strides = [1]} : vector<16xi32> to vector<1xi32>
        %squeeze3A_656 = vector.extract %slice3A_655[0] : i32 from vector<1xi32>
        %eq3A_657 = arith.constant 0 : i32
        %eq3A_658 = arith.cmpi eq, %squeeze3A_656, %eq3A_657 : i32
        %select_n3A_659 = arith.select %eq3A_658, %get3A_472, %get3A_477 : vector<16xf32>
        %add3A_660 = arith.constant 9 : i32
        %add3A_661 = arith.addi %mul3A_533, %add3A_660 : i32
        %swap3A_662 = arith.constant 4 : i32
        %swap3A_663 = arith.index_cast %swap3A_662 : i32 to index
        %swap3A_664 = arith.index_cast %add3A_661 : i32 to index
        %swap3A_665 = arith.constant 0 : index
        %swap3A_666 = tpu.vector_load %arg11[%swap3A_663, %swap3A_664, %swap3A_665] {strides = array<i32>} : memref<5x128x16xf32, #tpu.memory_space<vmem>>, vector<1x1x16xf32>,
        %swap3A_667 = vector.shape_cast %swap3A_666 : vector<1x1x16xf32> to vector<16xf32>
        %swap3A_668 = vector.shape_cast %select_n3A_659 : vector<16xf32> to vector<1x1x16xf32>
        tpu.vector_store %arg11[%swap3A_663, %swap3A_664, %swap3A_665], %swap3A_668 {strides = array<i32>} : memref<5x128x16xf32, #tpu.memory_space<vmem>>, vector<1x1x16xf32>,
        %slice3A_669 = vector.extract_strided_slice %get3A_531 {offsets = [10], sizes = [1], strides = [1]} : vector<16xi32> to vector<1xi32>
        %squeeze3A_670 = vector.extract %slice3A_669[0] : i32 from vector<1xi32>
        %eq3A_671 = arith.constant 0 : i32
        %eq3A_672 = arith.cmpi eq, %squeeze3A_670, %eq3A_671 : i32
        %select_n3A_673 = arith.select %eq3A_672, %get3A_472, %get3A_477 : vector<16xf32>
        %add3A_674 = arith.constant 10 : i32
        %add3A_675 = arith.addi %mul3A_533, %add3A_674 : i32
        %swap3A_676 = arith.constant 4 : i32
        %swap3A_677 = arith.index_cast %swap3A_676 : i32 to index
        %swap3A_678 = arith.index_cast %add3A_675 : i32 to index
        %swap3A_679 = arith.constant 0 : index
        %swap3A_680 = tpu.vector_load %arg11[%swap3A_677, %swap3A_678, %swap3A_679] {strides = array<i32>} : memref<5x128x16xf32, #tpu.memory_space<vmem>>, vector<1x1x16xf32>,
        %swap3A_681 = vector.shape_cast %swap3A_680 : vector<1x1x16xf32> to vector<16xf32>
        %swap3A_682 = vector.shape_cast %select_n3A_673 : vector<16xf32> to vector<1x1x16xf32>
        tpu.vector_store %arg11[%swap3A_677, %swap3A_678, %swap3A_679], %swap3A_682 {strides = array<i32>} : memref<5x128x16xf32, #tpu.memory_space<vmem>>, vector<1x1x16xf32>,
        %slice3A_683 = vector.extract_strided_slice %get3A_531 {offsets = [11], sizes = [1], strides = [1]} : vector<16xi32> to vector<1xi32>
        %squeeze3A_684 = vector.extract %slice3A_683[0] : i32 from vector<1xi32>
        %eq3A_685 = arith.constant 0 : i32
        %eq3A_686 = arith.cmpi eq, %squeeze3A_684, %eq3A_685 : i32
        %select_n3A_687 = arith.select %eq3A_686, %get3A_472, %get3A_477 : vector<16xf32>
        %add3A_688 = arith.constant 11 : i32
        %add3A_689 = arith.addi %mul3A_533, %add3A_688 : i32
        %swap3A_690 = arith.constant 4 : i32
        %swap3A_691 = arith.index_cast %swap3A_690 : i32 to index
        %swap3A_692 = arith.index_cast %add3A_689 : i32 to index
        %swap3A_693 = arith.constant 0 : index
        %swap3A_694 = tpu.vector_load %arg11[%swap3A_691, %swap3A_692, %swap3A_693] {strides = array<i32>} : memref<5x128x16xf32, #tpu.memory_space<vmem>>, vector<1x1x16xf32>,
        %swap3A_695 = vector.shape_cast %swap3A_694 : vector<1x1x16xf32> to vector<16xf32>
        %swap3A_696 = vector.shape_cast %select_n3A_687 : vector<16xf32> to vector<1x1x16xf32>
        tpu.vector_store %arg11[%swap3A_691, %swap3A_692, %swap3A_693], %swap3A_696 {strides = array<i32>} : memref<5x128x16xf32, #tpu.memory_space<vmem>>, vector<1x1x16xf32>,
        %slice3A_697 = vector.extract_strided_slice %get3A_531 {offsets = [12], sizes = [1], strides = [1]} : vector<16xi32> to vector<1xi32>
        %squeeze3A_698 = vector.extract %slice3A_697[0] : i32 from vector<1xi32>
        %eq3A_699 = arith.constant 0 : i32
        %eq3A_700 = arith.cmpi eq, %squeeze3A_698, %eq3A_699 : i32
        %select_n3A_701 = arith.select %eq3A_700, %get3A_472, %get3A_477 : vector<16xf32>
        %add3A_702 = arith.constant 12 : i32
        %add3A_703 = arith.addi %mul3A_533, %add3A_702 : i32
        %swap3A_704 = arith.constant 4 : i32
        %swap3A_705 = arith.index_cast %swap3A_704 : i32 to index
        %swap3A_706 = arith.index_cast %add3A_703 : i32 to index
        %swap3A_707 = arith.constant 0 : index
        %swap3A_708 = tpu.vector_load %arg11[%swap3A_705, %swap3A_706, %swap3A_707] {strides = array<i32>} : memref<5x128x16xf32, #tpu.memory_space<vmem>>, vector<1x1x16xf32>,
        %swap3A_709 = vector.shape_cast %swap3A_708 : vector<1x1x16xf32> to vector<16xf32>
        %swap3A_710 = vector.shape_cast %select_n3A_701 : vector<16xf32> to vector<1x1x16xf32>
        tpu.vector_store %arg11[%swap3A_705, %swap3A_706, %swap3A_707], %swap3A_710 {strides = array<i32>} : memref<5x128x16xf32, #tpu.memory_space<vmem>>, vector<1x1x16xf32>,
        %slice3A_711 = vector.extract_strided_slice %get3A_531 {offsets = [13], sizes = [1], strides = [1]} : vector<16xi32> to vector<1xi32>
        %squeeze3A_712 = vector.extract %slice3A_711[0] : i32 from vector<1xi32>
        %eq3A_713 = arith.constant 0 : i32
        %eq3A_714 = arith.cmpi eq, %squeeze3A_712, %eq3A_713 : i32
        %select_n3A_715 = arith.select %eq3A_714, %get3A_472, %get3A_477 : vector<16xf32>
        %add3A_716 = arith.constant 13 : i32
        %add3A_717 = arith.addi %mul3A_533, %add3A_716 : i32
        %swap3A_718 = arith.constant 4 : i32
        %swap3A_719 = arith.index_cast %swap3A_718 : i32 to index
        %swap3A_720 = arith.index_cast %add3A_717 : i32 to index
        %swap3A_721 = arith.constant 0 : index
        %swap3A_722 = tpu.vector_load %arg11[%swap3A_719, %swap3A_720, %swap3A_721] {strides = array<i32>} : memref<5x128x16xf32, #tpu.memory_space<vmem>>, vector<1x1x16xf32>,
        %swap3A_723 = vector.shape_cast %swap3A_722 : vector<1x1x16xf32> to vector<16xf32>
        %swap3A_724 = vector.shape_cast %select_n3A_715 : vector<16xf32> to vector<1x1x16xf32>
        tpu.vector_store %arg11[%swap3A_719, %swap3A_720, %swap3A_721], %swap3A_724 {strides = array<i32>} : memref<5x128x16xf32, #tpu.memory_space<vmem>>, vector<1x1x16xf32>,
        %slice3A_725 = vector.extract_strided_slice %get3A_531 {offsets = [14], sizes = [1], strides = [1]} : vector<16xi32> to vector<1xi32>
        %squeeze3A_726 = vector.extract %slice3A_725[0] : i32 from vector<1xi32>
        %eq3A_727 = arith.constant 0 : i32
        %eq3A_728 = arith.cmpi eq, %squeeze3A_726, %eq3A_727 : i32
        %select_n3A_729 = arith.select %eq3A_728, %get3A_472, %get3A_477 : vector<16xf32>
        %add3A_730 = arith.constant 14 : i32
        %add3A_731 = arith.addi %mul3A_533, %add3A_730 : i32
        %swap3A_732 = arith.constant 4 : i32
        %swap3A_733 = arith.index_cast %swap3A_732 : i32 to index
        %swap3A_734 = arith.index_cast %add3A_731 : i32 to index
        %swap3A_735 = arith.constant 0 : index
        %swap3A_736 = tpu.vector_load %arg11[%swap3A_733, %swap3A_734, %swap3A_735] {strides = array<i32>} : memref<5x128x16xf32, #tpu.memory_space<vmem>>, vector<1x1x16xf32>,
        %swap3A_737 = vector.shape_cast %swap3A_736 : vector<1x1x16xf32> to vector<16xf32>
        %swap3A_738 = vector.shape_cast %select_n3A_729 : vector<16xf32> to vector<1x1x16xf32>
        tpu.vector_store %arg11[%swap3A_733, %swap3A_734, %swap3A_735], %swap3A_738 {strides = array<i32>} : memref<5x128x16xf32, #tpu.memory_space<vmem>>, vector<1x1x16xf32>,
        %slice3A_739 = vector.extract_strided_slice %get3A_531 {offsets = [15], sizes = [1], strides = [1]} : vector<16xi32> to vector<1xi32>
        %squeeze3A_740 = vector.extract %slice3A_739[0] : i32 from vector<1xi32>
        %eq3A_741 = arith.constant 0 : i32
        %eq3A_742 = arith.cmpi eq, %squeeze3A_740, %eq3A_741 : i32
        %select_n3A_743 = arith.select %eq3A_742, %get3A_472, %get3A_477 : vector<16xf32>
        %add3A_744 = arith.constant 15 : i32
        %add3A_745 = arith.addi %mul3A_533, %add3A_744 : i32
        %swap3A_746 = arith.constant 4 : i32
        %swap3A_747 = arith.index_cast %swap3A_746 : i32 to index
        %swap3A_748 = arith.index_cast %add3A_745 : i32 to index
        %swap3A_749 = arith.constant 0 : index
        %swap3A_750 = tpu.vector_load %arg11[%swap3A_747, %swap3A_748, %swap3A_749] {strides = array<i32>} : memref<5x128x16xf32, #tpu.memory_space<vmem>>, vector<1x1x16xf32>,
        %swap3A_751 = vector.shape_cast %swap3A_750 : vector<1x1x16xf32> to vector<16xf32>
        %swap3A_752 = vector.shape_cast %select_n3A_743 : vector<16xf32> to vector<1x1x16xf32>
        tpu.vector_store %arg11[%swap3A_747, %swap3A_748, %swap3A_749], %swap3A_752 {strides = array<i32>} : memref<5x128x16xf32, #tpu.memory_space<vmem>>, vector<1x1x16xf32>,
      }
      %scan3A_483 = arith.constant 8 : i32
      %dma_wait3A_484 = arith.constant 0 : i32
      %dma_wait3A_485 = arith.constant 4 : i32
      %dma_wait3A_486 = arith.constant 0 : i32
      %dma_wait3A_487 = arith.constant 0 : i32
      %dma_wait3A_488 = tpu.memref_slice %arg10[%dma_wait3A_485, %dma_wait3A_486, %dma_wait3A_487] : memref<5x128x64xf32, #tpu.memory_space<vmem>> -> memref<1x128x64xf32, #tpu.memory_space<vmem>>
      %dma_wait3A_489 = tpu.memref_squeeze %dma_wait3A_488 : memref<1x128x64xf32, #tpu.memory_space<vmem>> -> memref<128x64xf32, #tpu.memory_space<vmem>>
      %dma_wait3A_490 = arith.constant 0 : i32
      %dma_wait3A_491 = tpu.memref_slice %arg7[%dma_wait3A_484, %dma_wait3A_490] : memref<50x128xi32, #tpu.memory_space<vmem>> -> memref<1x128xi32, #tpu.memory_space<vmem>>
      %dma_wait3A_492 = tpu.memref_squeeze %dma_wait3A_491 : memref<1x128xi32, #tpu.memory_space<vmem>> -> memref<128xi32, #tpu.memory_space<vmem>>
      %dma_wait3A_493 = arith.constant 0 : i32
      %dma_wait3A_494 = arith.constant 0 : i32
      %dma_wait3A_495 = tpu.memref_slice %arg4[%dma_wait3A_493, %dma_wait3A_494] : memref<1000000x64xf32, #tpu.memory_space<hbm>> -> memref<1000000x64xf32, #tpu.memory_space<hbm>>
      tpu.wait_indirect_dma semaphore(%arg16 : memref<!tpu.dma_semaphore, #tpu.memory_space<semaphore_mem>>) src(%dma_wait3A_495 : memref<1000000x64xf32, #tpu.memory_space<hbm>>) dst(%dma_wait3A_489 : memref<128x64xf32, #tpu.memory_space<vmem>>)
      %mul3A_496 = arith.constant 128 : i32
      %mul3A_497 = arith.muli %add3A_436, %mul3A_496 : i32
      %add3A_498 = arith.addi %mul3A_2, %mul3A_497 : i32
      %dma_start3A_499 = arith.constant 4 : i32
      %dma_start3A_500 = arith.constant 0 : i32
      %dma_start3A_501 = arith.constant 0 : i32
      %dma_start3A_502 = tpu.memref_slice %arg10[%dma_start3A_499, %dma_start3A_500, %dma_start3A_501] : memref<5x128x64xf32, #tpu.memory_space<vmem>> -> memref<1x128x64xf32, #tpu.memory_space<vmem>>
      %dma_start3A_503 = tpu.memref_squeeze %dma_start3A_502 : memref<1x128x64xf32, #tpu.memory_space<vmem>> -> memref<128x64xf32, #tpu.memory_space<vmem>>
      %dma_start3A_504 = arith.constant 0 : i32
      %dma_start3A_505 = tpu.memref_slice %arg6[%add3A_498, %dma_start3A_504] : memref<204800x80xf32, #tpu.memory_space<hbm>> -> memref<128x64xf32, #tpu.memory_space<hbm>>
      %dma_start3A_506 = arith.constant 0 : i32
      %dma_start3A_507 = tpu.memref_slice %arg6[%add3A_498, %dma_start3A_506] : memref<204800x80xf32, #tpu.memory_space<hbm>> -> memref<128x64xf32, #tpu.memory_space<hbm>>
      %dma_start3A_508 = arith.constant 0 : i32
      %dma_start3A_509 = arith.constant 0 : i32
      %dma_start3A_510 = tpu.memref_slice %arg10[%dma_start3A_499, %dma_start3A_508, %dma_start3A_509] : memref<5x128x64xf32, #tpu.memory_space<vmem>> -> memref<1x128x64xf32, #tpu.memory_space<vmem>>
      %dma_start3A_511 = tpu.memref_squeeze %dma_start3A_510 : memref<1x128x64xf32, #tpu.memory_space<vmem>> -> memref<128x64xf32, #tpu.memory_space<vmem>>
      tpu.enqueue_dma source(%dma_start3A_511 : memref<128x64xf32, #tpu.memory_space<vmem>>) target(%dma_start3A_507 : memref<128x64xf32, #tpu.memory_space<hbm>>) target_semaphore(%arg21 : memref<!tpu.dma_semaphore, #tpu.memory_space<semaphore_mem>>)
      %dma_start3A_512 = arith.constant 4 : i32
      %dma_start3A_513 = arith.constant 0 : i32
      %dma_start3A_514 = arith.constant 0 : i32
      %dma_start3A_515 = tpu.memref_slice %arg11[%dma_start3A_512, %dma_start3A_513, %dma_start3A_514] : memref<5x128x16xf32, #tpu.memory_space<vmem>> -> memref<1x128x16xf32, #tpu.memory_space<vmem>>
      %dma_start3A_516 = tpu.memref_squeeze %dma_start3A_515 : memref<1x128x16xf32, #tpu.memory_space<vmem>> -> memref<128x16xf32, #tpu.memory_space<vmem>>
      %dma_start3A_517 = arith.constant 64 : i32
      %dma_start3A_518 = tpu.memref_slice %arg6[%add3A_498, %dma_start3A_517] : memref<204800x80xf32, #tpu.memory_space<hbm>> -> memref<128x16xf32, #tpu.memory_space<hbm>>
      %dma_start3A_519 = arith.constant 64 : i32
      %dma_start3A_520 = tpu.memref_slice %arg6[%add3A_498, %dma_start3A_519] : memref<204800x80xf32, #tpu.memory_space<hbm>> -> memref<128x16xf32, #tpu.memory_space<hbm>>
      %dma_start3A_521 = arith.constant 0 : i32
      %dma_start3A_522 = arith.constant 0 : i32
      %dma_start3A_523 = tpu.memref_slice %arg11[%dma_start3A_512, %dma_start3A_521, %dma_start3A_522] : memref<5x128x16xf32, #tpu.memory_space<vmem>> -> memref<1x128x16xf32, #tpu.memory_space<vmem>>
      %dma_start3A_524 = tpu.memref_squeeze %dma_start3A_523 : memref<1x128x16xf32, #tpu.memory_space<vmem>> -> memref<128x16xf32, #tpu.memory_space<vmem>>
      tpu.enqueue_dma source(%dma_start3A_524 : memref<128x16xf32, #tpu.memory_space<vmem>>) target(%dma_start3A_520 : memref<128x16xf32, #tpu.memory_space<hbm>>) target_semaphore(%arg26 : memref<!tpu.dma_semaphore, #tpu.memory_space<semaphore_mem>>)
    }
    %scan3A_30 = arith.constant 10 : i32
    %dma_wait3A = arith.constant 2 : i32
    %dma_wait3A_31 = arith.constant 0 : i32
    %dma_wait3A_32 = arith.constant 0 : i32
    %dma_wait3A_33 = tpu.memref_slice %arg10[%dma_wait3A, %dma_wait3A_31, %dma_wait3A_32] : memref<5x128x64xf32, #tpu.memory_space<vmem>> -> memref<1x128x64xf32, #tpu.memory_space<vmem>>
    %dma_wait3A_34 = tpu.memref_squeeze %dma_wait3A_33 : memref<1x128x64xf32, #tpu.memory_space<vmem>> -> memref<128x64xf32, #tpu.memory_space<vmem>>
    %dma_wait3A_35 = arith.constant 0 : i32
    %dma_wait3A_36 = tpu.memref_slice %arg6[%mul3A_2, %dma_wait3A_35] : memref<204800x80xf32, #tpu.memory_space<hbm>> -> memref<128x64xf32, #tpu.memory_space<hbm>>
    %dma_wait3A_37 = arith.constant 0 : i32
    %dma_wait3A_38 = tpu.memref_slice %arg6[%mul3A_2, %dma_wait3A_37] : memref<204800x80xf32, #tpu.memory_space<hbm>> -> memref<128x64xf32, #tpu.memory_space<hbm>>
    %dma_wait3A_39 = arith.constant 0 : i32
    %dma_wait3A_40 = arith.constant 0 : i32
    %dma_wait3A_41 = tpu.memref_slice %arg10[%dma_wait3A, %dma_wait3A_39, %dma_wait3A_40] : memref<5x128x64xf32, #tpu.memory_space<vmem>> -> memref<1x128x64xf32, #tpu.memory_space<vmem>>
    %dma_wait3A_42 = tpu.memref_squeeze %dma_wait3A_41 : memref<1x128x64xf32, #tpu.memory_space<vmem>> -> memref<128x64xf32, #tpu.memory_space<vmem>>
    tpu.wait_dma2 semaphore(%arg19 : memref<!tpu.dma_semaphore, #tpu.memory_space<semaphore_mem>>) src(%dma_wait3A_42 : memref<128x64xf32, #tpu.memory_space<vmem>>) dst(%dma_wait3A_38 : memref<128x64xf32, #tpu.memory_space<hbm>>)
    %dma_wait3A_43 = arith.constant 2 : i32
    %dma_wait3A_44 = arith.constant 0 : i32
    %dma_wait3A_45 = arith.constant 0 : i32
    %dma_wait3A_46 = tpu.memref_slice %arg11[%dma_wait3A_43, %dma_wait3A_44, %dma_wait3A_45] : memref<5x128x16xf32, #tpu.memory_space<vmem>> -> memref<1x128x16xf32, #tpu.memory_space<vmem>>
    %dma_wait3A_47 = tpu.memref_squeeze %dma_wait3A_46 : memref<1x128x16xf32, #tpu.memory_space<vmem>> -> memref<128x16xf32, #tpu.memory_space<vmem>>
    %dma_wait3A_48 = arith.constant 64 : i32
    %dma_wait3A_49 = tpu.memref_slice %arg6[%mul3A_2, %dma_wait3A_48] : memref<204800x80xf32, #tpu.memory_space<hbm>> -> memref<128x16xf32, #tpu.memory_space<hbm>>
    %dma_wait3A_50 = arith.constant 64 : i32
    %dma_wait3A_51 = tpu.memref_slice %arg6[%mul3A_2, %dma_wait3A_50] : memref<204800x80xf32, #tpu.memory_space<hbm>> -> memref<128x16xf32, #tpu.memory_space<hbm>>
    %dma_wait3A_52 = arith.constant 0 : i32
    %dma_wait3A_53 = arith.constant 0 : i32
    %dma_wait3A_54 = tpu.memref_slice %arg11[%dma_wait3A_43, %dma_wait3A_52, %dma_wait3A_53] : memref<5x128x16xf32, #tpu.memory_space<vmem>> -> memref<1x128x16xf32, #tpu.memory_space<vmem>>
    %dma_wait3A_55 = tpu.memref_squeeze %dma_wait3A_54 : memref<1x128x16xf32, #tpu.memory_space<vmem>> -> memref<128x16xf32, #tpu.memory_space<vmem>>
    tpu.wait_dma2 semaphore(%arg24 : memref<!tpu.dma_semaphore, #tpu.memory_space<semaphore_mem>>) src(%dma_wait3A_55 : memref<128x16xf32, #tpu.memory_space<vmem>>) dst(%dma_wait3A_51 : memref<128x16xf32, #tpu.memory_space<hbm>>)
    %dma_wait3A_56 = arith.constant 3 : i32
    %dma_wait3A_57 = arith.constant 0 : i32
    %dma_wait3A_58 = arith.constant 0 : i32
    %dma_wait3A_59 = tpu.memref_slice %arg10[%dma_wait3A_56, %dma_wait3A_57, %dma_wait3A_58] : memref<5x128x64xf32, #tpu.memory_space<vmem>> -> memref<1x128x64xf32, #tpu.memory_space<vmem>>
    %dma_wait3A_60 = tpu.memref_squeeze %dma_wait3A_59 : memref<1x128x64xf32, #tpu.memory_space<vmem>> -> memref<128x64xf32, #tpu.memory_space<vmem>>
    %dma_wait3A_61 = arith.constant 0 : i32
    %dma_wait3A_62 = tpu.memref_slice %arg6[%mul3A_2, %dma_wait3A_61] : memref<204800x80xf32, #tpu.memory_space<hbm>> -> memref<128x64xf32, #tpu.memory_space<hbm>>
    %dma_wait3A_63 = arith.constant 0 : i32
    %dma_wait3A_64 = tpu.memref_slice %arg6[%mul3A_2, %dma_wait3A_63] : memref<204800x80xf32, #tpu.memory_space<hbm>> -> memref<128x64xf32, #tpu.memory_space<hbm>>
    %dma_wait3A_65 = arith.constant 0 : i32
    %dma_wait3A_66 = arith.constant 0 : i32
    %dma_wait3A_67 = tpu.memref_slice %arg10[%dma_wait3A_56, %dma_wait3A_65, %dma_wait3A_66] : memref<5x128x64xf32, #tpu.memory_space<vmem>> -> memref<1x128x64xf32, #tpu.memory_space<vmem>>
    %dma_wait3A_68 = tpu.memref_squeeze %dma_wait3A_67 : memref<1x128x64xf32, #tpu.memory_space<vmem>> -> memref<128x64xf32, #tpu.memory_space<vmem>>
    tpu.wait_dma2 semaphore(%arg20 : memref<!tpu.dma_semaphore, #tpu.memory_space<semaphore_mem>>) src(%dma_wait3A_68 : memref<128x64xf32, #tpu.memory_space<vmem>>) dst(%dma_wait3A_64 : memref<128x64xf32, #tpu.memory_space<hbm>>)
    %dma_wait3A_69 = arith.constant 3 : i32
    %dma_wait3A_70 = arith.constant 0 : i32
    %dma_wait3A_71 = arith.constant 0 : i32
    %dma_wait3A_72 = tpu.memref_slice %arg11[%dma_wait3A_69, %dma_wait3A_70, %dma_wait3A_71] : memref<5x128x16xf32, #tpu.memory_space<vmem>> -> memref<1x128x16xf32, #tpu.memory_space<vmem>>
    %dma_wait3A_73 = tpu.memref_squeeze %dma_wait3A_72 : memref<1x128x16xf32, #tpu.memory_space<vmem>> -> memref<128x16xf32, #tpu.memory_space<vmem>>
    %dma_wait3A_74 = arith.constant 64 : i32
    %dma_wait3A_75 = tpu.memref_slice %arg6[%mul3A_2, %dma_wait3A_74] : memref<204800x80xf32, #tpu.memory_space<hbm>> -> memref<128x16xf32, #tpu.memory_space<hbm>>
    %dma_wait3A_76 = arith.constant 64 : i32
    %dma_wait3A_77 = tpu.memref_slice %arg6[%mul3A_2, %dma_wait3A_76] : memref<204800x80xf32, #tpu.memory_space<hbm>> -> memref<128x16xf32, #tpu.memory_space<hbm>>
    %dma_wait3A_78 = arith.constant 0 : i32
    %dma_wait3A_79 = arith.constant 0 : i32
    %dma_wait3A_80 = tpu.memref_slice %arg11[%dma_wait3A_69, %dma_wait3A_78, %dma_wait3A_79] : memref<5x128x16xf32, #tpu.memory_space<vmem>> -> memref<1x128x16xf32, #tpu.memory_space<vmem>>
    %dma_wait3A_81 = tpu.memref_squeeze %dma_wait3A_80 : memref<1x128x16xf32, #tpu.memory_space<vmem>> -> memref<128x16xf32, #tpu.memory_space<vmem>>
    tpu.wait_dma2 semaphore(%arg25 : memref<!tpu.dma_semaphore, #tpu.memory_space<semaphore_mem>>) src(%dma_wait3A_81 : memref<128x16xf32, #tpu.memory_space<vmem>>) dst(%dma_wait3A_77 : memref<128x16xf32, #tpu.memory_space<hbm>>)
    %dma_wait3A_82 = arith.constant 4 : i32
    %dma_wait3A_83 = arith.constant 0 : i32
    %dma_wait3A_84 = arith.constant 0 : i32
    %dma_wait3A_85 = tpu.memref_slice %arg10[%dma_wait3A_82, %dma_wait3A_83, %dma_wait3A_84] : memref<5x128x64xf32, #tpu.memory_space<vmem>> -> memref<1x128x64xf32, #tpu.memory_space<vmem>>
    %dma_wait3A_86 = tpu.memref_squeeze %dma_wait3A_85 : memref<1x128x64xf32, #tpu.memory_space<vmem>> -> memref<128x64xf32, #tpu.memory_space<vmem>>
    %dma_wait3A_87 = arith.constant 0 : i32
    %dma_wait3A_88 = tpu.memref_slice %arg6[%mul3A_2, %dma_wait3A_87] : memref<204800x80xf32, #tpu.memory_space<hbm>> -> memref<128x64xf32, #tpu.memory_space<hbm>>
    %dma_wait3A_89 = arith.constant 0 : i32
    %dma_wait3A_90 = tpu.memref_slice %arg6[%mul3A_2, %dma_wait3A_89] : memref<204800x80xf32, #tpu.memory_space<hbm>> -> memref<128x64xf32, #tpu.memory_space<hbm>>
    %dma_wait3A_91 = arith.constant 0 : i32
    %dma_wait3A_92 = arith.constant 0 : i32
    %dma_wait3A_93 = tpu.memref_slice %arg10[%dma_wait3A_82, %dma_wait3A_91, %dma_wait3A_92] : memref<5x128x64xf32, #tpu.memory_space<vmem>> -> memref<1x128x64xf32, #tpu.memory_space<vmem>>
    %dma_wait3A_94 = tpu.memref_squeeze %dma_wait3A_93 : memref<1x128x64xf32, #tpu.memory_space<vmem>> -> memref<128x64xf32, #tpu.memory_space<vmem>>
    tpu.wait_dma2 semaphore(%arg21 : memref<!tpu.dma_semaphore, #tpu.memory_space<semaphore_mem>>) src(%dma_wait3A_94 : memref<128x64xf32, #tpu.memory_space<vmem>>) dst(%dma_wait3A_90 : memref<128x64xf32, #tpu.memory_space<hbm>>)
    %dma_wait3A_95 = arith.constant 4 : i32
    %dma_wait3A_96 = arith.constant 0 : i32
    %dma_wait3A_97 = arith.constant 0 : i32
    %dma_wait3A_98 = tpu.memref_slice %arg11[%dma_wait3A_95, %dma_wait3A_96, %dma_wait3A_97] : memref<5x128x16xf32, #tpu.memory_space<vmem>> -> memref<1x128x16xf32, #tpu.memory_space<vmem>>
    %dma_wait3A_99 = tpu.memref_squeeze %dma_wait3A_98 : memref<1x128x16xf32, #tpu.memory_space<vmem>> -> memref<128x16xf32, #tpu.memory_space<vmem>>
    %dma_wait3A_100 = arith.constant 64 : i32
    %dma_wait3A_101 = tpu.memref_slice %arg6[%mul3A_2, %dma_wait3A_100] : memref<204800x80xf32, #tpu.memory_space<hbm>> -> memref<128x16xf32, #tpu.memory_space<hbm>>
    %dma_wait3A_102 = arith.constant 64 : i32
    %dma_wait3A_103 = tpu.memref_slice %arg6[%mul3A_2, %dma_wait3A_102] : memref<204800x80xf32, #tpu.memory_space<hbm>> -> memref<128x16xf32, #tpu.memory_space<hbm>>
    %dma_wait3A_104 = arith.constant 0 : i32
    %dma_wait3A_105 = arith.constant 0 : i32
    %dma_wait3A_106 = tpu.memref_slice %arg11[%dma_wait3A_95, %dma_wait3A_104, %dma_wait3A_105] : memref<5x128x16xf32, #tpu.memory_space<vmem>> -> memref<1x128x16xf32, #tpu.memory_space<vmem>>
    %dma_wait3A_107 = tpu.memref_squeeze %dma_wait3A_106 : memref<1x128x16xf32, #tpu.memory_space<vmem>> -> memref<128x16xf32, #tpu.memory_space<vmem>>
    tpu.wait_dma2 semaphore(%arg26 : memref<!tpu.dma_semaphore, #tpu.memory_space<semaphore_mem>>) src(%dma_wait3A_107 : memref<128x16xf32, #tpu.memory_space<vmem>>) dst(%dma_wait3A_103 : memref<128x16xf32, #tpu.memory_space<hbm>>)
    return
  }
}

</mosaic_0001>

<sc_bundles>
// kernel: kernel.3.cloned.1.call-start
scs
__scs_entry_jumppad:
0x0: {  	(pc) =	sbr.rel $0x88, $3  }
0x1: {  	(tag) =	ssettag $0x0;
	lr =	simm.s32 $0x1  }
0x2: {  	[smem:$0x3F9D] =	sst lr;
	_ =	strace $0xD0000000  }
0x3: {  	_ = 	snop  }
0x4: {  	_ = 	snop  }
0x5: {  	_ = 	snop  }
0x6: {  	_ = 	snop  }
0x7: {  	_ = 	snop  }
__scs_overlays_trampoline_lowered:
0x8: {  	[smem:$0x3FAC] =	sst s0  }
0x9: {  	[smem:$0x3FAD] =	sst s1  }
0xa: {  	[smem:$0x3FAE] =	sst s2  }
0xb: {  	[smem:$0x3FAF] =	sst s3  }
0xc: {  	[smem:$0x3FB0] =	sst s4  }
0xd: {  	[smem:$0x3FB1] =	sst s5  }
0xe: {  	[smem:$0x3FB2] =	sst s6  }
0xf: {  	[smem:$0x3FB3] =	sst s7  }
0x10: {  	[smem:$0x3FB4] =	sst s8  }
0x11: {  	[smem:$0x3FB5] =	sst s9;
	s0 =	simm.s32 @!p0 $0x0  }
0x12: {  	s1 =	sld [smem:$0x3F9B];
	s0 =	simm.s32 @p0 $0x1  }
0x13: {  	[smem:$0x3FB6] =	sst s0;
	s0 =	simm.s32 @!p1 $0x0  }
0x14: {  	s2 =	sld [smem:$0x3F9A];
	s0 =	simm.s32 @p1 $0x1  }
0x15: {  	[smem:$0x3FB7] =	sst s0;
	s0 =	simm.s32 @!p2 $0x0  }
0x16: {  	s3 =	sld [smem:$0x3FDB];
	s0 =	simm.s32 @p2 $0x1  }
0x17: {  	s4 =	simm.s32 $0x1BF5;
	[smem:$0x3FB9] =	sst s0  }
0x18: {  	s0 =	sld [smem:$0x3F9C];
	_ =	swait.ge [sflag:s4], $0x0  }
0x19: {  	s7 =	sld [smem:$0x3F9D]  }
0x1a: {  	s8 =	sadd.s32 $0xFFFFE003, lr  }
0x1b: {  	s9 =	sadd.s32 $0xFFFFFEF7, lr;
	s5 =	simm.s32 $0xFFFFFFFF;
	p2 =	slt.u32 s8, $0xFFFFF086  }
0x1c: {  	p1 =	slt.u32 s9, $0xF7A;
	s5 =	simm.s32 @!p2 $0x0  }
0x1d: {  	s5 =	simm.s32 @p1 $0x1;
	p0 =	seq.s32 s7, s2  }
0x1e: {  	s7 =	smul.u32 @!p0 $0xF7A, s2;
	p2 =	seq.s32 @!p0 s5, $0x0  }
0x1f: {  	s9 =	smul.u32 $0xF7A, s1;
	s8 =	simm.s32 @!p0 $0x1BF5;
	p2 =	por !p2, p0  }
0x20: {  	[sflag:s8] =	ssyncset.s32 @!p0 $0xFFFFF086;
	s6 =	sadd.s32 @!p0 s3, s7;
	s7 =	simm.s32 @!p0 $0x108  }
0x21: {  	s3 =	sadd.s32 s3, s9;
	s6 =	sadd.s32 @!p0 $0x88, s6;
	s7 =	simm.s32 @p2 $0x1082  }
0x22: {  	[simem:s7], [sflag:s8] =	dma.local @!p0 [hbm:s6], $0xF7A  }
0x23: {  	s9 =	sor.u32 $0xD0000000, s2;
	s6 =	simm.s32 $0x108;
	_ =	swait.ge @!p0 [sflag:s8], $0x0  }
0x24: {  	s3 =	sadd.s32 $0x88, s3;
	s6 =	simm.s32 @!p1 $0x1082;
	[sflag:s4] =	ssyncset.s32 $0xFFFFF086  }
0x25: {  	[simem:s6], [sflag:s4] =	dma.local [hbm:s3], $0xF7A  }
0x26: {  	[smem:$0x3F9D] =	sst s1;
	(tag) =	ssettag s2;
	_ =	strace s9  }
0x27: {  	s1 =	sld [smem:$0x3FAD]  }
0x28: {  	s2 =	sld [smem:$0x3FAE]  }
0x29: {  	s4 =	sld [smem:$0x3FB0]  }
0x2a: {  	p0 =	seq.s32 s5, $0x0;
	s5 =	sld [smem:$0x3FB1]  }
0x2b: {  	s6 =	sld [smem:$0x3FB2]  }
0x2c: {  	s7 =	sld [smem:$0x3FB3]  }
0x2d: {  	s3 =	simm.s32 $0x108;
	s8 =	sld [smem:$0x3FB4]  }
0x2e: {  	s3 =	simm.s32 @!p0 $0x1082;
	s9 =	sld [smem:$0x3FB5]  }
0x2f: {  	lr =	sadd.s32 s0, s3;
	s0 =	sld [smem:$0x3FAC]  }
0x30: {  	s3 =	sld [smem:$0x3FAF]  }
0x31: {  	[smem:$0x3FB8] =	sst s10  }
0x32: {  	s10 =	sld [smem:$0x3FB6];
	_ =	sdelay $0x3  }
0x33: {  	p0 =	seq.s32 s10, $0x1;
	s10 =	sld [smem:$0x3FB8];
	_ =	sdelay $0x3  }
0x34: {  	[smem:$0x3FB8] =	sst s10  }
0x35: {  	s10 =	sld [smem:$0x3FB7];
	_ =	sdelay $0x3  }
0x36: {  	p1 =	seq.s32 s10, $0x1;
	s10 =	sld [smem:$0x3FB8];
	_ =	sdelay $0x3  }
0x37: {  	[smem:$0x3FB8] =	sst s10  }
0x38: {  	s10 =	sld [smem:$0x3FB9]  }
0x39: {  	_ = 	snop;
	(pc) =	sbr.ind lr, $3  }
0x3a: {  	_ = 	snop  }
0x3b: {  	_ = 	snop  }
0x3c: {  	p2 =	seq.s32 s10, $0x1;
	s10 =	sld [smem:$0x3FB8]  }
0x3d: {  	_ =	shalt  }
0x3e: {  	_ =	shalt  }
0x3f: {  	_ =	shalt  }
0x40: {  	_ =	shalt  }
0x41: {  	_ =	shalt  }
0x42: {  	_ =	shalt  }
0x43: {  	_ =	shalt  }
0x44: {  	_ =	shalt  }
0x45: {  	_ =	shalt  }
0x46: {  	_ =	shalt  }
0x47: {  	_ =	shalt  }
0x48: {  	_ =	shalt  }
0x49: {  	_ =	shalt  }
0x4a: {  	_ =	shalt  }
0x4b: {  	_ =	shalt  }
0x4c: {  	_ =	shalt  }
0x4d: {  	_ =	shalt  }
0x4e: {  	_ =	shalt  }
0x4f: {  	_ =	shalt  }
0x50: {  	_ =	shalt  }
0x51: {  	_ =	shalt  }
0x52: {  	_ =	shalt  }
0x53: {  	_ =	shalt  }
0x54: {  	_ =	shalt  }
0x55: {  	_ =	shalt  }
0x56: {  	_ =	shalt  }
0x57: {  	_ =	shalt  }
0x58: {  	_ =	shalt  }
0x59: {  	_ =	shalt  }
0x5a: {  	_ =	shalt  }
0x5b: {  	_ =	shalt  }
0x5c: {  	_ =	shalt  }
0x5d: {  	_ =	shalt  }
0x5e: {  	_ =	shalt  }
0x5f: {  	_ =	shalt  }
0x60: {  	_ =	shalt  }
0x61: {  	_ =	shalt  }
0x62: {  	_ =	shalt  }
0x63: {  	_ =	shalt  }
0x64: {  	_ =	shalt  }
0x65: {  	_ =	shalt  }
0x66: {  	_ =	shalt  }
0x67: {  	_ =	shalt  }
0x68: {  	_ =	shalt  }
0x69: {  	_ =	shalt  }
0x6a: {  	_ =	shalt  }
0x6b: {  	_ =	shalt  }
0x6c: {  	_ =	shalt  }
0x6d: {  	_ =	shalt  }
0x6e: {  	_ =	shalt  }
0x6f: {  	_ =	shalt  }
0x70: {  	_ =	shalt  }
0x71: {  	_ =	shalt  }
0x72: {  	_ =	shalt  }
0x73: {  	_ =	shalt  }
0x74: {  	_ =	shalt  }
0x75: {  	_ =	shalt  }
0x76: {  	_ =	shalt  }
0x77: {  	_ =	shalt  }
0x78: {  	_ =	shalt  }
0x79: {  	_ =	shalt  }
0x7a: {  	_ =	shalt  }
0x7b: {  	_ =	shalt  }
0x7c: {  	_ =	shalt  }
0x7d: {  	_ =	shalt  }
0x7e: {  	_ =	shalt  }
0x7f: {  	_ =	shalt  }
0x80: {  	_ =	shalt  }
0x81: {  	_ =	shalt  }
0x82: {  	_ =	shalt  }
0x83: {  	_ =	shalt  }
0x84: {  	_ =	shalt  }
0x85: {  	_ =	shalt  }
0x86: {  	_ =	shalt  }
0x87: {  	_ =	shalt  }
.Lfunc_end0:
.L_simem_size_0:
called_computation.1_lowered:
.L_overlay_start_0:
0x88: {  	s2 =	sld [smem:$0x3FD9]  }
0x89: {  	s3 =	sld [smem:$0x3FFE];
	_ =	sdelay $0x1  }
0x8a: {  	s1 =	srdreg.scid  }
0x8b: {  	s0 =	sand.u32 $0x1, s1  }
0x8c: {  	s17 =	sshll.u32 s0, $0xA;
	s2 =	sadd.s32 s3, s2  }
0x8d: {  	s2 =	sadd.s32 s2, s17  }
0x8e: {  	[smem:$0x3FC4] =	sst s2  }
0x8f: {  	_ = 	snop  }
0x90: {  	s2 =	sld [smem:$0x3FD0];
	(tm) =	ssettm $0x1  }
0x91: {  	s18 =	sld [smem:$0x3FFB];
	_ =	sdelay $0x3  }
0x92: {  	_ =	strace s18  }
0x93: {  	s3 =	sld [smem:$0x3FFC];
	_ =	sdelay $0x3  }
0x94: {  	_ =	strace s3  }
0x95: {  	s3 =	sld [smem:$0x3FFD];
	_ =	sdelay $0x3  }
0x96: {  	_ =	strace s3  }
0x97: {  	_ =	strace $0x8FFFFFFF  }
0x98: {  	s19 =	sld [smem:$0x3FDB];
	_ =	sdelay $0x1  }
0x99: {  	s4 =	simm.s32 $_scs_section_size  }
0x9a: {  	s5 =	simm.s32 $_size__tile_overlayer_lowered;
	s6 =	simm.s32 $_tile_overlayer_lowered  }
0x9b: {  	s22 =	simm.s32 $0x1BFF;
	s21 =	sshll.u32 s6, $0x1;
	s3 =	sadd.s32 s4, s19  }
0x9c: {  	s7 =	simm.s32 $0x0;
	s20 =	sshll.u32 s5, $0x1;
	s5 =	sadd.s32 s21, s3  }
0x9d: {  	[timem:s7], [sflag:s22] =	dma.local [hbm:s5], s20  }
0x9e: {  	_ =	swait.ge [sflag:s22], s20  }
0x9f: {  	s4 =	ssub.s32 $0x0, s20;
	[sflag:s22] =	ssyncset.done $0x0  }
0xa0: {  	[sflag:s22] =	ssyncadd.s32 s4;
	_ =	sdelay $0x1  }
0xa1: {  	s23 =	simm.s32 $0x1B8B  }
0xa2: {  	_ =	swait.ge [sflag:s23], $0x1  }
0xa3: {  	[sflag:s23] =	ssyncset.done $0x0  }
0xa4: {  	s25 =	simm.s32 $0x1B8E;
	s24 =	sld [smem:$0x3FFE];
	[sflag:s23] =	ssyncadd.s32 $0xFFFFFFFF  }
0xa5: {  	s26 =	simm.s32 $execute0_lowered;
	[smem:$0x3FD2] =	sst s25  }
0xa6: {  	s5 =	sshll.u32 s26, $0x1;
	_ =	strace $0x80000046;
	[dreg:$0x1] =	wrdreg $0xFFFFFFFF  }
0xa7: {  	s28 =	simm.s32 $_size_execute0_lowered;
	s3 =	sadd.s32 s3, s5;
	[dreg:$0x0] =	wrdreg $0x0  }
0xa8: {  	s5 =	sshll.u32 s28, $0x1;
	[dreg:$0x2] =	wrdreg s3  }
0xa9: {  	[dreg:$0x3] =	wrdreg s5  }
0xaa: {  	[dreg:$0x4] =	wrdreg $0xC0  }
0xab: {  	_ =	task [dreg:s7], $0x5FFFF  }
0xac: {  	[dreg:$0x1] =	wrdreg $0xFFFFFFFF  }
0xad: {  	[dreg:$0x0] =	wrdreg $0x60  }
0xae: {  	[dreg:$0x2] =	wrdreg s24  }
0xaf: {  	[dreg:$0x3] =	wrdreg s2  }
0xb0: {  	[dreg:$0x4] =	wrdreg $0x9  }
0xb1: {  	_ =	task.clear_ibuf [dreg:s7], $0x5FFFF;
	_ =	strace $0x90000046  }
0xb2: {  	s29 =	simm.s32 $0x9;
	_ =	strace $0x80000048  }
0xb3: {  	_ =	swait.ge [sflag:s29], $0x1  }
0xb4: {  	[sflag:s29] =	ssyncadd.s32 $0xFFFFFFFF  }
0xb5: {  	_ =	strace $0x90000048  }
0xb6: {  	_ =	sfence  }
0xb7: {  	s30 =	sld [smem:$0x0];
	_ =	sdelay $0x2  }
0xb8: {  	s31 =	sshll.u32 s1, $0xD;
	s1 =	sshrl.u32 s1, $0x2  }
0xb9: {  	s3 =	sand.u32 $0x4000, s31;
	s1 =	sadd.s32 s1, s30  }
0xba: {  	s0 =	sor.u32 s3, s0;
	s1 =	sshll.u32 s1, $0x11  }
0xbb: {  	s0 =	sor.u32 s1, s0  }
0xbc: {  	s0 =	sadd.s32 $0x8F2B, s0  }
0xbd: {  	[sflag:s0] =	ssyncadd.remote.s32 $0x1  }
0xbe: {  	_ =	sfence.sel $0xFFFF  }
0xbf: {  	[dreg:$0x0] =	wrdreg $0xFFFFFFFF;
	(pc) =	sbr.abs _section_cstart, $3  }
0xc0: {  	[dreg:$0x1] =	wrdreg $0xFFFFFFFF  }
0xc1: {  	_ =	task.clear_ibuf [dreg:s7], $0x2FFFF;
	_ =	strace $0x9FFFFFFF  }
0xc2: {  	(tm) =	ssettm $0x7FFFFFFF  }
0xc3: {  	_ =	shalt  }
tec
execute0_lowered:
.L_overlay_start_1:
0x0: {  	(tag) =	ssettag $0x1  }
0x1: {  	s0 =	srdreg.scid;
	s4 =	rddreg [dreg:$0x0]  }
0x2: {  	s1 =	stileid.u32;
	s2 =	rddreg [dreg:$0x1];
	s24 =	simm.s32 $0x0  }
0x3: {  	s11 =	simm.s32 $0x10;
	s13 =	simm.s32 $0x80;
	s17 =	simm.s32 $0x1  }
0x4: {  	s18 =	simm.s32 $0x40;
	s19 =	simm.s32 $0x50;
	s22 =	simm.s32 $0x2  }
0x5: {  	s28 =	simm.s32 $0x6;
	s29 =	simm.s32 $0xB;
	s30 =	simm.s32 $0x4  }
0x6: {  	s12 =	simm.s32 $0x5;
	s0 =	sand.u32 $0x1, s0;
	s1 =	sshll.u32 s1, $0x1  }
0x7: {  	s7 =	simm.s32 $0x0;
	s1 =	sor.u32 s0, s1;
	s0 =	ssub.s32 $0x2, s0  }
0x8: {  	[smem:$0x7FF] =	sst s24;
	s3 =	smul.u32 $0x1900, s1;
	s26 =	sshrl.u32 s0, $0x1  }
0x9: {  	s5 =	sadd.s32 $0xF43200, s4;
	s9 =	sadd.s32 $0x8, s2;
	s0 =	ssub.s32 s0, s26  }
0xa: {  	_ =	strace $0x80000047;
	s25 =	sshrl.u32 s3, $0x3;
	s0 =	smax.u32 s0, $0x1  }
0xb: {  	s1 =	sadd.s32 s25, s4;
	s4 =	sadd.s32 $0xD600, s4;
	[dreg:$0x6] =	wrdreg s0  }
0xc: {  	s24 =	simm.s32 $0x7220;
	[dreg:$0x3] =	wrdreg s4;
	s31 =	sadd.s32 $0x7200, s1  }
0xd: {  	s25 =	simm.s32 $0x3;
	s1 =	sadd.s32 $0xE00, s1;
	[dreg:$0x4] =	wrdreg s31  }
0xe: {  	s0 =	simm.s32 $0xC;
	[dreg:$0x5] =	wrdreg s1;
	s1 =	simm.s32 $0x7  }
.LBB2_1:
0xf: {  	[dreg:$0x7] =	wrdreg s7  }
0x10: {  	s4 =	simm.s32 $0x0;
	s6 =	rddreg [dreg:$0x4]  }
0x11: {  	[tilespmem:s4], [sflag:$0x10] =	stream.linear.gather [hbm4b:s6+s4], $0x1900, $0x38;
	[tilespmem:$0xFA20] =	vst v63  }
0x12: {  	_ =	swait.ge [sflag:s11], $0x1900  }
0x13: {  	[sflag:s11] =	ssyncset.done $0x0  }
0x14: {  	s8 =	simm.s32 $0x1900;
	s20 =	rddreg [dreg:$0x5];
	[sflag:s11] =	ssyncadd.s32 $0xFFFFE700  }
0x15: {  	[tilespmem:s8], [sflag:$0x10] =	stream.linear.gather [hbm4b:s20+s4], $0x1900, $0x38;
	[tilespmem:$0xFA20] =	vst v63  }
0x16: {  	_ =	swait.ge [sflag:s11], $0x1900  }
0x17: {  	[sflag:s11] =	ssyncset.done $0x0  }
0x18: {  	s23 =	simm.s32 $0x3200;
	s21 =	rddreg [dreg:$0x3];
	[sflag:s11] =	ssyncadd.s32 $0xFFFFE700  }
0x19: {  	[tilespmem:s23], [sflag:$0x10] =	stream.linear.gather [hbm4b:s21+s4], $0x20, $0x38;
	[tilespmem:$0xFA20] =	vst v63  }
0x1a: {  	_ =	swait.ge [sflag:s11], $0x20  }
0x1b: {  	s26 =	simm.s32 $0x3220;
	s31 =	simm.s32 $0x5220;
	[sflag:s11] =	ssyncset.done $0x0  }
0x1c: {  	s10 =	simm.s32 $0x1980;
	s7 =	simm.s32 $0x1A80;
	[sflag:s11] =	ssyncadd.s32 $0xFFFFFFE0  }
0x1d: {  	[tilespmem:s26], [sflag:$0x1] =	stream.indirect.gather [hbm4b:s5+s13], $0x40, s4, s13, $0xb8;
	[tilespmem:$0xFA20] =	vst v63  }
0x1e: {  	s20 =	simm.s32 $0x1B00;
	s23 =	simm.s32 $0x0;
	s4 =	simm.s32 $0x1A00  }
0x1f: {  	[tilespmem:s31], [sflag:$0x2] =	stream.indirect.gather [hbm4b:s5+s13], $0x40, s13, s13, $0xb8;
	[tilespmem:$0xFA20] =	vst v63  }
.LBB2_2:
0x20: {  	p0 =	seq.s32 s23, $0x0  }
0x21: {  	s6 =	simm.s32 @!p0 $0x8  }
0x22: {  	_ =	swait.ge @!p0 [sflag:s6], $0x2000  }
0x23: {  	[sflag:s6] =	ssyncset.done @!p0 $0x0  }
0x24: {  	s14 =	simm.s32 @!p0 $0xD;
	[sflag:s6] =	ssyncadd.s32 @!p0 $0xFFFFE000  }
0x25: {  	v2 =	vmov s8;
	s6 =	smul.u32 $0x280, s23;
	_ =	swait.ge @!p0 [sflag:s14], $0x800  }
0x26: {  	[sflag:s14] =	ssyncset.done @!p0 $0x0  }
0x27: {  	s26 =	sadd.s32 $0x100, s6;
	[sflag:s14] =	ssyncadd.s32 @!p0 $0xFFFFF800  }
0x28: {  	[tilespmem:s24], [sflag:$0x3] =	stream.indirect.gather [hbm4b:s5+s13], $0x40, s26, s13, $0xb8;
	[tilespmem:$0xFA20] =	vst v63  }
0x29: {  	s24 =	simm.s32 $0x0  }
0x2a: {  	v3 =	vld.idx.msk [tilespmem:v2+s24+$0x0 ss:$0x1], $0xffff;
	_ =	sdelay $0x4  }
0x2b: {  	(v2sf) =	vpush v3, $0x0  }
0x2c: {  	(v2sf) =	vpush v3, $0x1  }
0x2d: {  	(v2sf) =	vpush v3, $0x2  }
0x2e: {  	(v2sf) =	vpush v3, $0x3  }
0x2f: {  	(v2sf) =	vpush v3, $0x4  }
0x30: {  	(v2sf) =	vpush v3, $0x5  }
0x31: {  	(v2sf) =	vpush v3, $0x6  }
0x32: {  	(v2sf) =	vpush v3, $0x7  }
0x33: {  	(v2sf) =	vpush v3, $0x8  }
0x34: {  	(v2sf) =	vpush v3, $0x9  }
0x35: {  	(v2sf) =	vpush v3, $0xA  }
0x36: {  	v0 =	vld [tilespmem:$0x3200];
	(v2sf) =	vpush v3, $0xB  }
0x37: {  	v1 =	vld [tilespmem:$0x3210];
	(v2sf) =	vpush v3, $0xC  }
0x38: {  	(v2sf) =	vpush v3, $0xD  }
0x39: {  	(v2sf) =	vpush v3, $0xE  }
0x3a: {  	s15 =	spop (v2sf);
	(v2sf) =	vpush v3, $0xF  }
0x3b: {  	p1 =	seq.s32 s15, $0x0;
	s16 =	spop (v2sf)  }
0x3c: {  	s31 =	simm.s32 $0xD2A0;
	v3 =	vpsel p1, v0, v1;
	p2 =	seq.s32 s16, $0x0;
	s21 =	spop (v2sf)  }
0x3d: {  	[tilespmem:s31+$0xFFFFFF80] =	vst v3;
	v3 =	vpsel p2, v0, v1;
	p3 =	seq.s32 s21, $0x0;
	s24 =	spop (v2sf)  }
0x3e: {  	[tilespmem:s31+$0xFFFFFF90] =	vst v3;
	v3 =	vpsel p3, v0, v1;
	p4 =	seq.s32 s24, $0x0;
	s15 =	spop (v2sf)  }
0x3f: {  	[tilespmem:s31+$0xFFFFFFA0] =	vst v3;
	v3 =	vpsel p4, v0, v1;
	p5 =	seq.s32 s15, $0x0;
	s16 =	spop (v2sf)  }
0x40: {  	[tilespmem:s31+$0xFFFFFFB0] =	vst v3;
	v3 =	vpsel p5, v0, v1;
	p6 =	seq.s32 s16, $0x0;
	s21 =	spop (v2sf)  }
0x41: {  	[tilespmem:s31+$0xFFFFFFC0] =	vst v3;
	v3 =	vpsel p6, v0, v1;
	p2 =	seq.s32 s21, $0x0;
	s24 =	spop (v2sf)  }
0x42: {  	[tilespmem:s31+$0xFFFFFFD0] =	vst v3;
	v3 =	vpsel p2, v0, v1;
	p3 =	seq.s32 s24, $0x0;
	s15 =	spop (v2sf)  }
0x43: {  	[tilespmem:s31+$0xFFFFFFE0] =	vst v3;
	v3 =	vpsel p3, v0, v1;
	p4 =	seq.s32 s15, $0x0;
	s16 =	spop (v2sf)  }
0x44: {  	[tilespmem:s31+$0xFFFFFFF0] =	vst v3;
	v3 =	vpsel p4, v0, v1;
	p5 =	seq.s32 s16, $0x0;
	s21 =	spop (v2sf)  }
0x45: {  	[tilespmem:s31+$0x0] =	vst v3;
	v3 =	vpsel p5, v0, v1;
	p6 =	seq.s32 s21, $0x0;
	s24 =	spop (v2sf)  }
0x46: {  	[tilespmem:s31+$0x10] =	vst v3;
	v3 =	vpsel p6, v0, v1;
	p2 =	seq.s32 s24, $0x0;
	s15 =	spop (v2sf)  }
0x47: {  	[tilespmem:s31+$0x20] =	vst v3;
	v3 =	vpsel p2, v0, v1;
	p3 =	seq.s32 s15, $0x0;
	s16 =	spop (v2sf)  }
0x48: {  	[tilespmem:s31+$0x30] =	vst v3;
	v3 =	vpsel p3, v0, v1;
	p4 =	seq.s32 s16, $0x0;
	s21 =	spop (v2sf)  }
0x49: {  	[tilespmem:s31+$0x40] =	vst v3;
	v3 =	vpsel p4, v0, v1;
	p5 =	seq.s32 s21, $0x0;
	s24 =	spop (v2sf)  }
0x4a: {  	[tilespmem:s31+$0x50] =	vst v3;
	v3 =	vpsel p5, v0, v1;
	p6 =	seq.s32 s24, $0x0  }
0x4b: {  	s14 =	smul.u32 $0xA00, s23;
	[tilespmem:s31+$0x60] =	vst v3;
	v3 =	vpsel p6, v0, v1  }
0x4c: {  	s15 =	smul.u32 $0x5, s23;
	s16 =	simm.s32 $0x80;
	s21 =	simm.s32 $0x10;
	[tilespmem:s31+$0x70] =	vst v3  }
.LBB2_3:
0x4d: {  	p1 =	sne.s32 s16, $0x1C0;
	v3 =	vld.idx.msk [tilespmem:v2+s21+$0x0 ss:$0x1], $0xffff;
	_ =	sdelay $0x5  }
0x4e: {  	(v2sf) =	vpush v3, $0x0  }
0x4f: {  	(v2sf) =	vpush v3, $0x1  }
0x50: {  	(v2sf) =	vpush v3, $0x2  }
0x51: {  	(v2sf) =	vpush v3, $0x3  }
0x52: {  	(v2sf) =	vpush v3, $0x4  }
0x53: {  	(v2sf) =	vpush v3, $0x5  }
0x54: {  	(v2sf) =	vpush v3, $0x6  }
0x55: {  	(v2sf) =	vpush v3, $0x7  }
0x56: {  	(v2sf) =	vpush v3, $0x8  }
0x57: {  	(v2sf) =	vpush v3, $0x9  }
0x58: {  	(v2sf) =	vpush v3, $0xA  }
0x59: {  	(v2sf) =	vpush v3, $0xB  }
0x5a: {  	(v2sf) =	vpush v3, $0xC  }
0x5b: {  	(v2sf) =	vpush v3, $0xD  }
0x5c: {  	(v2sf) =	vpush v3, $0xE  }
0x5d: {  	s21 =	spop (v2sf);
	(v2sf) =	vpush v3, $0xF  }
0x5e: {  	p2 =	seq.s32 s21, $0x0;
	s21 =	spop (v2sf)  }
0x5f: {  	s31 =	sadd.s32 $0x100, s31;
	v3 =	vpsel p2, v0, v1;
	p2 =	seq.s32 s21, $0x0;
	s21 =	spop (v2sf)  }
0x60: {  	[tilespmem:s31+$0xFFFFFF80] =	vst v3;
	v3 =	vpsel p2, v0, v1;
	p2 =	seq.s32 s21, $0x0;
	s21 =	spop (v2sf)  }
0x61: {  	[tilespmem:s31+$0xFFFFFF90] =	vst v3;
	v3 =	vpsel p2, v0, v1;
	p2 =	seq.s32 s21, $0x0;
	s21 =	spop (v2sf)  }
0x62: {  	[tilespmem:s31+$0xFFFFFFA0] =	vst v3;
	v3 =	vpsel p2, v0, v1;
	p2 =	seq.s32 s21, $0x0;
	s21 =	spop (v2sf)  }
0x63: {  	[tilespmem:s31+$0xFFFFFFB0] =	vst v3;
	v3 =	vpsel p2, v0, v1;
	p2 =	seq.s32 s21, $0x0;
	s21 =	spop (v2sf)  }
0x64: {  	[tilespmem:s31+$0xFFFFFFC0] =	vst v3;
	v3 =	vpsel p2, v0, v1;
	p2 =	seq.s32 s21, $0x0;
	s21 =	spop (v2sf)  }
0x65: {  	[tilespmem:s31+$0xFFFFFFD0] =	vst v3;
	v3 =	vpsel p2, v0, v1;
	p2 =	seq.s32 s21, $0x0;
	s21 =	spop (v2sf)  }
0x66: {  	[tilespmem:s31+$0xFFFFFFE0] =	vst v3;
	v3 =	vpsel p2, v0, v1;
	p2 =	seq.s32 s21, $0x0;
	s21 =	spop (v2sf)  }
0x67: {  	[tilespmem:s31+$0xFFFFFFF0] =	vst v3;
	v3 =	vpsel p2, v0, v1;
	p2 =	seq.s32 s21, $0x0;
	s21 =	spop (v2sf)  }
0x68: {  	[tilespmem:s31+$0x0] =	vst v3;
	v3 =	vpsel p2, v0, v1;
	p2 =	seq.s32 s21, $0x0;
	s21 =	spop (v2sf)  }
0x69: {  	[tilespmem:s31+$0x10] =	vst v3;
	v3 =	vpsel p2, v0, v1;
	p2 =	seq.s32 s21, $0x0;
	s21 =	spop (v2sf)  }
0x6a: {  	[tilespmem:s31+$0x20] =	vst v3;
	v3 =	vpsel p2, v0, v1;
	p2 =	seq.s32 s21, $0x0;
	s21 =	spop (v2sf)  }
.Ltmp0:
0x6b: {  	[tilespmem:s31+$0x30] =	vst v3;
	v3 =	vpsel p2, v0, v1;
	p2 =	seq.s32 s21, $0x0;
	s21 =	spop (v2sf);
	(pc) =	sbr.rel @p1 .LBB2_3-.Ltmp0, $4  }
0x6c: {  	[tilespmem:s31+$0x40] =	vst v3;
	v3 =	vpsel p2, v0, v1;
	p2 =	seq.s32 s21, $0x0;
	s21 =	spop (v2sf)  }
0x6d: {  	[tilespmem:s31+$0x50] =	vst v3;
	v3 =	vpsel p2, v0, v1;
	p2 =	seq.s32 s21, $0x0  }
0x6e: {  	[tilespmem:s31+$0x60] =	vst v3;
	v3 =	vpsel p2, v0, v1  }
0x6f: {  	s21 =	sshra.s32 s16, $0x2;
	s16 =	sadd.s32 $0x40, s16;
	[tilespmem:s31+$0x70] =	vst v3  }
0x70: {  	_ =	sdelay $0x3  }
0x71: {  	v2 =	vld.idx.msk [tilespmem:v2+s21+$0x0 ss:$0x1], $0xffff;
	_ =	sdelay $0x4  }
0x72: {  	(v2sf) =	vpush v2, $0x0  }
0x73: {  	(v2sf) =	vpush v2, $0x1  }
0x74: {  	(v2sf) =	vpush v2, $0x2  }
0x75: {  	(v2sf) =	vpush v2, $0x3  }
0x76: {  	(v2sf) =	vpush v2, $0x4  }
0x77: {  	(v2sf) =	vpush v2, $0x5  }
0x78: {  	(v2sf) =	vpush v2, $0x6  }
0x79: {  	(v2sf) =	vpush v2, $0x7  }
0x7a: {  	(v2sf) =	vpush v2, $0x8  }
0x7b: {  	(v2sf) =	vpush v2, $0x9  }
0x7c: {  	(v2sf) =	vpush v2, $0xA  }
0x7d: {  	(v2sf) =	vpush v2, $0xB  }
0x7e: {  	(v2sf) =	vpush v2, $0xC  }
0x7f: {  	(v2sf) =	vpush v2, $0xD  }
0x80: {  	(v2sf) =	vpush v2, $0xE  }
0x81: {  	s16 =	spop (v2sf);
	(v2sf) =	vpush v2, $0xF  }
0x82: {  	p1 =	seq.s32 s16, $0x0;
	s21 =	spop (v2sf)  }
0x83: {  	v2 =	vpsel p1, v0, v1;
	p6 =	seq.s32 s21, $0x0;
	s24 =	spop (v2sf);
	s21 =	sadd.s32 $0x100, s31  }
0x84: {  	[tilespmem:s21+$0xFFFFFF80] =	vst v2;
	v2 =	vpsel p6, v0, v1;
	p2 =	seq.s32 s24, $0x0;
	s24 =	spop (v2sf)  }
0x85: {  	[tilespmem:s21+$0xFFFFFF90] =	vst v2;
	v2 =	vpsel p2, v0, v1;
	p3 =	seq.s32 s24, $0x0;
	s24 =	spop (v2sf)  }
0x86: {  	[tilespmem:s21+$0xFFFFFFA0] =	vst v2;
	v2 =	vpsel p3, v0, v1;
	p4 =	seq.s32 s24, $0x0;
	s24 =	spop (v2sf)  }
0x87: {  	[tilespmem:s21+$0xFFFFFFB0] =	vst v2;
	v2 =	vpsel p4, v0, v1;
	p5 =	seq.s32 s24, $0x0;
	s24 =	spop (v2sf)  }
0x88: {  	[tilespmem:s21+$0xFFFFFFC0] =	vst v2;
	v2 =	vpsel p5, v0, v1;
	p6 =	seq.s32 s24, $0x0;
	s24 =	spop (v2sf)  }
0x89: {  	[tilespmem:s21+$0xFFFFFFD0] =	vst v2;
	v2 =	vpsel p6, v0, v1;
	p2 =	seq.s32 s24, $0x0;
	s24 =	spop (v2sf)  }
0x8a: {  	[tilespmem:s21+$0xFFFFFFE0] =	vst v2;
	v2 =	vpsel p2, v0, v1;
	p3 =	seq.s32 s24, $0x0;
	s24 =	spop (v2sf)  }
0x8b: {  	[tilespmem:s21+$0xFFFFFFF0] =	vst v2;
	v2 =	vpsel p3, v0, v1;
	p4 =	seq.s32 s24, $0x0;
	s24 =	spop (v2sf)  }
0x8c: {  	[tilespmem:s21+$0x0] =	vst v2;
	v2 =	vpsel p4, v0, v1;
	p5 =	seq.s32 s24, $0x0;
	s24 =	spop (v2sf)  }
0x8d: {  	[tilespmem:s21+$0x10] =	vst v2;
	v2 =	vpsel p5, v0, v1;
	p6 =	seq.s32 s24, $0x0;
	s24 =	spop (v2sf)  }
0x8e: {  	[tilespmem:s21+$0x20] =	vst v2;
	v2 =	vpsel p6, v0, v1;
	p2 =	seq.s32 s24, $0x0;
	s24 =	spop (v2sf)  }
0x8f: {  	[tilespmem:s21+$0x30] =	vst v2;
	v2 =	vpsel p2, v0, v1;
	p3 =	seq.s32 s24, $0x0;
	s24 =	spop (v2sf)  }
0x90: {  	[tilespmem:s21+$0x40] =	vst v2;
	v2 =	vpsel p3, v0, v1;
	p4 =	seq.s32 s24, $0x0;
	s24 =	spop (v2sf)  }
0x91: {  	[tilespmem:s21+$0x50] =	vst v2;
	v2 =	vpsel p4, v0, v1;
	p5 =	seq.s32 s24, $0x0  }
0x92: {  	[tilespmem:s21+$0x60] =	vst v2;
	v0 =	vpsel p5, v0, v1  }
0x93: {  	[tilespmem:s21+$0x70] =	vst v0;
	s21 =	sadd.s32 s3, s6  }
0x94: {  	_ =	swait.ge [sflag:s17], $0x2000;
	s16 =	smul.u32 $0xA, s21  }
0x95: {  	[sflag:s17] =	ssyncset.done $0x0  }
0x96: {  	s24 =	simm.s32 $0x3220;
	[sflag:s17] =	ssyncadd.s32 $0xFFFFE000;
	s21 =	sadd.s32 s2, s16  }
0x97: {  	[hbm4b:s21+s18] =	stream.strided.scatter [tilespmem:s24], [sflag:$0x6], $0x2000, s19, s18, $0x38;
	[tilespmem:$0xFA20] =	vst v63  }
0x98: {  	s16 =	sadd.s32 s16, s9;
	s24 =	simm.s32 $0xD220  }
0x99: {  	[hbm4b:s16+s11] =	stream.strided.scatter [tilespmem:s24], [sflag:$0xB], $0x800, s19, s11, $0x38;
	[tilespmem:$0xFA20] =	vst v63  }
0x9a: {  	s16 =	simm.s32 @!p0 $0x9  }
0x9b: {  	_ =	swait.ge @!p0 [sflag:s16], $0x2000  }
0x9c: {  	[sflag:s16] =	ssyncset.done @!p0 $0x0  }
0x9d: {  	v2 =	vmov s10;
	[sflag:s16] =	ssyncadd.s32 @!p0 $0xFFFFE000;
	s16 =	simm.s32 @!p0 $0xE  }
0x9e: {  	_ =	swait.ge @!p0 [sflag:s16], $0x800  }
0x9f: {  	s31 =	sadd.s32 $0x180, s6;
	[sflag:s16] =	ssyncset.done @!p0 $0x0  }
0xa0: {  	s21 =	simm.s32 $0x9220;
	s24 =	simm.s32 $0x0;
	[sflag:s16] =	ssyncadd.s32 @!p0 $0xFFFFF800  }
0xa1: {  	[tilespmem:s21], [sflag:$0x4] =	stream.indirect.gather [hbm4b:s5+s13], $0x40, s31, s13, $0xb8;
	[tilespmem:$0xFA20] =	vst v63  }
0xa2: {  	v3 =	vld.idx.msk [tilespmem:v2+s24+$0x0 ss:$0x1], $0xffff;
	_ =	sdelay $0x4  }
0xa3: {  	(v2sf) =	vpush v3, $0x0  }
0xa4: {  	(v2sf) =	vpush v3, $0x1  }
0xa5: {  	(v2sf) =	vpush v3, $0x2  }
0xa6: {  	(v2sf) =	vpush v3, $0x3  }
0xa7: {  	(v2sf) =	vpush v3, $0x4  }
0xa8: {  	(v2sf) =	vpush v3, $0x5  }
0xa9: {  	(v2sf) =	vpush v3, $0x6  }
0xaa: {  	(v2sf) =	vpush v3, $0x7  }
0xab: {  	(v2sf) =	vpush v3, $0x8  }
0xac: {  	(v2sf) =	vpush v3, $0x9  }
0xad: {  	(v2sf) =	vpush v3, $0xA  }
0xae: {  	v0 =	vld [tilespmem:$0x3200];
	(v2sf) =	vpush v3, $0xB  }
0xaf: {  	v1 =	vld [tilespmem:$0x3210];
	(v2sf) =	vpush v3, $0xC  }
0xb0: {  	(v2sf) =	vpush v3, $0xD  }
0xb1: {  	(v2sf) =	vpush v3, $0xE  }
0xb2: {  	s21 =	spop (v2sf);
	(v2sf) =	vpush v3, $0xF  }
0xb3: {  	p6 =	seq.s32 s21, $0x0;
	s24 =	spop (v2sf)  }
0xb4: {  	s16 =	simm.s32 $0xDB10;
	v3 =	vpsel p6, v0, v1;
	p2 =	seq.s32 s24, $0x0;
	s24 =	spop (v2sf)  }
0xb5: {  	[tilespmem:s16+$0xFFFFFF10] =	vst v3;
	v3 =	vpsel p2, v0, v1;
	p3 =	seq.s32 s24, $0x0;
	s24 =	spop (v2sf)  }
0xb6: {  	[tilespmem:s16+$0xFFFFFF20] =	vst v3;
	v3 =	vpsel p3, v0, v1;
	p4 =	seq.s32 s24, $0x0;
	s24 =	spop (v2sf)  }
0xb7: {  	[tilespmem:s16+$0xFFFFFF30] =	vst v3;
	v3 =	vpsel p4, v0, v1;
	p5 =	seq.s32 s24, $0x0;
	s24 =	spop (v2sf)  }
0xb8: {  	[tilespmem:s16+$0xFFFFFF40] =	vst v3;
	v3 =	vpsel p5, v0, v1;
	p6 =	seq.s32 s24, $0x0;
	s24 =	spop (v2sf)  }
0xb9: {  	[tilespmem:s16+$0xFFFFFF50] =	vst v3;
	v3 =	vpsel p6, v0, v1;
	p2 =	seq.s32 s24, $0x0;
	s24 =	spop (v2sf)  }
0xba: {  	[tilespmem:s16+$0xFFFFFF60] =	vst v3;
	v3 =	vpsel p2, v0, v1;
	p3 =	seq.s32 s24, $0x0;
	s24 =	spop (v2sf)  }
0xbb: {  	[tilespmem:s16+$0xFFFFFF70] =	vst v3;
	v3 =	vpsel p3, v0, v1;
	p4 =	seq.s32 s24, $0x0;
	s24 =	spop (v2sf)  }
0xbc: {  	[tilespmem:s16+$0xFFFFFF80] =	vst v3;
	v3 =	vpsel p4, v0, v1;
	p5 =	seq.s32 s24, $0x0;
	s24 =	spop (v2sf)  }
0xbd: {  	[tilespmem:s16+$0xFFFFFF90] =	vst v3;
	v3 =	vpsel p5, v0, v1;
	p6 =	seq.s32 s24, $0x0;
	s24 =	spop (v2sf)  }
0xbe: {  	[tilespmem:s16+$0xFFFFFFA0] =	vst v3;
	v3 =	vpsel p6, v0, v1;
	p2 =	seq.s32 s24, $0x0;
	s24 =	spop (v2sf)  }
0xbf: {  	[tilespmem:s16+$0xFFFFFFB0] =	vst v3;
	v3 =	vpsel p2, v0, v1;
	p3 =	seq.s32 s24, $0x0;
	s24 =	spop (v2sf)  }
0xc0: {  	[tilespmem:s16+$0xFFFFFFC0] =	vst v3;
	v3 =	vpsel p3, v0, v1;
	p4 =	seq.s32 s24, $0x0;
	s24 =	spop (v2sf)  }
0xc1: {  	[tilespmem:s16+$0xFFFFFFD0] =	vst v3;
	v3 =	vpsel p4, v0, v1;
	p5 =	seq.s32 s24, $0x0;
	s24 =	spop (v2sf)  }
0xc2: {  	[tilespmem:s16+$0xFFFFFFE0] =	vst v3;
	v3 =	vpsel p5, v0, v1;
	p6 =	seq.s32 s24, $0x0  }
0xc3: {  	[tilespmem:s16+$0xFFFFFFF0] =	vst v3;
	v3 =	vpsel p6, v0, v1  }
0xc4: {  	s15 =	sadd.s32 $0x1, s15;
	s21 =	simm.s32 $0x80;
	s24 =	simm.s32 $0x10;
	[tilespmem:s16+$0x0] =	vst v3  }
.LBB2_5:
0xc5: {  	p1 =	sne.s32 s21, $0x1C0;
	v3 =	vld.idx.msk [tilespmem:v2+s24+$0x0 ss:$0x1], $0xffff;
	_ =	sdelay $0x5  }
0xc6: {  	(v2sf) =	vpush v3, $0x0  }
0xc7: {  	(v2sf) =	vpush v3, $0x1  }
0xc8: {  	(v2sf) =	vpush v3, $0x2  }
0xc9: {  	(v2sf) =	vpush v3, $0x3  }
0xca: {  	(v2sf) =	vpush v3, $0x4  }
0xcb: {  	(v2sf) =	vpush v3, $0x5  }
0xcc: {  	(v2sf) =	vpush v3, $0x6  }
0xcd: {  	(v2sf) =	vpush v3, $0x7  }
0xce: {  	(v2sf) =	vpush v3, $0x8  }
0xcf: {  	(v2sf) =	vpush v3, $0x9  }
0xd0: {  	(v2sf) =	vpush v3, $0xA  }
0xd1: {  	(v2sf) =	vpush v3, $0xB  }
0xd2: {  	(v2sf) =	vpush v3, $0xC  }
0xd3: {  	(v2sf) =	vpush v3, $0xD  }
0xd4: {  	(v2sf) =	vpush v3, $0xE  }
0xd5: {  	s24 =	spop (v2sf);
	(v2sf) =	vpush v3, $0xF  }
0xd6: {  	p2 =	seq.s32 s24, $0x0;
	s24 =	spop (v2sf)  }
0xd7: {  	s16 =	sadd.s32 $0x100, s16;
	v3 =	vpsel p2, v0, v1;
	p2 =	seq.s32 s24, $0x0;
	s24 =	spop (v2sf)  }
0xd8: {  	[tilespmem:s16+$0xFFFFFF10] =	vst v3;
	v3 =	vpsel p2, v0, v1;
	p2 =	seq.s32 s24, $0x0;
	s24 =	spop (v2sf)  }
0xd9: {  	[tilespmem:s16+$0xFFFFFF20] =	vst v3;
	v3 =	vpsel p2, v0, v1;
	p2 =	seq.s32 s24, $0x0;
	s24 =	spop (v2sf)  }
0xda: {  	[tilespmem:s16+$0xFFFFFF30] =	vst v3;
	v3 =	vpsel p2, v0, v1;
	p2 =	seq.s32 s24, $0x0;
	s24 =	spop (v2sf)  }
0xdb: {  	[tilespmem:s16+$0xFFFFFF40] =	vst v3;
	v3 =	vpsel p2, v0, v1;
	p2 =	seq.s32 s24, $0x0;
	s24 =	spop (v2sf)  }
0xdc: {  	[tilespmem:s16+$0xFFFFFF50] =	vst v3;
	v3 =	vpsel p2, v0, v1;
	p2 =	seq.s32 s24, $0x0;
	s24 =	spop (v2sf)  }
0xdd: {  	[tilespmem:s16+$0xFFFFFF60] =	vst v3;
	v3 =	vpsel p2, v0, v1;
	p2 =	seq.s32 s24, $0x0;
	s24 =	spop (v2sf)  }
0xde: {  	[tilespmem:s16+$0xFFFFFF70] =	vst v3;
	v3 =	vpsel p2, v0, v1;
	p2 =	seq.s32 s24, $0x0;
	s24 =	spop (v2sf)  }
0xdf: {  	[tilespmem:s16+$0xFFFFFF80] =	vst v3;
	v3 =	vpsel p2, v0, v1;
	p2 =	seq.s32 s24, $0x0;
	s24 =	spop (v2sf)  }
0xe0: {  	[tilespmem:s16+$0xFFFFFF90] =	vst v3;
	v3 =	vpsel p2, v0, v1;
	p2 =	seq.s32 s24, $0x0;
	s24 =	spop (v2sf)  }
0xe1: {  	[tilespmem:s16+$0xFFFFFFA0] =	vst v3;
	v3 =	vpsel p2, v0, v1;
	p2 =	seq.s32 s24, $0x0;
	s24 =	spop (v2sf)  }
0xe2: {  	[tilespmem:s16+$0xFFFFFFB0] =	vst v3;
	v3 =	vpsel p2, v0, v1;
	p2 =	seq.s32 s24, $0x0;
	s24 =	spop (v2sf)  }
.Ltmp1:
0xe3: {  	[tilespmem:s16+$0xFFFFFFC0] =	vst v3;
	v3 =	vpsel p2, v0, v1;
	p2 =	seq.s32 s24, $0x0;
	s24 =	spop (v2sf);
	(pc) =	sbr.rel @p1 .LBB2_5-.Ltmp1, $4  }
0xe4: {  	[tilespmem:s16+$0xFFFFFFD0] =	vst v3;
	v3 =	vpsel p2, v0, v1;
	p2 =	seq.s32 s24, $0x0;
	s24 =	spop (v2sf)  }
0xe5: {  	[tilespmem:s16+$0xFFFFFFE0] =	vst v3;
	v3 =	vpsel p2, v0, v1;
	p2 =	seq.s32 s24, $0x0  }
0xe6: {  	[tilespmem:s16+$0xFFFFFFF0] =	vst v3;
	v3 =	vpsel p2, v0, v1  }
0xe7: {  	s24 =	sshra.s32 s21, $0x2;
	s21 =	sadd.s32 $0x40, s21;
	[tilespmem:s16+$0x0] =	vst v3  }
0xe8: {  	_ =	sdelay $0x3  }
0xe9: {  	v2 =	vld.idx.msk [tilespmem:v2+s24+$0x0 ss:$0x1], $0xffff;
	_ =	sdelay $0x4  }
0xea: {  	(v2sf) =	vpush v2, $0x0  }
0xeb: {  	(v2sf) =	vpush v2, $0x1  }
0xec: {  	(v2sf) =	vpush v2, $0x2  }
0xed: {  	(v2sf) =	vpush v2, $0x3  }
0xee: {  	(v2sf) =	vpush v2, $0x4  }
0xef: {  	(v2sf) =	vpush v2, $0x5  }
0xf0: {  	(v2sf) =	vpush v2, $0x6  }
0xf1: {  	(v2sf) =	vpush v2, $0x7  }
0xf2: {  	(v2sf) =	vpush v2, $0x8  }
0xf3: {  	(v2sf) =	vpush v2, $0x9  }
0xf4: {  	(v2sf) =	vpush v2, $0xA  }
0xf5: {  	(v2sf) =	vpush v2, $0xB  }
0xf6: {  	(v2sf) =	vpush v2, $0xC  }
0xf7: {  	(v2sf) =	vpush v2, $0xD  }
0xf8: {  	(v2sf) =	vpush v2, $0xE  }
0xf9: {  	s21 =	spop (v2sf);
	(v2sf) =	vpush v2, $0xF  }
0xfa: {  	p1 =	seq.s32 s21, $0x0;
	s24 =	spop (v2sf)  }
0xfb: {  	s16 =	sadd.s32 $0x100, s16;
	v2 =	vpsel p1, v0, v1;
	p3 =	seq.s32 s24, $0x0;
	s24 =	spop (v2sf)  }
0xfc: {  	[tilespmem:s16+$0xFFFFFF10] =	vst v2;
	v2 =	vpsel p3, v0, v1;
	p4 =	seq.s32 s24, $0x0;
	s24 =	spop (v2sf)  }
0xfd: {  	[tilespmem:s16+$0xFFFFFF20] =	vst v2;
	v2 =	vpsel p4, v0, v1;
	p5 =	seq.s32 s24, $0x0;
	s24 =	spop (v2sf)  }
0xfe: {  	[tilespmem:s16+$0xFFFFFF30] =	vst v2;
	v2 =	vpsel p5, v0, v1;
	p6 =	seq.s32 s24, $0x0;
	s24 =	spop (v2sf)  }
0xff: {  	[tilespmem:s16+$0xFFFFFF40] =	vst v2;
	v2 =	vpsel p6, v0, v1;
	p2 =	seq.s32 s24, $0x0;
	s24 =	spop (v2sf)  }
0x100: {  	[tilespmem:s16+$0xFFFFFF50] =	vst v2;
	v2 =	vpsel p2, v0, v1;
	p3 =	seq.s32 s24, $0x0;
	s24 =	spop (v2sf)  }
0x101: {  	[tilespmem:s16+$0xFFFFFF60] =	vst v2;
	v2 =	vpsel p3, v0, v1;
	p4 =	seq.s32 s24, $0x0;
	s24 =	spop (v2sf)  }
0x102: {  	[tilespmem:s16+$0xFFFFFF70] =	vst v2;
	v2 =	vpsel p4, v0, v1;
	p5 =	seq.s32 s24, $0x0;
	s24 =	spop (v2sf)  }
0x103: {  	[tilespmem:s16+$0xFFFFFF80] =	vst v2;
	v2 =	vpsel p5, v0, v1;
	p6 =	seq.s32 s24, $0x0;
	s24 =	spop (v2sf)  }
0x104: {  	[tilespmem:s16+$0xFFFFFF90] =	vst v2;
	v2 =	vpsel p6, v0, v1;
	p2 =	seq.s32 s24, $0x0;
	s24 =	spop (v2sf)  }
0x105: {  	[tilespmem:s16+$0xFFFFFFA0] =	vst v2;
	v2 =	vpsel p2, v0, v1;
	p3 =	seq.s32 s24, $0x0;
	s24 =	spop (v2sf)  }
0x106: {  	[tilespmem:s16+$0xFFFFFFB0] =	vst v2;
	v2 =	vpsel p3, v0, v1;
	p4 =	seq.s32 s24, $0x0;
	s24 =	spop (v2sf)  }
0x107: {  	[tilespmem:s16+$0xFFFFFFC0] =	vst v2;
	v2 =	vpsel p4, v0, v1;
	p5 =	seq.s32 s24, $0x0;
	s24 =	spop (v2sf)  }
0x108: {  	[tilespmem:s16+$0xFFFFFFD0] =	vst v2;
	v2 =	vpsel p5, v0, v1;
	p6 =	seq.s32 s24, $0x0;
	s24 =	spop (v2sf)  }
0x109: {  	[tilespmem:s16+$0xFFFFFFE0] =	vst v2;
	v2 =	vpsel p6, v0, v1;
	p2 =	seq.s32 s24, $0x0  }
0x10a: {  	s15 =	sshll.u32 s15, $0x7;
	[tilespmem:s16+$0xFFFFFFF0] =	vst v2;
	v0 =	vpsel p2, v0, v1  }
0x10b: {  	s15 =	sadd.s32 s3, s15;
	[tilespmem:s16+$0x0] =	vst v0  }
0x10c: {  	s15 =	smul.u32 $0xA, s15;
	_ =	swait.ge [sflag:s22], $0x2000  }
0x10d: {  	[sflag:s22] =	ssyncset.done $0x0  }
0x10e: {  	s21 =	sadd.s32 s2, s15;
	s24 =	simm.s32 $0x5220;
	[sflag:s22] =	ssyncadd.s32 $0xFFFFE000  }
0x10f: {  	[hbm4b:s21+s18] =	stream.strided.scatter [tilespmem:s24], [sflag:$0x7], $0x2000, s19, s18, $0x38;
	[tilespmem:$0xFA20] =	vst v63  }
0x110: {  	s15 =	sadd.s32 s15, s9;
	s21 =	simm.s32 $0xDA20  }
0x111: {  	[hbm4b:s15+s11] =	stream.strided.scatter [tilespmem:s21], [sflag:$0xC], $0x800, s19, s11, $0x38;
	[tilespmem:$0xFA20] =	vst v63  }
0x112: {  	s15 =	simm.s32 @!p0 $0xA  }
0x113: {  	_ =	swait.ge @!p0 [sflag:s15], $0x2000  }
0x114: {  	[sflag:s15] =	ssyncset.done @!p0 $0x0  }
0x115: {  	v2 =	vmov s4;
	[sflag:s15] =	ssyncadd.s32 @!p0 $0xFFFFE000;
	s15 =	simm.s32 @!p0 $0xF  }
0x116: {  	_ =	swait.ge @!p0 [sflag:s15], $0x800  }
0x117: {  	s6 =	sadd.s32 $0x200, s6;
	[sflag:s15] =	ssyncset.done @!p0 $0x0  }
0x118: {  	s16 =	simm.s32 $0x0;
	s24 =	simm.s32 $0xB220;
	[sflag:s15] =	ssyncadd.s32 @!p0 $0xFFFFF800  }
0x119: {  	[tilespmem:s24], [sflag:$0x5] =	stream.indirect.gather [hbm4b:s5+s13], $0x40, s6, s13, $0xb8;
	[tilespmem:$0xFA20] =	vst v63  }
0x11a: {  	v3 =	vld.idx.msk [tilespmem:v2+s16+$0x0 ss:$0x1], $0xffff;
	_ =	sdelay $0x4  }
0x11b: {  	(v2sf) =	vpush v3, $0x0  }
0x11c: {  	(v2sf) =	vpush v3, $0x1  }
0x11d: {  	(v2sf) =	vpush v3, $0x2  }
0x11e: {  	(v2sf) =	vpush v3, $0x3  }
0x11f: {  	(v2sf) =	vpush v3, $0x4  }
0x120: {  	(v2sf) =	vpush v3, $0x5  }
0x121: {  	(v2sf) =	vpush v3, $0x6  }
0x122: {  	(v2sf) =	vpush v3, $0x7  }
0x123: {  	(v2sf) =	vpush v3, $0x8  }
0x124: {  	(v2sf) =	vpush v3, $0x9  }
0x125: {  	(v2sf) =	vpush v3, $0xA  }
0x126: {  	v0 =	vld [tilespmem:$0x3200];
	(v2sf) =	vpush v3, $0xB  }
0x127: {  	v1 =	vld [tilespmem:$0x3210];
	(v2sf) =	vpush v3, $0xC  }
0x128: {  	(v2sf) =	vpush v3, $0xD  }
0x129: {  	(v2sf) =	vpush v3, $0xE  }
0x12a: {  	s21 =	spop (v2sf);
	(v2sf) =	vpush v3, $0xF  }
0x12b: {  	p3 =	seq.s32 s21, $0x0;
	s24 =	spop (v2sf)  }
0x12c: {  	s15 =	simm.s32 $0xE310;
	v3 =	vpsel p3, v0, v1;
	p4 =	seq.s32 s24, $0x0;
	s21 =	spop (v2sf)  }
0x12d: {  	[tilespmem:s15+$0xFFFFFF10] =	vst v3;
	v3 =	vpsel p4, v0, v1;
	p5 =	seq.s32 s21, $0x0;
	s24 =	spop (v2sf)  }
0x12e: {  	[tilespmem:s15+$0xFFFFFF20] =	vst v3;
	v3 =	vpsel p5, v0, v1;
	p6 =	seq.s32 s24, $0x0;
	s21 =	spop (v2sf)  }
0x12f: {  	[tilespmem:s15+$0xFFFFFF30] =	vst v3;
	v3 =	vpsel p6, v0, v1;
	p1 =	seq.s32 s21, $0x0;
	s24 =	spop (v2sf)  }
0x130: {  	[tilespmem:s15+$0xFFFFFF40] =	vst v3;
	v3 =	vpsel p1, v0, v1;
	p2 =	seq.s32 s24, $0x0;
	s21 =	spop (v2sf)  }
0x131: {  	[tilespmem:s15+$0xFFFFFF50] =	vst v3;
	v3 =	vpsel p2, v0, v1;
	p3 =	seq.s32 s21, $0x0;
	s24 =	spop (v2sf)  }
0x132: {  	[tilespmem:s15+$0xFFFFFF60] =	vst v3;
	v3 =	vpsel p3, v0, v1;
	p4 =	seq.s32 s24, $0x0;
	s21 =	spop (v2sf)  }
0x133: {  	[tilespmem:s15+$0xFFFFFF70] =	vst v3;
	v3 =	vpsel p4, v0, v1;
	p5 =	seq.s32 s21, $0x0;
	s24 =	spop (v2sf)  }
0x134: {  	[tilespmem:s15+$0xFFFFFF80] =	vst v3;
	v3 =	vpsel p5, v0, v1;
	p6 =	seq.s32 s24, $0x0;
	s21 =	spop (v2sf)  }
0x135: {  	[tilespmem:s15+$0xFFFFFF90] =	vst v3;
	v3 =	vpsel p6, v0, v1;
	p1 =	seq.s32 s21, $0x0;
	s24 =	spop (v2sf)  }
0x136: {  	[tilespmem:s15+$0xFFFFFFA0] =	vst v3;
	v3 =	vpsel p1, v0, v1;
	p2 =	seq.s32 s24, $0x0;
	s21 =	spop (v2sf)  }
0x137: {  	[tilespmem:s15+$0xFFFFFFB0] =	vst v3;
	v3 =	vpsel p2, v0, v1;
	p3 =	seq.s32 s21, $0x0;
	s24 =	spop (v2sf)  }
0x138: {  	[tilespmem:s15+$0xFFFFFFC0] =	vst v3;
	v3 =	vpsel p3, v0, v1;
	p4 =	seq.s32 s24, $0x0;
	s21 =	spop (v2sf)  }
0x139: {  	[tilespmem:s15+$0xFFFFFFD0] =	vst v3;
	v3 =	vpsel p4, v0, v1;
	p5 =	seq.s32 s21, $0x0;
	s24 =	spop (v2sf)  }
0x13a: {  	[tilespmem:s15+$0xFFFFFFE0] =	vst v3;
	v3 =	vpsel p5, v0, v1;
	p6 =	seq.s32 s24, $0x0  }
0x13b: {  	[tilespmem:s15+$0xFFFFFFF0] =	vst v3;
	v3 =	vpsel p6, v0, v1  }
0x13c: {  	s16 =	simm.s32 $0x80;
	s21 =	simm.s32 $0x10;
	[tilespmem:s15+$0x0] =	vst v3  }
.LBB2_7:
0x13d: {  	p0 =	sne.s32 s16, $0x1C0;
	v3 =	vld.idx.msk [tilespmem:v2+s21+$0x0 ss:$0x1], $0xffff;
	_ =	sdelay $0x5  }
0x13e: {  	(v2sf) =	vpush v3, $0x0  }
0x13f: {  	(v2sf) =	vpush v3, $0x1  }
0x140: {  	(v2sf) =	vpush v3, $0x2  }
0x141: {  	(v2sf) =	vpush v3, $0x3  }
0x142: {  	(v2sf) =	vpush v3, $0x4  }
0x143: {  	(v2sf) =	vpush v3, $0x5  }
0x144: {  	(v2sf) =	vpush v3, $0x6  }
0x145: {  	(v2sf) =	vpush v3, $0x7  }
0x146: {  	(v2sf) =	vpush v3, $0x8  }
0x147: {  	(v2sf) =	vpush v3, $0x9  }
0x148: {  	(v2sf) =	vpush v3, $0xA  }
0x149: {  	(v2sf) =	vpush v3, $0xB  }
0x14a: {  	(v2sf) =	vpush v3, $0xC  }
0x14b: {  	(v2sf) =	vpush v3, $0xD  }
0x14c: {  	(v2sf) =	vpush v3, $0xE  }
0x14d: {  	s21 =	spop (v2sf);
	(v2sf) =	vpush v3, $0xF  }
0x14e: {  	p1 =	seq.s32 s21, $0x0;
	s21 =	spop (v2sf)  }
0x14f: {  	s15 =	sadd.s32 $0x100, s15;
	v3 =	vpsel p1, v0, v1;
	p1 =	seq.s32 s21, $0x0;
	s21 =	spop (v2sf)  }
0x150: {  	[tilespmem:s15+$0xFFFFFF10] =	vst v3;
	v3 =	vpsel p1, v0, v1;
	p1 =	seq.s32 s21, $0x0;
	s21 =	spop (v2sf)  }
0x151: {  	[tilespmem:s15+$0xFFFFFF20] =	vst v3;
	v3 =	vpsel p1, v0, v1;
	p1 =	seq.s32 s21, $0x0;
	s21 =	spop (v2sf)  }
0x152: {  	[tilespmem:s15+$0xFFFFFF30] =	vst v3;
	v3 =	vpsel p1, v0, v1;
	p1 =	seq.s32 s21, $0x0;
	s21 =	spop (v2sf)  }
0x153: {  	[tilespmem:s15+$0xFFFFFF40] =	vst v3;
	v3 =	vpsel p1, v0, v1;
	p1 =	seq.s32 s21, $0x0;
	s21 =	spop (v2sf)  }
0x154: {  	[tilespmem:s15+$0xFFFFFF50] =	vst v3;
	v3 =	vpsel p1, v0, v1;
	p1 =	seq.s32 s21, $0x0;
	s21 =	spop (v2sf)  }
0x155: {  	[tilespmem:s15+$0xFFFFFF60] =	vst v3;
	v3 =	vpsel p1, v0, v1;
	p1 =	seq.s32 s21, $0x0;
	s21 =	spop (v2sf)  }
0x156: {  	[tilespmem:s15+$0xFFFFFF70] =	vst v3;
	v3 =	vpsel p1, v0, v1;
	p1 =	seq.s32 s21, $0x0;
	s21 =	spop (v2sf)  }
0x157: {  	[tilespmem:s15+$0xFFFFFF80] =	vst v3;
	v3 =	vpsel p1, v0, v1;
	p1 =	seq.s32 s21, $0x0;
	s21 =	spop (v2sf)  }
0x158: {  	[tilespmem:s15+$0xFFFFFF90] =	vst v3;
	v3 =	vpsel p1, v0, v1;
	p1 =	seq.s32 s21, $0x0;
	s21 =	spop (v2sf)  }
0x159: {  	[tilespmem:s15+$0xFFFFFFA0] =	vst v3;
	v3 =	vpsel p1, v0, v1;
	p1 =	seq.s32 s21, $0x0;
	s21 =	spop (v2sf)  }
0x15a: {  	[tilespmem:s15+$0xFFFFFFB0] =	vst v3;
	v3 =	vpsel p1, v0, v1;
	p1 =	seq.s32 s21, $0x0;
	s21 =	spop (v2sf)  }
.Ltmp2:
0x15b: {  	[tilespmem:s15+$0xFFFFFFC0] =	vst v3;
	v3 =	vpsel p1, v0, v1;
	p1 =	seq.s32 s21, $0x0;
	s21 =	spop (v2sf);
	(pc) =	sbr.rel @p0 .LBB2_7-.Ltmp2, $4  }
0x15c: {  	[tilespmem:s15+$0xFFFFFFD0] =	vst v3;
	v3 =	vpsel p1, v0, v1;
	p1 =	seq.s32 s21, $0x0;
	s21 =	spop (v2sf)  }
0x15d: {  	[tilespmem:s15+$0xFFFFFFE0] =	vst v3;
	v3 =	vpsel p1, v0, v1;
	p1 =	seq.s32 s21, $0x0  }
0x15e: {  	[tilespmem:s15+$0xFFFFFFF0] =	vst v3;
	v3 =	vpsel p1, v0, v1  }
0x15f: {  	s21 =	sshra.s32 s16, $0x2;
	s16 =	sadd.s32 $0x40, s16;
	[tilespmem:s15+$0x0] =	vst v3  }
0x160: {  	_ =	sdelay $0x3  }
0x161: {  	v2 =	vld.idx.msk [tilespmem:v2+s21+$0x0 ss:$0x1], $0xffff;
	_ =	sdelay $0x4  }
0x162: {  	(v2sf) =	vpush v2, $0x0  }
0x163: {  	(v2sf) =	vpush v2, $0x1  }
0x164: {  	(v2sf) =	vpush v2, $0x2  }
0x165: {  	(v2sf) =	vpush v2, $0x3  }
0x166: {  	(v2sf) =	vpush v2, $0x4  }
0x167: {  	(v2sf) =	vpush v2, $0x5  }
0x168: {  	(v2sf) =	vpush v2, $0x6  }
0x169: {  	(v2sf) =	vpush v2, $0x7  }
0x16a: {  	(v2sf) =	vpush v2, $0x8  }
0x16b: {  	(v2sf) =	vpush v2, $0x9  }
0x16c: {  	(v2sf) =	vpush v2, $0xA  }
0x16d: {  	(v2sf) =	vpush v2, $0xB  }
0x16e: {  	(v2sf) =	vpush v2, $0xC  }
0x16f: {  	(v2sf) =	vpush v2, $0xD  }
0x170: {  	(v2sf) =	vpush v2, $0xE  }
0x171: {  	s16 =	spop (v2sf);
	(v2sf) =	vpush v2, $0xF  }
0x172: {  	p0 =	seq.s32 s16, $0x0;
	s24 =	spop (v2sf)  }
0x173: {  	s15 =	sadd.s32 $0x100, s15;
	v2 =	vpsel p0, v0, v1;
	p5 =	seq.s32 s24, $0x0;
	s21 =	spop (v2sf)  }
0x174: {  	[tilespmem:s15+$0xFFFFFF10] =	vst v2;
	v2 =	vpsel p5, v0, v1;
	p6 =	seq.s32 s21, $0x0;
	s24 =	spop (v2sf)  }
0x175: {  	[tilespmem:s15+$0xFFFFFF20] =	vst v2;
	v2 =	vpsel p6, v0, v1;
	p1 =	seq.s32 s24, $0x0;
	s21 =	spop (v2sf)  }
0x176: {  	[tilespmem:s15+$0xFFFFFF30] =	vst v2;
	v2 =	vpsel p1, v0, v1;
	p2 =	seq.s32 s21, $0x0;
	s24 =	spop (v2sf)  }
0x177: {  	[tilespmem:s15+$0xFFFFFF40] =	vst v2;
	v2 =	vpsel p2, v0, v1;
	p3 =	seq.s32 s24, $0x0;
	s21 =	spop (v2sf)  }
0x178: {  	[tilespmem:s15+$0xFFFFFF50] =	vst v2;
	v2 =	vpsel p3, v0, v1;
	p4 =	seq.s32 s21, $0x0;
	s24 =	spop (v2sf)  }
0x179: {  	[tilespmem:s15+$0xFFFFFF60] =	vst v2;
	v2 =	vpsel p4, v0, v1;
	p5 =	seq.s32 s24, $0x0;
	s21 =	spop (v2sf)  }
0x17a: {  	[tilespmem:s15+$0xFFFFFF70] =	vst v2;
	v2 =	vpsel p5, v0, v1;
	p6 =	seq.s32 s21, $0x0;
	s24 =	spop (v2sf)  }
0x17b: {  	[tilespmem:s15+$0xFFFFFF80] =	vst v2;
	v2 =	vpsel p6, v0, v1;
	p1 =	seq.s32 s24, $0x0;
	s21 =	spop (v2sf)  }
0x17c: {  	[tilespmem:s15+$0xFFFFFF90] =	vst v2;
	v2 =	vpsel p1, v0, v1;
	p2 =	seq.s32 s21, $0x0;
	s24 =	spop (v2sf)  }
0x17d: {  	[tilespmem:s15+$0xFFFFFFA0] =	vst v2;
	v2 =	vpsel p2, v0, v1;
	p3 =	seq.s32 s24, $0x0;
	s21 =	spop (v2sf)  }
0x17e: {  	[tilespmem:s15+$0xFFFFFFB0] =	vst v2;
	v2 =	vpsel p3, v0, v1;
	p4 =	seq.s32 s21, $0x0;
	s24 =	spop (v2sf)  }
0x17f: {  	[tilespmem:s15+$0xFFFFFFC0] =	vst v2;
	v2 =	vpsel p4, v0, v1;
	p5 =	seq.s32 s24, $0x0;
	s21 =	spop (v2sf)  }
0x180: {  	[tilespmem:s15+$0xFFFFFFD0] =	vst v2;
	v2 =	vpsel p5, v0, v1;
	p6 =	seq.s32 s21, $0x0;
	s24 =	spop (v2sf)  }
0x181: {  	[tilespmem:s15+$0xFFFFFFE0] =	vst v2;
	v2 =	vpsel p6, v0, v1;
	p1 =	seq.s32 s24, $0x0  }
0x182: {  	[tilespmem:s15+$0xFFFFFFF0] =	vst v2;
	v0 =	vpsel p1, v0, v1  }
0x183: {  	s16 =	sadd.s32 s3, s26;
	[tilespmem:s15+$0x0] =	vst v0  }
0x184: {  	s15 =	smul.u32 $0xA, s16;
	_ =	swait.ge [sflag:s25], $0x2000  }
0x185: {  	[sflag:s25] =	ssyncset.done $0x0  }
0x186: {  	s24 =	simm.s32 $0x7220;
	s21 =	sadd.s32 s2, s15;
	[sflag:s25] =	ssyncadd.s32 $0xFFFFE000  }
0x187: {  	[hbm4b:s21+s18] =	stream.strided.scatter [tilespmem:s24], [sflag:$0x8], $0x2000, s19, s18, $0x38;
	[tilespmem:$0xFA20] =	vst v63  }
0x188: {  	s26 =	simm.s32 $0xE220;
	s15 =	sadd.s32 s15, s9  }
0x189: {  	[hbm4b:s15+s11] =	stream.strided.scatter [tilespmem:s26], [sflag:$0xD], $0x800, s19, s11, $0x38;
	[tilespmem:$0xFA20] =	vst v63  }
0x18a: {  	_ =	swait.ge [sflag:s28], $0x2000  }
0x18b: {  	[sflag:s28] =	ssyncset.done $0x0  }
0x18c: {  	[sflag:s28] =	ssyncadd.s32 $0xFFFFE000  }
0x18d: {  	p0 =	seq.s32 s23, $0x9;
	v2 =	vmov s7;
	_ =	swait.ge [sflag:s29], $0x800  }
0x18e: {  	s14 =	sshra.s32 @!p0 s14, $0x2;
	s16 =	simm.s32 @!p0 $0x80;
	[sflag:s29] =	ssyncset.done $0x0  }
0x18f: {  	s21 =	simm.s32 @!p0 $0x3220;
	s15 =	sadd.s32 @!p0 $0x280, s14;
	[sflag:s29] =	ssyncadd.s32 $0xFFFFF800  }
0x190: {  	[tilespmem:s21], [sflag:$0x1] =	stream.indirect.gather @!p0 [hbm4b:s5+s16], $0x40, s15, s16, $0xb8;
	[tilespmem:$0xFA20] =	vst v63  }
0x191: {  	s16 =	simm.s32 $0x0  }
0x192: {  	v3 =	vld.idx.msk [tilespmem:v2+s16+$0x0 ss:$0x1], $0xffff;
	_ =	sdelay $0x4  }
0x193: {  	(v2sf) =	vpush v3, $0x0  }
0x194: {  	(v2sf) =	vpush v3, $0x1  }
0x195: {  	(v2sf) =	vpush v3, $0x2  }
0x196: {  	(v2sf) =	vpush v3, $0x3  }
0x197: {  	(v2sf) =	vpush v3, $0x4  }
0x198: {  	(v2sf) =	vpush v3, $0x5  }
0x199: {  	(v2sf) =	vpush v3, $0x6  }
0x19a: {  	(v2sf) =	vpush v3, $0x7  }
0x19b: {  	(v2sf) =	vpush v3, $0x8  }
0x19c: {  	(v2sf) =	vpush v3, $0x9  }
0x19d: {  	(v2sf) =	vpush v3, $0xA  }
0x19e: {  	v0 =	vld [tilespmem:$0x3200];
	(v2sf) =	vpush v3, $0xB  }
0x19f: {  	v1 =	vld [tilespmem:$0x3210];
	(v2sf) =	vpush v3, $0xC  }
0x1a0: {  	(v2sf) =	vpush v3, $0xD  }
0x1a1: {  	(v2sf) =	vpush v3, $0xE  }
0x1a2: {  	s21 =	spop (v2sf);
	(v2sf) =	vpush v3, $0xF  }
0x1a3: {  	p1 =	seq.s32 s21, $0x0;
	s26 =	spop (v2sf)  }
0x1a4: {  	s15 =	simm.s32 $0xEB10;
	v3 =	vpsel p1, v0, v1;
	p2 =	seq.s32 s26, $0x0;
	s21 =	spop (v2sf)  }
0x1a5: {  	[tilespmem:s15+$0xFFFFFF10] =	vst v3;
	v3 =	vpsel p2, v0, v1;
	p3 =	seq.s32 s21, $0x0;
	s26 =	spop (v2sf)  }
0x1a6: {  	[tilespmem:s15+$0xFFFFFF20] =	vst v3;
	v3 =	vpsel p3, v0, v1;
	p4 =	seq.s32 s26, $0x0;
	s21 =	spop (v2sf)  }
0x1a7: {  	[tilespmem:s15+$0xFFFFFF30] =	vst v3;
	v3 =	vpsel p4, v0, v1;
	p5 =	seq.s32 s21, $0x0;
	s26 =	spop (v2sf)  }
0x1a8: {  	[tilespmem:s15+$0xFFFFFF40] =	vst v3;
	v3 =	vpsel p5, v0, v1;
	p6 =	seq.s32 s26, $0x0;
	s21 =	spop (v2sf)  }
0x1a9: {  	[tilespmem:s15+$0xFFFFFF50] =	vst v3;
	v3 =	vpsel p6, v0, v1;
	p2 =	seq.s32 s21, $0x0;
	s26 =	spop (v2sf)  }
0x1aa: {  	[tilespmem:s15+$0xFFFFFF60] =	vst v3;
	v3 =	vpsel p2, v0, v1;
	p3 =	seq.s32 s26, $0x0;
	s21 =	spop (v2sf)  }
0x1ab: {  	[tilespmem:s15+$0xFFFFFF70] =	vst v3;
	v3 =	vpsel p3, v0, v1;
	p4 =	seq.s32 s21, $0x0;
	s26 =	spop (v2sf)  }
0x1ac: {  	[tilespmem:s15+$0xFFFFFF80] =	vst v3;
	v3 =	vpsel p4, v0, v1;
	p5 =	seq.s32 s26, $0x0;
	s21 =	spop (v2sf)  }
0x1ad: {  	[tilespmem:s15+$0xFFFFFF90] =	vst v3;
	v3 =	vpsel p5, v0, v1;
	p6 =	seq.s32 s21, $0x0;
	s26 =	spop (v2sf)  }
0x1ae: {  	[tilespmem:s15+$0xFFFFFFA0] =	vst v3;
	v3 =	vpsel p6, v0, v1;
	p2 =	seq.s32 s26, $0x0;
	s21 =	spop (v2sf)  }
0x1af: {  	[tilespmem:s15+$0xFFFFFFB0] =	vst v3;
	v3 =	vpsel p2, v0, v1;
	p3 =	seq.s32 s21, $0x0;
	s26 =	spop (v2sf)  }
0x1b0: {  	[tilespmem:s15+$0xFFFFFFC0] =	vst v3;
	v3 =	vpsel p3, v0, v1;
	p4 =	seq.s32 s26, $0x0;
	s21 =	spop (v2sf)  }
0x1b1: {  	[tilespmem:s15+$0xFFFFFFD0] =	vst v3;
	v3 =	vpsel p4, v0, v1;
	p5 =	seq.s32 s21, $0x0;
	s26 =	spop (v2sf)  }
0x1b2: {  	[tilespmem:s15+$0xFFFFFFE0] =	vst v3;
	v3 =	vpsel p5, v0, v1;
	p6 =	seq.s32 s26, $0x0  }
0x1b3: {  	[tilespmem:s15+$0xFFFFFFF0] =	vst v3;
	v3 =	vpsel p6, v0, v1  }
0x1b4: {  	s16 =	simm.s32 $0x80;
	s21 =	simm.s32 $0x10;
	[tilespmem:s15+$0x0] =	vst v3  }
.LBB2_9:
0x1b5: {  	p1 =	sne.s32 s16, $0x1C0;
	v3 =	vld.idx.msk [tilespmem:v2+s21+$0x0 ss:$0x1], $0xffff;
	_ =	sdelay $0x5  }
0x1b6: {  	(v2sf) =	vpush v3, $0x0  }
0x1b7: {  	(v2sf) =	vpush v3, $0x1  }
0x1b8: {  	(v2sf) =	vpush v3, $0x2  }
0x1b9: {  	(v2sf) =	vpush v3, $0x3  }
0x1ba: {  	(v2sf) =	vpush v3, $0x4  }
0x1bb: {  	(v2sf) =	vpush v3, $0x5  }
0x1bc: {  	(v2sf) =	vpush v3, $0x6  }
0x1bd: {  	(v2sf) =	vpush v3, $0x7  }
0x1be: {  	(v2sf) =	vpush v3, $0x8  }
0x1bf: {  	(v2sf) =	vpush v3, $0x9  }
0x1c0: {  	(v2sf) =	vpush v3, $0xA  }
0x1c1: {  	(v2sf) =	vpush v3, $0xB  }
0x1c2: {  	(v2sf) =	vpush v3, $0xC  }
0x1c3: {  	(v2sf) =	vpush v3, $0xD  }
0x1c4: {  	(v2sf) =	vpush v3, $0xE  }
0x1c5: {  	s21 =	spop (v2sf);
	(v2sf) =	vpush v3, $0xF  }
0x1c6: {  	p2 =	seq.s32 s21, $0x0;
	s21 =	spop (v2sf)  }
0x1c7: {  	s15 =	sadd.s32 $0x100, s15;
	v3 =	vpsel p2, v0, v1;
	p2 =	seq.s32 s21, $0x0;
	s21 =	spop (v2sf)  }
0x1c8: {  	[tilespmem:s15+$0xFFFFFF10] =	vst v3;
	v3 =	vpsel p2, v0, v1;
	p2 =	seq.s32 s21, $0x0;
	s21 =	spop (v2sf)  }
0x1c9: {  	[tilespmem:s15+$0xFFFFFF20] =	vst v3;
	v3 =	vpsel p2, v0, v1;
	p2 =	seq.s32 s21, $0x0;
	s21 =	spop (v2sf)  }
0x1ca: {  	[tilespmem:s15+$0xFFFFFF30] =	vst v3;
	v3 =	vpsel p2, v0, v1;
	p2 =	seq.s32 s21, $0x0;
	s21 =	spop (v2sf)  }
0x1cb: {  	[tilespmem:s15+$0xFFFFFF40] =	vst v3;
	v3 =	vpsel p2, v0, v1;
	p2 =	seq.s32 s21, $0x0;
	s21 =	spop (v2sf)  }
0x1cc: {  	[tilespmem:s15+$0xFFFFFF50] =	vst v3;
	v3 =	vpsel p2, v0, v1;
	p2 =	seq.s32 s21, $0x0;
	s21 =	spop (v2sf)  }
0x1cd: {  	[tilespmem:s15+$0xFFFFFF60] =	vst v3;
	v3 =	vpsel p2, v0, v1;
	p2 =	seq.s32 s21, $0x0;
	s21 =	spop (v2sf)  }
0x1ce: {  	[tilespmem:s15+$0xFFFFFF70] =	vst v3;
	v3 =	vpsel p2, v0, v1;
	p2 =	seq.s32 s21, $0x0;
	s21 =	spop (v2sf)  }
0x1cf: {  	[tilespmem:s15+$0xFFFFFF80] =	vst v3;
	v3 =	vpsel p2, v0, v1;
	p2 =	seq.s32 s21, $0x0;
	s21 =	spop (v2sf)  }
0x1d0: {  	[tilespmem:s15+$0xFFFFFF90] =	vst v3;
	v3 =	vpsel p2, v0, v1;
	p2 =	seq.s32 s21, $0x0;
	s21 =	spop (v2sf)  }
0x1d1: {  	[tilespmem:s15+$0xFFFFFFA0] =	vst v3;
	v3 =	vpsel p2, v0, v1;
	p2 =	seq.s32 s21, $0x0;
	s21 =	spop (v2sf)  }
0x1d2: {  	[tilespmem:s15+$0xFFFFFFB0] =	vst v3;
	v3 =	vpsel p2, v0, v1;
	p2 =	seq.s32 s21, $0x0;
	s21 =	spop (v2sf)  }
.Ltmp3:
0x1d3: {  	[tilespmem:s15+$0xFFFFFFC0] =	vst v3;
	v3 =	vpsel p2, v0, v1;
	p2 =	seq.s32 s21, $0x0;
	s21 =	spop (v2sf);
	(pc) =	sbr.rel @p1 .LBB2_9-.Ltmp3, $4  }
0x1d4: {  	[tilespmem:s15+$0xFFFFFFD0] =	vst v3;
	v3 =	vpsel p2, v0, v1;
	p2 =	seq.s32 s21, $0x0;
	s21 =	spop (v2sf)  }
0x1d5: {  	[tilespmem:s15+$0xFFFFFFE0] =	vst v3;
	v3 =	vpsel p2, v0, v1;
	p2 =	seq.s32 s21, $0x0  }
0x1d6: {  	[tilespmem:s15+$0xFFFFFFF0] =	vst v3;
	v3 =	vpsel p2, v0, v1  }
0x1d7: {  	s21 =	sshra.s32 s16, $0x2;
	s16 =	sadd.s32 $0x40, s16;
	[tilespmem:s15+$0x0] =	vst v3  }
0x1d8: {  	_ =	sdelay $0x3  }
0x1d9: {  	v2 =	vld.idx.msk [tilespmem:v2+s21+$0x0 ss:$0x1], $0xffff;
	_ =	sdelay $0x4  }
0x1da: {  	(v2sf) =	vpush v2, $0x0  }
0x1db: {  	(v2sf) =	vpush v2, $0x1  }
0x1dc: {  	(v2sf) =	vpush v2, $0x2  }
0x1dd: {  	(v2sf) =	vpush v2, $0x3  }
0x1de: {  	(v2sf) =	vpush v2, $0x4  }
0x1df: {  	(v2sf) =	vpush v2, $0x5  }
0x1e0: {  	(v2sf) =	vpush v2, $0x6  }
0x1e1: {  	(v2sf) =	vpush v2, $0x7  }
0x1e2: {  	(v2sf) =	vpush v2, $0x8  }
0x1e3: {  	(v2sf) =	vpush v2, $0x9  }
0x1e4: {  	(v2sf) =	vpush v2, $0xA  }
0x1e5: {  	(v2sf) =	vpush v2, $0xB  }
0x1e6: {  	(v2sf) =	vpush v2, $0xC  }
0x1e7: {  	(v2sf) =	vpush v2, $0xD  }
0x1e8: {  	(v2sf) =	vpush v2, $0xE  }
0x1e9: {  	s16 =	spop (v2sf);
	(v2sf) =	vpush v2, $0xF  }
0x1ea: {  	p1 =	seq.s32 s16, $0x0;
	s26 =	spop (v2sf)  }
0x1eb: {  	s15 =	sadd.s32 $0x100, s15;
	v2 =	vpsel p1, v0, v1;
	p3 =	seq.s32 s26, $0x0;
	s21 =	spop (v2sf)  }
0x1ec: {  	[tilespmem:s15+$0xFFFFFF10] =	vst v2;
	v2 =	vpsel p3, v0, v1;
	p4 =	seq.s32 s21, $0x0;
	s26 =	spop (v2sf)  }
0x1ed: {  	[tilespmem:s15+$0xFFFFFF20] =	vst v2;
	v2 =	vpsel p4, v0, v1;
	p5 =	seq.s32 s26, $0x0;
	s21 =	spop (v2sf)  }
0x1ee: {  	[tilespmem:s15+$0xFFFFFF30] =	vst v2;
	v2 =	vpsel p5, v0, v1;
	p6 =	seq.s32 s21, $0x0;
	s26 =	spop (v2sf)  }
0x1ef: {  	[tilespmem:s15+$0xFFFFFF40] =	vst v2;
	v2 =	vpsel p6, v0, v1;
	p2 =	seq.s32 s26, $0x0;
	s21 =	spop (v2sf)  }
0x1f0: {  	[tilespmem:s15+$0xFFFFFF50] =	vst v2;
	v2 =	vpsel p2, v0, v1;
	p3 =	seq.s32 s21, $0x0;
	s26 =	spop (v2sf)  }
0x1f1: {  	[tilespmem:s15+$0xFFFFFF60] =	vst v2;
	v2 =	vpsel p3, v0, v1;
	p4 =	seq.s32 s26, $0x0;
	s21 =	spop (v2sf)  }
0x1f2: {  	[tilespmem:s15+$0xFFFFFF70] =	vst v2;
	v2 =	vpsel p4, v0, v1;
	p5 =	seq.s32 s21, $0x0;
	s26 =	spop (v2sf)  }
0x1f3: {  	[tilespmem:s15+$0xFFFFFF80] =	vst v2;
	v2 =	vpsel p5, v0, v1;
	p6 =	seq.s32 s26, $0x0;
	s21 =	spop (v2sf)  }
0x1f4: {  	[tilespmem:s15+$0xFFFFFF90] =	vst v2;
	v2 =	vpsel p6, v0, v1;
	p2 =	seq.s32 s21, $0x0;
	s26 =	spop (v2sf)  }
0x1f5: {  	[tilespmem:s15+$0xFFFFFFA0] =	vst v2;
	v2 =	vpsel p2, v0, v1;
	p3 =	seq.s32 s26, $0x0;
	s21 =	spop (v2sf)  }
0x1f6: {  	[tilespmem:s15+$0xFFFFFFB0] =	vst v2;
	v2 =	vpsel p3, v0, v1;
	p4 =	seq.s32 s21, $0x0;
	s26 =	spop (v2sf)  }
0x1f7: {  	[tilespmem:s15+$0xFFFFFFC0] =	vst v2;
	v2 =	vpsel p4, v0, v1;
	p5 =	seq.s32 s26, $0x0;
	s21 =	spop (v2sf)  }
0x1f8: {  	[tilespmem:s15+$0xFFFFFFD0] =	vst v2;
	v2 =	vpsel p5, v0, v1;
	p6 =	seq.s32 s21, $0x0;
	s26 =	spop (v2sf)  }
0x1f9: {  	[tilespmem:s15+$0xFFFFFFE0] =	vst v2;
	v2 =	vpsel p6, v0, v1;
	p2 =	seq.s32 s26, $0x0  }
0x1fa: {  	[tilespmem:s15+$0xFFFFFFF0] =	vst v2;
	v0 =	vpsel p2, v0, v1  }
0x1fb: {  	s16 =	sadd.s32 s3, s31;
	[tilespmem:s15+$0x0] =	vst v0  }
0x1fc: {  	s15 =	smul.u32 $0xA, s16;
	_ =	swait.ge [sflag:s30], $0x2000  }
0x1fd: {  	[sflag:s30] =	ssyncset.done $0x0  }
0x1fe: {  	s26 =	simm.s32 $0x9220;
	s21 =	sadd.s32 s2, s15;
	[sflag:s30] =	ssyncadd.s32 $0xFFFFE000  }
0x1ff: {  	[hbm4b:s21+s18] =	stream.strided.scatter [tilespmem:s26], [sflag:$0x9], $0x2000, s19, s18, $0x38;
	[tilespmem:$0xFA20] =	vst v63  }
0x200: {  	s31 =	simm.s32 $0xEA20;
	s15 =	sadd.s32 s15, s9  }
0x201: {  	[hbm4b:s15+s11] =	stream.strided.scatter [tilespmem:s31], [sflag:$0xE], $0x800, s19, s11, $0x38;
	[tilespmem:$0xFA20] =	vst v63  }
0x202: {  	_ =	swait.ge [sflag:s1], $0x2000  }
0x203: {  	[sflag:s1] =	ssyncset.done $0x0  }
0x204: {  	[sflag:s1] =	ssyncadd.s32 $0xFFFFE000  }
0x205: {  	v2 =	vmov s20;
	_ =	swait.ge [sflag:s0], $0x800  }
0x206: {  	s14 =	sadd.s32 @!p0 $0x300, s14;
	[sflag:s0] =	ssyncset.done $0x0  }
0x207: {  	s16 =	simm.s32 @!p0 $0x5220;
	s15 =	simm.s32 @!p0 $0x80;
	[sflag:s0] =	ssyncadd.s32 $0xFFFFF800  }
0x208: {  	[tilespmem:s16], [sflag:$0x2] =	stream.indirect.gather @!p0 [hbm4b:s5+s15], $0x40, s14, s15, $0xb8;
	[tilespmem:$0xFA20] =	vst v63  }
0x209: {  	s15 =	simm.s32 $0x0  }
0x20a: {  	v3 =	vld.idx.msk [tilespmem:v2+s15+$0x0 ss:$0x1], $0xffff;
	_ =	sdelay $0x4  }
0x20b: {  	(v2sf) =	vpush v3, $0x0  }
0x20c: {  	(v2sf) =	vpush v3, $0x1  }
0x20d: {  	(v2sf) =	vpush v3, $0x2  }
0x20e: {  	(v2sf) =	vpush v3, $0x3  }
0x20f: {  	(v2sf) =	vpush v3, $0x4  }
0x210: {  	(v2sf) =	vpush v3, $0x5  }
0x211: {  	(v2sf) =	vpush v3, $0x6  }
0x212: {  	(v2sf) =	vpush v3, $0x7  }
0x213: {  	(v2sf) =	vpush v3, $0x8  }
0x214: {  	(v2sf) =	vpush v3, $0x9  }
0x215: {  	(v2sf) =	vpush v3, $0xA  }
0x216: {  	v0 =	vld [tilespmem:$0x3200];
	(v2sf) =	vpush v3, $0xB  }
0x217: {  	v1 =	vld [tilespmem:$0x3210];
	(v2sf) =	vpush v3, $0xC  }
0x218: {  	(v2sf) =	vpush v3, $0xD  }
0x219: {  	(v2sf) =	vpush v3, $0xE  }
0x21a: {  	s16 =	spop (v2sf);
	(v2sf) =	vpush v3, $0xF  }
0x21b: {  	p3 =	seq.s32 s16, $0x0;
	s21 =	spop (v2sf)  }
0x21c: {  	s14 =	simm.s32 $0xF310;
	v3 =	vpsel p3, v0, v1;
	p4 =	seq.s32 s21, $0x0;
	s26 =	spop (v2sf)  }
0x21d: {  	[tilespmem:s14+$0xFFFFFF10] =	vst v3;
	v3 =	vpsel p4, v0, v1;
	p5 =	seq.s32 s26, $0x0;
	s31 =	spop (v2sf)  }
0x21e: {  	[tilespmem:s14+$0xFFFFFF20] =	vst v3;
	v3 =	vpsel p5, v0, v1;
	p6 =	seq.s32 s31, $0x0;
	s16 =	spop (v2sf)  }
0x21f: {  	[tilespmem:s14+$0xFFFFFF30] =	vst v3;
	v3 =	vpsel p6, v0, v1;
	p1 =	seq.s32 s16, $0x0;
	s21 =	spop (v2sf)  }
0x220: {  	[tilespmem:s14+$0xFFFFFF40] =	vst v3;
	v3 =	vpsel p1, v0, v1;
	p2 =	seq.s32 s21, $0x0;
	s26 =	spop (v2sf)  }
0x221: {  	[tilespmem:s14+$0xFFFFFF50] =	vst v3;
	v3 =	vpsel p2, v0, v1;
	p3 =	seq.s32 s26, $0x0;
	s31 =	spop (v2sf)  }
0x222: {  	[tilespmem:s14+$0xFFFFFF60] =	vst v3;
	v3 =	vpsel p3, v0, v1;
	p4 =	seq.s32 s31, $0x0;
	s16 =	spop (v2sf)  }
0x223: {  	[tilespmem:s14+$0xFFFFFF70] =	vst v3;
	v3 =	vpsel p4, v0, v1;
	p5 =	seq.s32 s16, $0x0;
	s21 =	spop (v2sf)  }
0x224: {  	[tilespmem:s14+$0xFFFFFF80] =	vst v3;
	v3 =	vpsel p5, v0, v1;
	p6 =	seq.s32 s21, $0x0;
	s26 =	spop (v2sf)  }
0x225: {  	[tilespmem:s14+$0xFFFFFF90] =	vst v3;
	v3 =	vpsel p6, v0, v1;
	p1 =	seq.s32 s26, $0x0;
	s31 =	spop (v2sf)  }
0x226: {  	[tilespmem:s14+$0xFFFFFFA0] =	vst v3;
	v3 =	vpsel p1, v0, v1;
	p2 =	seq.s32 s31, $0x0;
	s16 =	spop (v2sf)  }
0x227: {  	[tilespmem:s14+$0xFFFFFFB0] =	vst v3;
	v3 =	vpsel p2, v0, v1;
	p3 =	seq.s32 s16, $0x0;
	s21 =	spop (v2sf)  }
0x228: {  	[tilespmem:s14+$0xFFFFFFC0] =	vst v3;
	v3 =	vpsel p3, v0, v1;
	p4 =	seq.s32 s21, $0x0;
	s26 =	spop (v2sf)  }
0x229: {  	[tilespmem:s14+$0xFFFFFFD0] =	vst v3;
	v3 =	vpsel p4, v0, v1;
	p5 =	seq.s32 s26, $0x0;
	s31 =	spop (v2sf)  }
0x22a: {  	[tilespmem:s14+$0xFFFFFFE0] =	vst v3;
	v3 =	vpsel p5, v0, v1;
	p6 =	seq.s32 s31, $0x0  }
0x22b: {  	[tilespmem:s14+$0xFFFFFFF0] =	vst v3;
	v3 =	vpsel p6, v0, v1  }
0x22c: {  	s15 =	simm.s32 $0x80;
	s16 =	simm.s32 $0x10;
	[tilespmem:s14+$0x0] =	vst v3  }
.LBB2_11:
0x22d: {  	p0 =	sne.s32 s15, $0x1C0;
	v3 =	vld.idx.msk [tilespmem:v2+s16+$0x0 ss:$0x1], $0xffff;
	_ =	sdelay $0x5  }
0x22e: {  	(v2sf) =	vpush v3, $0x0  }
0x22f: {  	(v2sf) =	vpush v3, $0x1  }
0x230: {  	(v2sf) =	vpush v3, $0x2  }
0x231: {  	(v2sf) =	vpush v3, $0x3  }
0x232: {  	(v2sf) =	vpush v3, $0x4  }
0x233: {  	(v2sf) =	vpush v3, $0x5  }
0x234: {  	(v2sf) =	vpush v3, $0x6  }
0x235: {  	(v2sf) =	vpush v3, $0x7  }
0x236: {  	(v2sf) =	vpush v3, $0x8  }
0x237: {  	(v2sf) =	vpush v3, $0x9  }
0x238: {  	(v2sf) =	vpush v3, $0xA  }
0x239: {  	(v2sf) =	vpush v3, $0xB  }
0x23a: {  	(v2sf) =	vpush v3, $0xC  }
0x23b: {  	(v2sf) =	vpush v3, $0xD  }
0x23c: {  	(v2sf) =	vpush v3, $0xE  }
0x23d: {  	s16 =	spop (v2sf);
	(v2sf) =	vpush v3, $0xF  }
0x23e: {  	p1 =	seq.s32 s16, $0x0;
	s16 =	spop (v2sf)  }
0x23f: {  	s14 =	sadd.s32 $0x100, s14;
	v3 =	vpsel p1, v0, v1;
	p1 =	seq.s32 s16, $0x0;
	s16 =	spop (v2sf)  }
0x240: {  	[tilespmem:s14+$0xFFFFFF10] =	vst v3;
	v3 =	vpsel p1, v0, v1;
	p1 =	seq.s32 s16, $0x0;
	s16 =	spop (v2sf)  }
0x241: {  	[tilespmem:s14+$0xFFFFFF20] =	vst v3;
	v3 =	vpsel p1, v0, v1;
	p1 =	seq.s32 s16, $0x0;
	s16 =	spop (v2sf)  }
0x242: {  	[tilespmem:s14+$0xFFFFFF30] =	vst v3;
	v3 =	vpsel p1, v0, v1;
	p1 =	seq.s32 s16, $0x0;
	s16 =	spop (v2sf)  }
0x243: {  	[tilespmem:s14+$0xFFFFFF40] =	vst v3;
	v3 =	vpsel p1, v0, v1;
	p1 =	seq.s32 s16, $0x0;
	s16 =	spop (v2sf)  }
0x244: {  	[tilespmem:s14+$0xFFFFFF50] =	vst v3;
	v3 =	vpsel p1, v0, v1;
	p1 =	seq.s32 s16, $0x0;
	s16 =	spop (v2sf)  }
0x245: {  	[tilespmem:s14+$0xFFFFFF60] =	vst v3;
	v3 =	vpsel p1, v0, v1;
	p1 =	seq.s32 s16, $0x0;
	s16 =	spop (v2sf)  }
0x246: {  	[tilespmem:s14+$0xFFFFFF70] =	vst v3;
	v3 =	vpsel p1, v0, v1;
	p1 =	seq.s32 s16, $0x0;
	s16 =	spop (v2sf)  }
0x247: {  	[tilespmem:s14+$0xFFFFFF80] =	vst v3;
	v3 =	vpsel p1, v0, v1;
	p1 =	seq.s32 s16, $0x0;
	s16 =	spop (v2sf)  }
0x248: {  	[tilespmem:s14+$0xFFFFFF90] =	vst v3;
	v3 =	vpsel p1, v0, v1;
	p1 =	seq.s32 s16, $0x0;
	s16 =	spop (v2sf)  }
0x249: {  	[tilespmem:s14+$0xFFFFFFA0] =	vst v3;
	v3 =	vpsel p1, v0, v1;
	p1 =	seq.s32 s16, $0x0;
	s16 =	spop (v2sf)  }
0x24a: {  	[tilespmem:s14+$0xFFFFFFB0] =	vst v3;
	v3 =	vpsel p1, v0, v1;
	p1 =	seq.s32 s16, $0x0;
	s16 =	spop (v2sf)  }
.Ltmp4:
0x24b: {  	[tilespmem:s14+$0xFFFFFFC0] =	vst v3;
	v3 =	vpsel p1, v0, v1;
	p1 =	seq.s32 s16, $0x0;
	s16 =	spop (v2sf);
	(pc) =	sbr.rel @p0 .LBB2_11-.Ltmp4, $4  }
0x24c: {  	[tilespmem:s14+$0xFFFFFFD0] =	vst v3;
	v3 =	vpsel p1, v0, v1;
	p1 =	seq.s32 s16, $0x0;
	s16 =	spop (v2sf)  }
0x24d: {  	[tilespmem:s14+$0xFFFFFFE0] =	vst v3;
	v3 =	vpsel p1, v0, v1;
	p1 =	seq.s32 s16, $0x0  }
0x24e: {  	[tilespmem:s14+$0xFFFFFFF0] =	vst v3;
	v3 =	vpsel p1, v0, v1  }
0x24f: {  	s16 =	sshra.s32 s15, $0x2;
	s15 =	sadd.s32 $0x40, s15;
	[tilespmem:s14+$0x0] =	vst v3  }
0x250: {  	_ =	sdelay $0x3  }
0x251: {  	v2 =	vld.idx.msk [tilespmem:v2+s16+$0x0 ss:$0x1], $0xffff;
	_ =	sdelay $0x4  }
0x252: {  	(v2sf) =	vpush v2, $0x0  }
0x253: {  	(v2sf) =	vpush v2, $0x1  }
0x254: {  	(v2sf) =	vpush v2, $0x2  }
0x255: {  	(v2sf) =	vpush v2, $0x3  }
0x256: {  	(v2sf) =	vpush v2, $0x4  }
0x257: {  	(v2sf) =	vpush v2, $0x5  }
0x258: {  	(v2sf) =	vpush v2, $0x6  }
0x259: {  	(v2sf) =	vpush v2, $0x7  }
0x25a: {  	(v2sf) =	vpush v2, $0x8  }
0x25b: {  	(v2sf) =	vpush v2, $0x9  }
0x25c: {  	(v2sf) =	vpush v2, $0xA  }
0x25d: {  	(v2sf) =	vpush v2, $0xB  }
0x25e: {  	(v2sf) =	vpush v2, $0xC  }
0x25f: {  	(v2sf) =	vpush v2, $0xD  }
0x260: {  	(v2sf) =	vpush v2, $0xE  }
0x261: {  	s15 =	spop (v2sf);
	(v2sf) =	vpush v2, $0xF  }
0x262: {  	p0 =	seq.s32 s15, $0x0;
	s26 =	spop (v2sf)  }
0x263: {  	s14 =	sadd.s32 $0x100, s14;
	v48 =	vpsel p0, v0, v1;
	p4 =	seq.s32 s26, $0x0;
	s31 =	spop (v2sf)  }
0x264: {  	[tilespmem:s14+$0xFFFFFF10] =	vst v48;
	v49 =	vpsel p4, v0, v1;
	p5 =	seq.s32 s31, $0x0;
	s16 =	spop (v2sf)  }
0x265: {  	[tilespmem:s14+$0xFFFFFF20] =	vst v49;
	v50 =	vpsel p5, v0, v1;
	p6 =	seq.s32 s16, $0x0;
	s21 =	spop (v2sf)  }
0x266: {  	[tilespmem:s14+$0xFFFFFF30] =	vst v50;
	v51 =	vpsel p6, v0, v1;
	p1 =	seq.s32 s21, $0x0;
	s26 =	spop (v2sf)  }
0x267: {  	[tilespmem:s14+$0xFFFFFF40] =	vst v51;
	v52 =	vpsel p1, v0, v1;
	p2 =	seq.s32 s26, $0x0;
	s31 =	spop (v2sf)  }
0x268: {  	[tilespmem:s14+$0xFFFFFF50] =	vst v52;
	v53 =	vpsel p2, v0, v1;
	p3 =	seq.s32 s31, $0x0;
	s16 =	spop (v2sf)  }
0x269: {  	[tilespmem:s14+$0xFFFFFF60] =	vst v53;
	v54 =	vpsel p3, v0, v1;
	p4 =	seq.s32 s16, $0x0;
	s21 =	spop (v2sf)  }
0x26a: {  	[tilespmem:s14+$0xFFFFFF70] =	vst v54;
	v55 =	vpsel p4, v0, v1;
	p5 =	seq.s32 s21, $0x0;
	s26 =	spop (v2sf)  }
0x26b: {  	[tilespmem:s14+$0xFFFFFF80] =	vst v55;
	v56 =	vpsel p5, v0, v1;
	p6 =	seq.s32 s26, $0x0;
	s31 =	spop (v2sf)  }
0x26c: {  	[tilespmem:s14+$0xFFFFFF90] =	vst v56;
	v57 =	vpsel p6, v0, v1;
	p1 =	seq.s32 s31, $0x0;
	s16 =	spop (v2sf)  }
0x26d: {  	[tilespmem:s14+$0xFFFFFFA0] =	vst v57;
	v58 =	vpsel p1, v0, v1;
	p2 =	seq.s32 s16, $0x0;
	s21 =	spop (v2sf)  }
0x26e: {  	[tilespmem:s14+$0xFFFFFFB0] =	vst v58;
	v59 =	vpsel p2, v0, v1;
	p3 =	seq.s32 s21, $0x0;
	s26 =	spop (v2sf)  }
0x26f: {  	[tilespmem:s14+$0xFFFFFFC0] =	vst v59;
	v60 =	vpsel p3, v0, v1;
	p4 =	seq.s32 s26, $0x0;
	s31 =	spop (v2sf)  }
0x270: {  	[tilespmem:s14+$0xFFFFFFD0] =	vst v60;
	v61 =	vpsel p4, v0, v1;
	p5 =	seq.s32 s31, $0x0;
	s16 =	spop (v2sf)  }
0x271: {  	[tilespmem:s14+$0xFFFFFFE0] =	vst v61;
	v62 =	vpsel p5, v0, v1;
	p6 =	seq.s32 s16, $0x0  }
0x272: {  	s6 =	sadd.s32 s3, s6;
	s23 =	sadd.s32 $0x1, s23;
	[tilespmem:s14+$0xFFFFFFF0] =	vst v62;
	v63 =	vpsel p6, v0, v1  }
0x273: {  	s8 =	sadd.s32 $0x280, s8;
	s10 =	sadd.s32 $0x280, s10;
	s4 =	sadd.s32 $0x280, s4;
	[tilespmem:s14+$0x0] =	vst v63  }
0x274: {  	s6 =	smul.u32 $0xA, s6;
	p0 =	sne.s32 s23, $0xA;
	_ =	swait.ge [sflag:s12], $0x2000  }
.Ltmp5:
0x275: {  	s7 =	sadd.s32 $0x280, s7;
	[sflag:s12] =	ssyncset.done $0x0;
	(pc) =	sbr.rel @p0 .LBB2_2-.Ltmp5, $4  }
0x276: {  	s21 =	sadd.s32 s2, s6;
	s26 =	simm.s32 $0xB220;
	[sflag:s12] =	ssyncadd.s32 $0xFFFFE000  }
0x277: {  	[hbm4b:s21+s18] =	stream.strided.scatter [tilespmem:s26], [sflag:$0xA], $0x2000, s19, s18, $0x38;
	[tilespmem:$0xFA20] =	vst v63  }
0x278: {  	s20 =	sadd.s32 $0x280, s20;
	s6 =	sadd.s32 s6, s9;
	s31 =	simm.s32 $0xF220  }
0x279: {  	[hbm4b:s6+s11] =	stream.strided.scatter [tilespmem:s31], [sflag:$0xF], $0x800, s19, s11, $0x38;
	[tilespmem:$0xFA20] =	vst v63  }
0x27a: {  	s4 =	simm.s32 $0x8  }
0x27b: {  	_ =	swait.ge [sflag:s4], $0x2000  }
0x27c: {  	[sflag:s4] =	ssyncset.done $0x0  }
0x27d: {  	s20 =	simm.s32 $0xD;
	[sflag:s4] =	ssyncadd.s32 $0xFFFFE000  }
0x27e: {  	_ =	swait.ge [sflag:s20], $0x800  }
0x27f: {  	[sflag:s20] =	ssyncset.done $0x0  }
0x280: {  	s21 =	simm.s32 $0x9;
	[sflag:s20] =	ssyncadd.s32 $0xFFFFF800  }
0x281: {  	_ =	swait.ge [sflag:s21], $0x2000  }
0x282: {  	[sflag:s21] =	ssyncset.done $0x0  }
0x283: {  	s23 =	simm.s32 $0xE;
	[sflag:s21] =	ssyncadd.s32 $0xFFFFE000  }
0x284: {  	_ =	swait.ge [sflag:s23], $0x800  }
0x285: {  	[sflag:s23] =	ssyncset.done $0x0  }
0x286: {  	s26 =	simm.s32 $0xA;
	[sflag:s23] =	ssyncadd.s32 $0xFFFFF800  }
0x287: {  	_ =	swait.ge [sflag:s26], $0x2000  }
0x288: {  	[sflag:s26] =	ssyncset.done $0x0  }
0x289: {  	s6 =	simm.s32 $0xF;
	[sflag:s26] =	ssyncadd.s32 $0xFFFFE000  }
0x28a: {  	_ =	swait.ge [sflag:s6], $0x800  }
0x28b: {  	s7 =	rddreg [dreg:$0x7]  }
0x28c: {  	s31 =	rddreg [dreg:$0x6];
	s7 =	sadd.s32 $0x1, s7  }
0x28d: {  	p0 =	sne.s32 s7, s31  }
.Ltmp6:
0x28e: {  	_ = 	snop;
	(pc) =	sbr.rel @p0 .LBB2_1-.Ltmp6, $3  }
0x28f: {  	_ =	sdelay $0x1  }
0x290: {  	[sflag:s6] =	ssyncset.done $0x0  }
0x291: {  	[sflag:s6] =	ssyncadd.s32 $0xFFFFF800  }
0x292: {  	_ =	sfence.sel $0x180000  }
0x293: {  	[bflag:$0x0] =	sbarrier.arrive $0xFFFF  }
0x294: {  	_ =	strace $0x90000047  }
0x295: {  	s0 =	stileid.u32;
	[bflag:$0x2] =	sbarrier.arrive $0xFFFF  }
0x296: {  	p0 =	sne.s32 s0, $0x0;
	s0 =	rddreg [dreg:$0x2]  }
0x297: {  	s0 =	sadd.s32 @!p0 $0x100000, s0  }
0x298: {  	[sflag:s0] =	ssyncadd.tile.s32 @!p0 $0x1;
	_ =	shalt  }
.Lfunc_end2:
_tile_overlayer_lowered:
.L_overlay_start_2:
0x299: {  	(tag) =	ssettag $0x2  }
0x29a: {  	s0 =	rddreg [dreg:$0x0];
	s2 =	stileid.u32  }
0x29b: {  	s1 =	rddreg [dreg:$0x1];
	p0 =	sne.s32 s2, $0x0  }
0x29c: {  	s3 =	rddreg [dreg:$0x2];
	[bflag:$0x3] =	sbarrier.arrive $0xFFFF;
	s2 =	simm.s32 @!p0 $0x1C10  }
0x29d: {  	[timem:s3], [sflag:s2] =	dma.local @!p0 [hbm:s0], s1  }
0x29e: {  	s0 =	simm.s32 @!p0 $0x10  }
0x29f: {  	_ =	swait.ge @!p0 [sflag:s0], s1  }
0x2a0: {  	s1 =	ssub.s32 @!p0 $0x0, s1;
	[sflag:s0] =	ssyncset.done @!p0 $0x0  }
0x2a1: {  	[sflag:s0] =	ssyncadd.s32 @!p0 s1  }
0x2a2: {  	[bflag:$0x3] =	sbarrier.arrive $0xFFFF  }
0x2a3: {  	_ =	shalt  }

// kernel: sparse-core-data-format-call.cloned.1.call-start
scs
called_computation_lowered:
.L_overlay_start_0:
0x0: {  	s2 =	sld [smem:$0x3FD9]  }
0x1: {  	s3 =	sld [smem:$0x3FFE];
	_ =	sdelay $0x1  }
0x2: {  	s1 =	srdreg.scid  }
0x3: {  	s0 =	sand.u32 $0x1, s1  }
0x4: {  	s18 =	sshll.u32 s0, $0xA;
	s2 =	sadd.s32 s3, s2  }
0x5: {  	s2 =	sadd.s32 s2, s18  }
0x6: {  	[smem:$0x3FC4] =	sst s2  }
0x7: {  	_ = 	snop  }
0x8: {  	s2 =	sld [smem:$0x3FD0];
	(tm) =	ssettm $0x1  }
0x9: {  	s19 =	sld [smem:$0x3FFB];
	_ =	sdelay $0x3  }
0xa: {  	_ =	strace s19  }
0xb: {  	s3 =	sld [smem:$0x3FFC];
	_ =	sdelay $0x3  }
0xc: {  	_ =	strace s3  }
0xd: {  	s3 =	sld [smem:$0x3FFD];
	_ =	sdelay $0x3  }
0xe: {  	_ =	strace s3  }
0xf: {  	_ =	strace $0x8FFFFFFF  }
0x10: {  	s20 =	sld [smem:$0x3FDB];
	_ =	sdelay $0x1  }
0x11: {  	s4 =	simm.s32 $_scs_section_size  }
0x12: {  	s5 =	simm.s32 $_size__tile_overlayer_lowered;
	s6 =	simm.s32 $_tile_overlayer_lowered  }
0x13: {  	s23 =	simm.s32 $0x1BFF;
	s22 =	sshll.u32 s6, $0x1;
	s3 =	sadd.s32 s4, s20  }
0x14: {  	s7 =	simm.s32 $0x0;
	s21 =	sshll.u32 s5, $0x1;
	s5 =	sadd.s32 s22, s3  }
0x15: {  	[timem:s7], [sflag:s23] =	dma.local [hbm:s5], s21  }
0x16: {  	_ =	swait.ge [sflag:s23], s21  }
0x17: {  	s4 =	ssub.s32 $0x0, s21;
	[sflag:s23] =	ssyncset.done $0x0  }
0x18: {  	[sflag:s23] =	ssyncadd.s32 s4;
	_ =	sdelay $0x1  }
0x19: {  	s24 =	simm.s32 $0x1B8B  }
0x1a: {  	_ =	swait.ge [sflag:s24], $0x1  }
0x1b: {  	[sflag:s24] =	ssyncset.done $0x0  }
0x1c: {  	s26 =	simm.s32 $0x1B8E;
	s25 =	sld [smem:$0x3FFE];
	[sflag:s24] =	ssyncadd.s32 $0xFFFFFFFF  }
0x1d: {  	s27 =	simm.s32 $execute0_lowered;
	[smem:$0x3FD2] =	sst s26  }
0x1e: {  	s5 =	sshll.u32 s27, $0x1;
	_ =	strace $0x80000049;
	[dreg:$0x1] =	wrdreg $0xFFFFFFFF  }
0x1f: {  	s28 =	simm.s32 $_size_execute0_lowered;
	s3 =	sadd.s32 s3, s5;
	[dreg:$0x0] =	wrdreg $0x0  }
0x20: {  	s5 =	sshll.u32 s28, $0x1;
	[dreg:$0x2] =	wrdreg s3  }
0x21: {  	[dreg:$0x3] =	wrdreg s5  }
0x22: {  	[dreg:$0x4] =	wrdreg $0xC0  }
0x23: {  	_ =	task [dreg:s7], $0x5FFFF  }
0x24: {  	[dreg:$0x1] =	wrdreg $0xFFFFFFFF  }
0x25: {  	[dreg:$0x0] =	wrdreg $0x60  }
0x26: {  	[dreg:$0x2] =	wrdreg s25  }
0x27: {  	[dreg:$0x3] =	wrdreg s2  }
0x28: {  	[dreg:$0x4] =	wrdreg $0x9  }
0x29: {  	_ =	task.clear_ibuf [dreg:s7], $0x5FFFF;
	_ =	strace $0x90000049  }
0x2a: {  	s29 =	simm.s32 $0x9;
	_ =	strace $0x8000004B  }
0x2b: {  	_ =	swait.ge [sflag:s29], $0x1  }
0x2c: {  	[sflag:s29] =	ssyncadd.s32 $0xFFFFFFFF  }
0x2d: {  	_ =	strace $0x9000004B  }
0x2e: {  	_ =	sfence  }
0x2f: {  	s30 =	sld [smem:$0x0];
	_ =	sdelay $0x2  }
0x30: {  	s31 =	sshll.u32 s1, $0xD;
	s1 =	sshrl.u32 s1, $0x2  }
0x31: {  	s3 =	sand.u32 $0x4000, s31;
	s1 =	sadd.s32 s1, s30  }
0x32: {  	s0 =	sor.u32 s3, s0;
	s1 =	sshll.u32 s1, $0x11  }
0x33: {  	s0 =	sor.u32 s1, s0  }
0x34: {  	s0 =	sadd.s32 $0x8F2B, s0  }
0x35: {  	[sflag:s0] =	ssyncadd.remote.s32 $0x1  }
0x36: {  	_ =	sfence.sel $0xFFFF  }
0x37: {  	[dreg:$0x0] =	wrdreg $0xFFFFFFFF;
	(pc) =	sbr.abs _section_cstart, $3  }
0x38: {  	[dreg:$0x1] =	wrdreg $0xFFFFFFFF  }
0x39: {  	_ =	task.clear_ibuf [dreg:s7], $0x2FFFF;
	_ =	strace $0x9FFFFFFF  }
0x3a: {  	(tm) =	ssettm $0x7FFFFFFF  }
0x3b: {  	_ =	shalt  }
tec
execute0_lowered:
.L_overlay_start_1:
0x0: {  	(tag) =	ssettag $0x1  }
0x1: {  	s0 =	srdreg.scid  }
0x2: {  	s1 =	sshll.u32 s0, $0x4  }
0x3: {  	s6 =	rddreg [dreg:$0x0];
	s0 =	stileid.u32;
	s1 =	sand.u32 $0x10, s1  }
0x4: {  	s3 =	rddreg [dreg:$0x1];
	s1 =	sor.u32 s0, s1  }
0x5: {  	s5 =	simm.s32 $0x1;
	s31 =	simm.s32 $0x2;
	s2 =	sshll.u32 s1, $0x7  }
0x6: {  	s15 =	simm.s32 $0x0;
	s8 =	simm.s32 $0x8000;
	s4 =	ssub.s32 $0x1000, s2  }
0x7: {  	s14 =	simm.s32 $0x0;
	s9 =	simm.s32 $0x0;
	s30 =	sand.u32 $0xF80, s4  }
0x8: {  	s10 =	simm.s32 $0x0;
	s11 =	simm.s32 $0x0;
	p0 =	sne.s32 s30, $0x0  }
.Ltmp0:
0x9: {  	s7 =	sshrl.u32 s4, $0xC;
	s5 =	simm.s32 @!p0 $0x0;
	(pc) =	sbr.rel .LBB1_1-.Ltmp0, $4  }
0xa: {  	s13 =	simm.s32 $0x0;
	s1 =	rddreg [dreg:$0x2];
	s5 =	sadd.s32 s5, s7  }
0xb: {  	_ =	strace $0x8000004A;
	s4 =	simm.s32 $0x1;
	s5 =	smul.u32 $0x32, s5  }
0xc: {  	s6 =	sadd.s32 $0xE00, s6;
	s12 =	smov.u32 s2;
	[sflag:s4] =	ssyncpa.u1 $0x0  }
0xd: {  	[sflag:s31] =	ssyncpa.u1 $0x0;
	p0 =	por $0x0, $0x0;
	s7 =	sor.u32 $0x1, s5  }
.LBB1_4:
0xe: {  	s20 =	sshra.s32 s20, $0x2;
	s28 =	sshll.u32 s10, $0x3;
	p1 =	sgt.s32 s9, $0x31  }
0xf: {  	s21 =	smov.u32 s9;
	s23 =	sshra.s32 s9, $0x1F;
	s24 =	smov.u32 s10  }
0x10: {  	v5 =	vld [tilespmem:s17+$0xFFFFFFD0];
	[tilespmem:s18+$0x2040 ss:$0x81] =	vst.msk $0xffff, v4;
	s25 =	sshra.s32 s10, $0x1F;
	s26 =	sand.u32 $0x78, s10;
	s19 =	sadd.s32 s20, s19  }
0x11: {  	v58 =	vld [tilespmem:s17+$0xFFFFFFE0];
	[tilespmem:s18+$0x2850 ss:$0x81] =	vst.msk $0xffff, v3;
	s22 =	sshrl.u32 s28, $0xC;
	s21 =	simm.s32 @!p1 $0x31;
	s23 =	sand.u32 s23, s9  }
0x12: {  	v59 =	vld [tilespmem:s17+$0xFFFFFFF0];
	[tilespmem:s18+$0x3060 ss:$0x81] =	vst.msk $0xffff, v2;
	p1 =	sgt.s32 s10, $0xF80;
	s29 =	sand.u32 s25, s10;
	s20 =	sand.u32 $0xC00, s28  }
0x13: {  	v60 =	vld [tilespmem:s17+$0x0];
	[tilespmem:s18+$0x0 ss:$0x81] =	vst.msk $0xffff, v0;
	s28 =	smul.u32 $0xA000, s9;
	s21 =	ssub.s32 s21, s23;
	s24 =	simm.s32 @!p1 $0xF80  }
0x14: {  	v61 =	vld [tilespmem:s17+$0x10];
	s30 =	smulhi.u32 $0x3333334, s22;
	[tilespmem:s19+$0x3870 ss:$0x81] =	vst.msk $0xffff, v1;
	s20 =	sor.u32 s26, s20;
	s31 =	ssub.s32 $0x32, s21  }
0x15: {  	v62 =	vld [tilespmem:s17+$0x20];
	s23 =	ssub.s32 s24, s29;
	s21 =	sadd.s32 $0xFFFFFFCF, s21;
	s25 =	smul.u32 $0x50, s31;
	[tilespmem:s19+$0x810 ss:$0x81] =	vst.msk $0xffff, v5  }
0x16: {  	v63 =	vld [tilespmem:s17+$0xFFFFFFC0];
	s18 =	smul.u32 $0x50, s30;
	p1 =	sgt.s32 s21, $0x0;
	s27 =	sadd.s32 $0xFFFFF080, s23;
	[tilespmem:s19+$0x1020 ss:$0x81] =	vst.msk $0xffff, v58  }
0x17: {  	s17 =	ssub.s32 $0x1000, s23;
	[tilespmem:s19+$0x1830 ss:$0x81] =	vst.msk $0xffff, v59;
	s25 =	simm.s32 @p1 $0x0;
	p1 =	sgt.s32 s27, $0x7F  }
0x18: {  	s29 =	sand.u32 $0x7, s10;
	[tilespmem:s19+$0x2040 ss:$0x81] =	vst.msk $0xffff, v60;
	s18 =	ssub.s32 s22, s18;
	s17 =	simm.s32 @p1 $0x0  }
0x19: {  	s21 =	sadd.s32 s3, s28;
	[tilespmem:s19+$0x2850 ss:$0x81] =	vst.msk $0xffff, v61;
	s18 =	sshll.u32 s18, $0x9;
	s17 =	smul.u32 s17, s25  }
0x1a: {  	s20 =	sshrl.u32 s20, $0x3;
	s30 =	sshll.u32 s29, $0x12;
	[tilespmem:s19+$0x3060 ss:$0x81] =	vst.msk $0xffff, v62;
	s18 =	sadd.s32 s18, s21  }
0x1b: {  	[tilespmem:s19+$0x0 ss:$0x81] =	vst.msk $0xffff, v63;
	s31 =	sor.u32 $0x400, s30;
	s18 =	sadd.s32 s20, s18;
	s17 =	sand.u32 $0x3FFFFFF0, s17  }
0x1c: {  	[hbm4b:s18+s31] =	stream.strided.scatter [tilespmem:s16], [sflag:$0x2], s17, s8, s31, $0x20;
	[tilespmem:$0x10100] =	vst v63  }
.LBB1_5:
0x1d: {  	p1 =	slt.u32 s13, $0x2  }
0x1e: {  	s17 =	smov.u32 s15;
	p2 =	sgt.s32 @!p1 s15, $0x31;
	s16 =	sshra.s32 @!p1 s15, $0x1F  }
0x1f: {  	p3 =	sgt.s32 @!p1 s14, $0xF80;
	s18 =	sshra.s32 @!p1 s14, $0x1F;
	p2 =	por !p2, p1  }
0x20: {  	s15 =	sand.u32 @!p1 s16, s15;
	p3 =	por !p3, p1;
	s16 =	smov.u32 s14  }
0x21: {  	s14 =	sand.u32 @!p1 s18, s14;
	s17 =	simm.s32 @p2 $0x31;
	s16 =	simm.s32 @p3 $0xF80  }
0x22: {  	s18 =	smov.u32 s12;
	s15 =	ssub.s32 @!p1 s17, s15;
	s14 =	ssub.s32 @!p1 s16, s14  }
0x23: {  	s16 =	sadd.s32 @!p1 $0xFFFFFFCF, s15;
	s15 =	ssub.s32 @!p1 $0x32, s15;
	s17 =	sadd.s32 @!p1 $0xFFFFF080, s14  }
0x24: {  	p2 =	sgt.s32 @!p1 s16, $0x0;
	s15 =	smul.u32 @!p1 $0x50, s15;
	p3 =	sgt.s32 @!p1 s17, $0x7F  }
0x25: {  	s14 =	ssub.s32 @!p1 $0x1000, s14;
	p2 =	por !p2, p1;
	p3 =	por !p3, p1  }
0x26: {  	s16 =	sadd.s32 $0x1, s11;
	s15 =	simm.s32 @!p2 $0x0;
	s14 =	simm.s32 @!p3 $0x0  }
0x27: {  	p2 =	sgt.s32 s16, $0x31;
	s14 =	smul.u32 @!p1 s14, s15;
	s15 =	sadd.s32 $0x1000, s12  }
0x28: {  	s18 =	smov.u32 @p2 s15  }
0x29: {  	s16 =	simm.s32 @p2 $0x0;
	p2 =	sgt.s32 s18, $0xFFF  }
0x2a: {  	s18 =	smov.u32 @p2 s2;
	p2 =	sne.s32 s13, s7  }
.Ltmp1:
0x2b: {  	p0 =	por !p0, !p0;
	s17 =	simm.s32 @!p1 $0x2;
	(pc) =	sbr.rel @!p2 .LBB1_6-.Ltmp1, $4  }
0x2c: {  	s15 =	smov.u32 s9;
	s9 =	smov.u32 s11;
	s14 =	sand.u32 @!p1 $0x3FFFFFF0, s14  }
0x2d: {  	s11 =	smov.u32 s16;
	_ =	swait.ge @!p1 [sflag:s17], s14;
	s19 =	ssub.s32 @!p1 $0x0, s14  }
0x2e: {  	s14 =	smov.u32 s10;
	s13 =	sadd.s32 $0x1, s13;
	[sflag:s17] =	ssyncset.done @!p1 $0x0  }
0x2f: {  	s10 =	smov.u32 s12;
	s12 =	smov.u32 s18;
	[sflag:s17] =	ssyncadd.s32 @!p1 s19  }
.LBB1_1:
0x30: {  	p1 =	sge.u32 s13, s5  }
0x31: {  	s16 =	sand.u32 @!p1 $0x1FFFFFF, s11  }
0x32: {  	s17 =	smulhi.u32 @!p1 $0x4924925, s16;
	_ =	sdelay $0x1  }
0x33: {  	s17 =	smul.u32 @!p1 $0x38, s17  }
0x34: {  	s18 =	sxor.u32 @!p1 $0xFFFFFFFF, s13;
	s19 =	smul.u32 @!p1 $0x380, s12  }
0x35: {  	s31 =	sadd.s32 $0xFFFFFFFF, s13;
	s18 =	sshll.u32 @!p1 s18, $0xE;
	s16 =	ssub.s32 @!p1 s16, s17  }
0x36: {  	s17 =	sand.u32 @!p1 $0x4000, s18;
	s18 =	sadd.s32 @!p1 s6, s19;
	s16 =	sshll.u32 @!p1 s16, $0x4  }
0x37: {  	s19 =	simm.s32 @!p1 $0x1C00;
	s16 =	sadd.s32 @!p1 s16, s18;
	s18 =	simm.s32 @!p1 $0x80  }
0x38: {  	[tilespmem:s17], [sflag:$0x1] =	stream.strided.gather @!p1 [hbm4b:s16+s18], $0x4000, s19, s18, $0x38;
	[tilespmem:$0x10100] =	vst v63  }
0x39: {  	p1 =	sge.u32 s31, s5  }
.Ltmp2:
0x3a: {  	_ = 	snop;
	(pc) =	sbr.rel @p1 .LBB1_5-.Ltmp2, $1  }
0x3b: {  	_ =	sdelay $0x3  }
0x3c: {  	s16 =	simm.s32 $0x1  }
0x3d: {  	_ =	swait.ge [sflag:s4], $0x4000;
	s16 =	simm.s32 @!p0 $0x0  }
0x3e: {  	[sflag:s4] =	ssyncset.done $0x0;
	s17 =	sshll.u32 s16, $0xE  }
0x3f: {  	[sflag:s4] =	ssyncadd.s32 $0xFFFFC000;
	s17 =	sor.u32 $0x40, s17  }
0x40: {  	s16 =	smul.u32 $0x10200, s16;
	v0 =	vld [tilespmem:s17+$0x30]  }
0x41: {  	v1 =	vld [tilespmem:s17+$0xFFFFFFD0]  }
0x42: {  	s16 =	sshrl.u32 s16, $0x2;
	v5 =	vld [tilespmem:s17+$0xFFFFFFE0]  }
0x43: {  	v6 =	vld [tilespmem:s17+$0xFFFFFFF0];
	s19 =	sor.u32 $0x8000, s16  }
0x44: {  	s31 =	sand.u32 $0x1, s13;
	v4 =	vld [tilespmem:s17+$0x0];
	s18 =	sadd.s32 $0x0, s19  }
0x45: {  	v3 =	vld [tilespmem:s17+$0x10];
	s16 =	smul.u32 $0x10200, s31;
	[tilespmem:s18+$0x3870 ss:$0x81] =	vst.msk $0xffff, v0  }
0x46: {  	v2 =	vld [tilespmem:s17+$0x20];
	[tilespmem:s18+$0x810 ss:$0x81] =	vst.msk $0xffff, v1  }
0x47: {  	s16 =	sshrl.u32 s16, $0x2;
	v0 =	vld [tilespmem:s17+$0xFFFFFFC0];
	[tilespmem:s18+$0x1020 ss:$0x81] =	vst.msk $0xffff, v5;
	s17 =	sadd.s32 $0x80, s17  }
0x48: {  	s20 =	simm.s32 $0x4;
	s21 =	simm.s32 $0x8;
	s16 =	sor.u32 $0x8000, s16;
	[tilespmem:s18+$0x1830 ss:$0x81] =	vst.msk $0xffff, v6;
	v1 =	vld [tilespmem:s17+$0x30]  }
.LBB1_3:
0x49: {  	p1 =	sne.s32 s21, $0x1FC;
	v5 =	vld [tilespmem:s17+$0xFFFFFFD0];
	[tilespmem:s18+$0x2040 ss:$0x81] =	vst.msk $0xffff, v4  }
0x4a: {  	v6 =	vld [tilespmem:s17+$0xFFFFFFE0];
	[tilespmem:s18+$0x2850 ss:$0x81] =	vst.msk $0xffff, v3  }
0x4b: {  	s22 =	sshra.s32 s20, $0x2;
	s20 =	smov.u32 s21;
	v7 =	vld [tilespmem:s17+$0xFFFFFFF0];
	[tilespmem:s18+$0x3060 ss:$0x81] =	vst.msk $0xffff, v2  }
.Ltmp3:
0x4c: {  	v4 =	vld [tilespmem:s17+$0x0];
	[tilespmem:s18+$0x0 ss:$0x81] =	vst.msk $0xffff, v0;
	s18 =	sadd.s32 s22, s19;
	(pc) =	sbr.rel @p1 .LBB1_3-.Ltmp3, $4  }
0x4d: {  	v3 =	vld [tilespmem:s17+$0x10];
	[tilespmem:s18+$0x3870 ss:$0x81] =	vst.msk $0xffff, v1  }
0x4e: {  	[tilespmem:s18+$0x810 ss:$0x81] =	vst.msk $0xffff, v5;
	v2 =	vld [tilespmem:s17+$0x20]  }
0x4f: {  	v0 =	vld [tilespmem:s17+$0xFFFFFFC0];
	[tilespmem:s18+$0x1020 ss:$0x81] =	vst.msk $0xffff, v6;
	s17 =	sadd.s32 $0x80, s17  }
0x50: {  	s21 =	sadd.s32 $0x4, s21;
	v1 =	vld [tilespmem:s17+$0x30];
	[tilespmem:s18+$0x1830 ss:$0x81] =	vst.msk $0xffff, v7  }
.Ltmp4:
0x51: {  	_ = 	snop;
	(pc) =	sbr.rel .LBB1_4-.Ltmp4, $1  }
0x52: {  	_ =	sdelay $0x3  }
.LBB1_6:
0x53: {  	_ =	sfence.sel $0x180000  }
0x54: {  	s2 =	simm.s32 $0x1;
	[bflag:$0x0] =	sbarrier.arrive $0xFFFF  }
0x55: {  	s31 =	simm.s32 $0x2;
	[sflag:s2] =	ssyncpa.u1 $0x1  }
0x56: {  	[sflag:s31] =	ssyncpa.u1 $0x1  }
0x57: {  	p0 =	sne.s32 s0, $0x0;
	_ =	strace $0x9000004A  }
0x58: {  	s0 =	sadd.s32 @!p0 $0x100000, s1;
	[bflag:$0x2] =	sbarrier.arrive $0xFFFF  }
0x59: {  	[sflag:s0] =	ssyncadd.tile.s32 @!p0 $0x1;
	_ =	shalt  }
.Lfunc_end1:
_tile_overlayer_lowered:
.L_overlay_start_2:
0x5a: {  	(tag) =	ssettag $0x2  }
0x5b: {  	s0 =	rddreg [dreg:$0x0];
	s2 =	stileid.u32  }
0x5c: {  	s1 =	rddreg [dreg:$0x1];
	p0 =	sne.s32 s2, $0x0  }
0x5d: {  	s3 =	rddreg [dreg:$0x2];
	[bflag:$0x3] =	sbarrier.arrive $0xFFFF;
	s2 =	simm.s32 @!p0 $0x1C01  }
0x5e: {  	[timem:s3], [sflag:s2] =	dma.local @!p0 [hbm:s0], s1  }
0x5f: {  	s0 =	simm.s32 @!p0 $0x1  }
0x60: {  	_ =	swait.ge @!p0 [sflag:s0], s1  }
0x61: {  	s1 =	ssub.s32 @!p0 $0x0, s1;
	[sflag:s0] =	ssyncset.done @!p0 $0x0  }
0x62: {  	[sflag:s0] =	ssyncadd.s32 @!p0 s1  }
0x63: {  	[bflag:$0x3] =	sbarrier.arrive $0xFFFF  }
0x64: {  	_ =	shalt  }

</sc_bundles>
